<compile_context>
chip_gen: v7x
topology: tpu7x:2x2x1
jax: 0.10.2.dev20260603
libtpu: 0.0.44.dev20260713+nightly
codegen_flags: <defaults>
</compile_context>

<pallas_src>
import functools

import jax
import jax.numpy as jnp
from jax import lax
from jax.experimental import pallas as pl
from jax.experimental.pallas import tpu as pltpu
from jax.experimental.pallas import tpu_sc as plsc

_B, _H, _N_FROM, _C = 4, 8, 2562, 256
_TARGET = 10242
_ROWS = _B * _H * _TARGET
_XROWS = _B * _H * _N_FROM
_K = 64
_NCHUNK = _ROWS // _K
_NC, _NS = 2, 16
_NW = _NC * _NS
_RING = _NCHUNK // _NW
_LANES = 16


@functools.partial(
    pl.kernel,
    mesh=plsc.VectorSubcoreMesh(core_axis_name="c", subcore_axis_name="s"),
    out_type=jax.ShapeDtypeStruct((_ROWS, _C), jnp.float32),
    scratch_types=[
        pltpu.VMEM((2 * _K,), jnp.int32),
        pltpu.VMEM((2 * _K,), jnp.int32),
        pltpu.VMEM((2 * _K, _C), jnp.float32),
        pltpu.VMEM((2 * _K, _C), jnp.float32),
        pltpu.VMEM((_K, _C), jnp.float32),
        pltpu.VMEM((_K, _C), jnp.float32),
        pltpu.SemaphoreType.DMA,
        pltpu.SemaphoreType.DMA,
        pltpu.SemaphoreType.DMA,
        pltpu.SemaphoreType.DMA,
        pltpu.SemaphoreType.DMA,
        pltpu.SemaphoreType.DMA,
        pltpu.SemaphoreType.DMA,
        pltpu.SemaphoreType.DMA,
    ],
)
def _unpool(x_hbm, i01_hbm, out_hbm,
            idx_v0, idx_v1, r_v0, r_v1, o_v0, o_v1,
            sg0, sg1, so0, so1, si0, si1, sh0, sh1):
    wid = lax.axis_index("s") * _NC + lax.axis_index("c")
    idx_v = (idx_v0, idx_v1)
    r_v = (r_v0, r_v1)
    o_v = (o_v0, o_v1)
    sg = (sg0, sg1)
    so = (so0, so1)
    si = (si0, si1)
    sh = (sh0, sh1)

    def wait_out(slot):
        pltpu.make_async_copy(
            o_v[slot], out_hbm.at[pl.ds(0, _K)], so[slot]
        ).wait()

    def compute(slot, is_copy):
        @pl.when(is_copy)
        def _():
            def mv_body(j, cc):
                for col in range(_C // _LANES):
                    s = pl.ds(col * _LANES, _LANES)
                    o_v[slot][j, s] = r_v[slot][j, s]
                return cc

            lax.fori_loop(0, _K, mv_body, 0, unroll=False)

        @pl.when(jnp.logical_not(is_copy))
        def _():
            def row_body(j, cc):
                for col in range(_C // _LANES):
                    s = pl.ds(col * _LANES, _LANES)
                    o_v[slot][j, s] = (
                        r_v[slot][j, s] + r_v[slot][_K + j, s]
                    ) * jnp.float32(0.5)
                return cc

            lax.fori_loop(0, _K, row_body, 0, unroll=False)

    def idx_slice(c):
        return i01_hbm.at[pl.ds(c * 2 * _K, 2 * _K)]

    def chunk_is_copy(c):
        r = (c * _K) % _TARGET
        return r <= _N_FROM - _K

    def issue_idx(c, slot):
        pltpu.async_copy(idx_slice(c), idx_v[slot], si[slot])

    def wait_idx(slot):
        pltpu.make_async_copy(idx_slice(0), idx_v[slot], si[slot]).wait()

    def issue_gather(c, slot):
        is_copy = chunk_is_copy(c)

        @pl.when(is_copy)
        def _():
            pltpu.async_copy(
                x_hbm.at[idx_v[slot].at[pl.ds(0, _K)]],
                r_v[slot].at[pl.ds(0, _K)],
                sg[slot],
            )

        @pl.when(jnp.logical_not(is_copy))
        def _():
            pltpu.async_copy(
                x_hbm.at[idx_v[slot].at[pl.ds(0, _K)]],
                r_v[slot].at[pl.ds(0, _K)],
                sg[slot],
            )
            pltpu.async_copy(
                x_hbm.at[idx_v[slot].at[pl.ds(_K, _K)]],
                r_v[slot].at[pl.ds(_K, _K)],
                sh[slot],
            )

    def wait_fetch(c, slot):
        is_copy = chunk_is_copy(c)

        @pl.when(is_copy)
        def _():
            pltpu.make_async_copy(
                x_hbm.at[idx_v[slot].at[pl.ds(0, _K)]],
                r_v[slot].at[pl.ds(0, _K)],
                sg[slot],
            ).wait()

        @pl.when(jnp.logical_not(is_copy))
        def _():
            pltpu.make_async_copy(
                x_hbm.at[idx_v[slot].at[pl.ds(0, _K)]],
                r_v[slot].at[pl.ds(0, _K)],
                sg[slot],
            ).wait()
            pltpu.make_async_copy(
                x_hbm.at[idx_v[slot].at[pl.ds(_K, _K)]],
                r_v[slot].at[pl.ds(_K, _K)],
                sh[slot],
            ).wait()

    pltpu.sync_copy(idx_slice(wid), idx_v0)
    issue_gather(wid, 0)
    issue_idx(_NW + wid, 1)

    def one_iter(k, p, q):
        c = k * _NW + wid

        @pl.when(k + 1 < _RING)
        def _():
            wait_idx(q)
            issue_gather((k + 1) * _NW + wid, q)

        wait_fetch(c, p)

        @pl.when(k + 2 < _RING)
        def _():
            issue_idx((k + 2) * _NW + wid, p)

        @pl.when(k >= 2)
        def _():
            wait_out(p)

        compute(p, chunk_is_copy(c))
        pltpu.async_copy(o_v[p], out_hbm.at[pl.ds(c * _K, _K)], so[p])

    def pair_body(t, carry):
        one_iter(t * 2, 0, 1)
        one_iter(t * 2 + 1, 1, 0)
        return carry

    lax.fori_loop(0, _RING // 2, pair_body, 0, unroll=False)
    wait_out(0)
    wait_out(1)

    @pl.when(wid == 0)
    def _():
        c = _RING * _NW
        pltpu.sync_copy(idx_slice(c), idx_v0)
        issue_gather(c, 0)
        wait_fetch(c, 0)
        compute(0, chunk_is_copy(c))
        pltpu.sync_copy(o_v0, out_hbm.at[pl.ds(c * _K, _K)])


def kernel(x, upsample_indices):
    up = upsample_indices.astype(jnp.int32)
    x_flat = x.transpose(0, 2, 1, 3).reshape(_XROWS, _C)
    rows = jnp.arange(_N_FROM, dtype=jnp.int32)
    pair = jnp.concatenate([jnp.stack([rows, rows], axis=1), up], axis=0)
    bh = jnp.arange(_B * _H, dtype=jnp.int32)
    off = (bh // _H) * (_N_FROM * _H) + (bh % _H)
    gid = pair[None, :, :] * _H + off[:, None, None]
    i0 = gid[:, :, 0].reshape(_NCHUNK, _K)
    i1 = gid[:, :, 1].reshape(_NCHUNK, _K)
    i01 = jnp.concatenate([i0, i1], axis=1).reshape(-1)
    out = _unpool(x_flat, i01)
    return out.reshape(_B, _H * _TARGET, _C)

# --- scband reference (transcript-rebuilt; emitter-appended) ---
"""Pipeline reference for scband-hex-unpool-5299989643696 (READ-ONLY COPY).

The authoritative reference and input builder live on the scoring server;
editing this copy changes nothing except your own understanding.
"""

import jax, jax.numpy as jnp
import numpy as np

B, H, N_FROM, C = 4, 8, 2562, 256
TARGET_SIZE = 10242
M_NEW = TARGET_SIZE - N_FROM  # 7680


def setup_inputs(seed: int = 0) -> dict:
    key = jax.random.key(seed)
    k1, k2 = jax.random.split(key)
    x = jax.random.normal(k1, (B, H, N_FROM, C), dtype=jnp.float32)
    upsample_indices = jax.random.randint(k2, (M_NEW, 2), 0, N_FROM, dtype=jnp.int64 if jax.config.jax_enable_x64 else jnp.int32)
    return {"x": x, "upsample_indices": upsample_indices}


def reference(x, upsample_indices):
    # Faithful translation of HexUnpool.forward (device arg omitted; jax manages placement)
    B_, H_, N_from, C_ = x.shape
    target_size = N_from + upsample_indices.shape[0]
    # new_x[:, :, :N_from, :] = x ; new_x[:, :, N_from:, :] = mean-gathered upsample
    upsampled = x[:, :, upsample_indices, :].mean(axis=3)  # [B, H, M_new, C]
    new_x = jnp.concatenate([x, upsampled], axis=2)  # equivalent to zeros + slice assignment
    new_x = new_x.reshape(B_, H_ * target_size, C_)
    return new_x

if __name__ == "__main__":
    import jax
    _d = setup_inputs()
    print(jax.jit(kernel)(*tuple(_d.values())))

</pallas_src>

<mosaic_0001>
#map = affine_map<(d0, d1) -> (0, 0)>
#map1 = affine_map<(d0, d1) -> (0)>
module attributes {stable_mosaic.version = 14 : i64} {
  func.func @_unpool(%arg0: i32, %arg1: i32, %arg2: memref<81984x256xf32, #tpu.memory_space<hbm>>, %arg3: memref<655488xi32, #tpu.memory_space<hbm>>, %arg4: memref<327744x256xf32, #tpu.memory_space<hbm>>, %arg5: memref<128xi32, #tpu.memory_space<vmem>>, %arg6: memref<128xi32, #tpu.memory_space<vmem>>, %arg7: memref<128x256xf32, #tpu.memory_space<vmem>>, %arg8: memref<128x256xf32, #tpu.memory_space<vmem>>, %arg9: memref<64x256xf32, #tpu.memory_space<vmem>>, %arg10: memref<64x256xf32, #tpu.memory_space<vmem>>, %arg11: memref<!tpu.dma_semaphore, #tpu.memory_space<semaphore_mem>>, %arg12: memref<!tpu.dma_semaphore, #tpu.memory_space<semaphore_mem>>, %arg13: memref<!tpu.dma_semaphore, #tpu.memory_space<semaphore_mem>>, %arg14: memref<!tpu.dma_semaphore, #tpu.memory_space<semaphore_mem>>, %arg15: memref<!tpu.dma_semaphore, #tpu.memory_space<semaphore_mem>>, %arg16: memref<!tpu.dma_semaphore, #tpu.memory_space<semaphore_mem>>, %arg17: memref<!tpu.dma_semaphore, #tpu.memory_space<semaphore_mem>>, %arg18: memref<!tpu.dma_semaphore, #tpu.memory_space<semaphore_mem>>) attributes {dimension_semantics = [#tpu.dimension_semantics<core_parallel>, #tpu.dimension_semantics<subcore_parallel>], iteration_bounds = array<i64: 2, 16>, scalar_prefetch = 0 : i64, scratch_operands = 14 : i64, tpu.core_type = #tpu.core_type<sc_vector_subcore>, window_params = [{transform_indices = #map}, {transform_indices = #map1}, {transform_indices = #map}]} {
    %mul3A = arith.constant 2 : i32
    %mul3A_0 = arith.muli %arg1, %mul3A : i32
    %add3A = arith.addi %mul3A_0, %arg0 : i32
    %mul3A_1 = arith.constant 2 : i32
    %mul3A_2 = arith.muli %add3A, %mul3A_1 : i32
    %mul3A_3 = arith.constant 64 : i32
    %mul3A_4 = arith.muli %mul3A_2, %mul3A_3 : i32
    "tpu.region"() ({
      %run_scoped3A = tpu.sem_alloc : memref<!tpu.dma_semaphore, #tpu.memory_space<semaphore_mem>>
      %dma_start3A_50 = tpu.memref_slice %arg3[%mul3A_4] : memref<655488xi32, #tpu.memory_space<hbm>> -> memref<128xi32, #tpu.memory_space<hbm>>
      %dma_start3A_51 = tpu.memref_slice %arg3[%mul3A_4] : memref<655488xi32, #tpu.memory_space<hbm>> -> memref<128xi32, #tpu.memory_space<hbm>>
      tpu.enqueue_dma source(%dma_start3A_51 : memref<128xi32, #tpu.memory_space<hbm>>) target(%arg5 : memref<128xi32, #tpu.memory_space<vmem>>) target_semaphore(%run_scoped3A : memref<!tpu.dma_semaphore, #tpu.memory_space<semaphore_mem>>)
      %dma_wait3A_52 = tpu.memref_slice %arg3[%mul3A_4] : memref<655488xi32, #tpu.memory_space<hbm>> -> memref<128xi32, #tpu.memory_space<hbm>>
      %dma_wait3A_53 = tpu.memref_slice %arg3[%mul3A_4] : memref<655488xi32, #tpu.memory_space<hbm>> -> memref<128xi32, #tpu.memory_space<hbm>>
      tpu.wait_dma2 semaphore(%run_scoped3A : memref<!tpu.dma_semaphore, #tpu.memory_space<semaphore_mem>>) src(%dma_wait3A_53 : memref<128xi32, #tpu.memory_space<hbm>>) dst(%arg5 : memref<128xi32, #tpu.memory_space<vmem>>)
      tpu.yield
    }) : () -> ()
    %mul3A_5 = arith.constant 64 : i32
    %mul3A_6 = arith.muli %add3A, %mul3A_5 : i32
    %jit3A = arith.constant 10242 : i32
    %eq3A = arith.constant 0 : i32
    %eq3A_7 = arith.cmpi eq, %jit3A, %eq3A : i32
    %jit3A_8 = arith.constant 1 : i32
    %select_n3A = arith.select %eq3A_7, %jit3A_8, %jit3A : i32
    %rem3A = arith.remsi %mul3A_6, %select_n3A : i32
    %ne3A = arith.constant 0 : i32
    %ne3A_9 = arith.cmpi ne, %rem3A, %ne3A : i32
    %lt3A = arith.constant 0 : i32
    %lt3A_10 = arith.cmpi slt, %rem3A, %lt3A : i32
    %lt3A_11 = arith.constant 0 : i32
    %lt3A_12 = arith.cmpi slt, %select_n3A, %lt3A_11 : i32
    %ne3A_13 = arith.xori %lt3A_10, %lt3A_12 : i1
    %and3A = arith.andi %ne3A_13, %ne3A_9 : i1
    %add3A_14 = arith.addi %rem3A, %select_n3A : i32
    %select_n3A_15 = arith.select %and3A, %add3A_14, %rem3A : i32
    %le3A = arith.constant 2498 : i32
    %le3A_16 = arith.cmpi sle, %select_n3A_15, %le3A : i32
    %convert_element_type3A = arith.extui %le3A_16 : i1 to i32
    %cond3A = arith.constant 0 : i32
    %cond3A_17 = arith.cmpi ne, %convert_element_type3A, %cond3A : i32
    scf.if %cond3A_17 {
      %dma_start3A_50 = arith.constant 0 : i32
      %dma_start3A_51 = arith.constant 0 : i32
      %dma_start3A_52 = tpu.memref_slice %arg7[%dma_start3A_50, %dma_start3A_51] : memref<128x256xf32, #tpu.memory_space<vmem>> -> memref<64x256xf32, #tpu.memory_space<vmem>>
      %dma_start3A_53 = arith.constant 0 : i32
      %dma_start3A_54 = tpu.memref_slice %arg5[%dma_start3A_53] : memref<128xi32, #tpu.memory_space<vmem>> -> memref<64xi32, #tpu.memory_space<vmem>>
      %dma_start3A_55 = arith.constant 0 : i32
      %dma_start3A_56 = arith.constant 0 : i32
      %dma_start3A_57 = tpu.memref_slice %arg2[%dma_start3A_55, %dma_start3A_56] : memref<81984x256xf32, #tpu.memory_space<hbm>> -> memref<81984x256xf32, #tpu.memory_space<hbm>>
      tpu.enqueue_indirect_dma source(%dma_start3A_57 : memref<81984x256xf32, #tpu.memory_space<hbm>>) target(%dma_start3A_52 : memref<64x256xf32, #tpu.memory_space<vmem>>) offsets(%dma_start3A_54 : memref<64xi32, #tpu.memory_space<vmem>>) semaphore(%arg11 : memref<!tpu.dma_semaphore, #tpu.memory_space<semaphore_mem>>)
    } else {
    }
    %not3A = arith.constant true
    %not3A_18 = arith.xori %le3A_16, %not3A : i1
    %convert_element_type3A_19 = arith.extui %not3A_18 : i1 to i32
    %cond3A_20 = arith.constant 0 : i32
    %cond3A_21 = arith.cmpi ne, %convert_element_type3A_19, %cond3A_20 : i32
    scf.if %cond3A_21 {
      %dma_start3A_50 = arith.constant 0 : i32
      %dma_start3A_51 = arith.constant 0 : i32
      %dma_start3A_52 = tpu.memref_slice %arg7[%dma_start3A_50, %dma_start3A_51] : memref<128x256xf32, #tpu.memory_space<vmem>> -> memref<64x256xf32, #tpu.memory_space<vmem>>
      %dma_start3A_53 = arith.constant 0 : i32
      %dma_start3A_54 = tpu.memref_slice %arg5[%dma_start3A_53] : memref<128xi32, #tpu.memory_space<vmem>> -> memref<64xi32, #tpu.memory_space<vmem>>
      %dma_start3A_55 = arith.constant 0 : i32
      %dma_start3A_56 = arith.constant 0 : i32
      %dma_start3A_57 = tpu.memref_slice %arg2[%dma_start3A_55, %dma_start3A_56] : memref<81984x256xf32, #tpu.memory_space<hbm>> -> memref<81984x256xf32, #tpu.memory_space<hbm>>
      tpu.enqueue_indirect_dma source(%dma_start3A_57 : memref<81984x256xf32, #tpu.memory_space<hbm>>) target(%dma_start3A_52 : memref<64x256xf32, #tpu.memory_space<vmem>>) offsets(%dma_start3A_54 : memref<64xi32, #tpu.memory_space<vmem>>) semaphore(%arg11 : memref<!tpu.dma_semaphore, #tpu.memory_space<semaphore_mem>>)
      %dma_start3A_58 = arith.constant 64 : i32
      %dma_start3A_59 = arith.constant 0 : i32
      %dma_start3A_60 = tpu.memref_slice %arg7[%dma_start3A_58, %dma_start3A_59] : memref<128x256xf32, #tpu.memory_space<vmem>> -> memref<64x256xf32, #tpu.memory_space<vmem>>
      %dma_start3A_61 = arith.constant 64 : i32
      %dma_start3A_62 = tpu.memref_slice %arg5[%dma_start3A_61] : memref<128xi32, #tpu.memory_space<vmem>> -> memref<64xi32, #tpu.memory_space<vmem>>
      %dma_start3A_63 = arith.constant 0 : i32
      %dma_start3A_64 = arith.constant 0 : i32
      %dma_start3A_65 = tpu.memref_slice %arg2[%dma_start3A_63, %dma_start3A_64] : memref<81984x256xf32, #tpu.memory_space<hbm>> -> memref<81984x256xf32, #tpu.memory_space<hbm>>
      tpu.enqueue_indirect_dma source(%dma_start3A_65 : memref<81984x256xf32, #tpu.memory_space<hbm>>) target(%dma_start3A_60 : memref<64x256xf32, #tpu.memory_space<vmem>>) offsets(%dma_start3A_62 : memref<64xi32, #tpu.memory_space<vmem>>) semaphore(%arg17 : memref<!tpu.dma_semaphore, #tpu.memory_space<semaphore_mem>>)
    } else {
    }
    %add3A_22 = arith.constant 32 : i32
    %add3A_23 = arith.addi %add3A_22, %add3A : i32
    %mul3A_24 = arith.constant 2 : i32
    %mul3A_25 = arith.muli %add3A_23, %mul3A_24 : i32
    %mul3A_26 = arith.constant 64 : i32
    %mul3A_27 = arith.muli %mul3A_25, %mul3A_26 : i32
    %dma_start3A = tpu.memref_slice %arg3[%mul3A_27] : memref<655488xi32, #tpu.memory_space<hbm>> -> memref<128xi32, #tpu.memory_space<hbm>>
    %dma_start3A_28 = tpu.memref_slice %arg3[%mul3A_27] : memref<655488xi32, #tpu.memory_space<hbm>> -> memref<128xi32, #tpu.memory_space<hbm>>
    tpu.enqueue_dma source(%dma_start3A_28 : memref<128xi32, #tpu.memory_space<hbm>>) target(%arg6 : memref<128xi32, #tpu.memory_space<vmem>>) target_semaphore(%arg16 : memref<!tpu.dma_semaphore, #tpu.memory_space<semaphore_mem>>)
    %scan3A = arith.constant 0 : i32
    %scan3A_29 = arith.constant 0 : i32
    %scan3A_30 = arith.constant 80 : i32
    %scan3A_31 = arith.addi %scan3A_29, %scan3A_30 : i32
    %scan3A_32 = arith.constant 1 : i32
    scf.for %scan3A_50 = %scan3A_29 to %scan3A_31 step %scan3A_32  : i32 {
      %mul3A_51 = arith.constant 2 : i32
      %mul3A_52 = arith.muli %scan3A_50, %mul3A_51 : i32
      %mul3A_53 = arith.constant 32 : i32
      %mul3A_54 = arith.muli %mul3A_52, %mul3A_53 : i32
      %add3A_55 = arith.addi %mul3A_54, %add3A : i32
      %add3A_56 = arith.constant 1 : i32
      %add3A_57 = arith.addi %mul3A_52, %add3A_56 : i32
      %lt3A_58 = arith.constant 160 : i32
      %lt3A_59 = arith.cmpi slt, %add3A_57, %lt3A_58 : i32
      %convert_element_type3A_60 = arith.extui %lt3A_59 : i1 to i32
      %cond3A_61 = arith.constant 0 : i32
      %cond3A_62 = arith.cmpi ne, %convert_element_type3A_60, %cond3A_61 : i32
      scf.if %cond3A_62 {
        %dma_wait3A_224 = arith.constant 0 : i32
        %dma_wait3A_225 = tpu.memref_slice %arg3[%dma_wait3A_224] : memref<655488xi32, #tpu.memory_space<hbm>> -> memref<128xi32, #tpu.memory_space<hbm>>
        %dma_wait3A_226 = arith.constant 0 : i32
        %dma_wait3A_227 = tpu.memref_slice %arg3[%dma_wait3A_226] : memref<655488xi32, #tpu.memory_space<hbm>> -> memref<128xi32, #tpu.memory_space<hbm>>
        tpu.wait_dma2 semaphore(%arg16 : memref<!tpu.dma_semaphore, #tpu.memory_space<semaphore_mem>>) src(%dma_wait3A_227 : memref<128xi32, #tpu.memory_space<hbm>>) dst(%arg6 : memref<128xi32, #tpu.memory_space<vmem>>)
        %add3A_228 = arith.constant 1 : i32
        %add3A_229 = arith.addi %mul3A_52, %add3A_228 : i32
        %mul3A_230 = arith.constant 32 : i32
        %mul3A_231 = arith.muli %add3A_229, %mul3A_230 : i32
        %add3A_232 = arith.addi %mul3A_231, %add3A : i32
        %mul3A_233 = arith.constant 64 : i32
        %mul3A_234 = arith.muli %add3A_232, %mul3A_233 : i32
        %jit3A_235 = arith.constant 10242 : i32
        %eq3A_236 = arith.constant 0 : i32
        %eq3A_237 = arith.cmpi eq, %jit3A_235, %eq3A_236 : i32
        %jit3A_238 = arith.constant 1 : i32
        %select_n3A_239 = arith.select %eq3A_237, %jit3A_238, %jit3A_235 : i32
        %rem3A_240 = arith.remsi %mul3A_234, %select_n3A_239 : i32
        %ne3A_241 = arith.constant 0 : i32
        %ne3A_242 = arith.cmpi ne, %rem3A_240, %ne3A_241 : i32
        %lt3A_243 = arith.constant 0 : i32
        %lt3A_244 = arith.cmpi slt, %rem3A_240, %lt3A_243 : i32
        %lt3A_245 = arith.constant 0 : i32
        %lt3A_246 = arith.cmpi slt, %select_n3A_239, %lt3A_245 : i32
        %ne3A_247 = arith.xori %lt3A_244, %lt3A_246 : i1
        %and3A_248 = arith.andi %ne3A_247, %ne3A_242 : i1
        %add3A_249 = arith.addi %rem3A_240, %select_n3A_239 : i32
        %select_n3A_250 = arith.select %and3A_248, %add3A_249, %rem3A_240 : i32
        %le3A_251 = arith.constant 2498 : i32
        %le3A_252 = arith.cmpi sle, %select_n3A_250, %le3A_251 : i32
        %convert_element_type3A_253 = arith.extui %le3A_252 : i1 to i32
        %cond3A_254 = arith.constant 0 : i32
        %cond3A_255 = arith.cmpi ne, %convert_element_type3A_253, %cond3A_254 : i32
        scf.if %cond3A_255 {
          %dma_start3A_261 = arith.constant 0 : i32
          %dma_start3A_262 = arith.constant 0 : i32
          %dma_start3A_263 = tpu.memref_slice %arg8[%dma_start3A_261, %dma_start3A_262] : memref<128x256xf32, #tpu.memory_space<vmem>> -> memref<64x256xf32, #tpu.memory_space<vmem>>
          %dma_start3A_264 = arith.constant 0 : i32
          %dma_start3A_265 = tpu.memref_slice %arg6[%dma_start3A_264] : memref<128xi32, #tpu.memory_space<vmem>> -> memref<64xi32, #tpu.memory_space<vmem>>
          %dma_start3A_266 = arith.constant 0 : i32
          %dma_start3A_267 = arith.constant 0 : i32
          %dma_start3A_268 = tpu.memref_slice %arg2[%dma_start3A_266, %dma_start3A_267] : memref<81984x256xf32, #tpu.memory_space<hbm>> -> memref<81984x256xf32, #tpu.memory_space<hbm>>
          tpu.enqueue_indirect_dma source(%dma_start3A_268 : memref<81984x256xf32, #tpu.memory_space<hbm>>) target(%dma_start3A_263 : memref<64x256xf32, #tpu.memory_space<vmem>>) offsets(%dma_start3A_265 : memref<64xi32, #tpu.memory_space<vmem>>) semaphore(%arg12 : memref<!tpu.dma_semaphore, #tpu.memory_space<semaphore_mem>>)
        } else {
        }
        %not3A_256 = arith.constant true
        %not3A_257 = arith.xori %le3A_252, %not3A_256 : i1
        %convert_element_type3A_258 = arith.extui %not3A_257 : i1 to i32
        %cond3A_259 = arith.constant 0 : i32
        %cond3A_260 = arith.cmpi ne, %convert_element_type3A_258, %cond3A_259 : i32
        scf.if %cond3A_260 {
          %dma_start3A_261 = arith.constant 0 : i32
          %dma_start3A_262 = arith.constant 0 : i32
          %dma_start3A_263 = tpu.memref_slice %arg8[%dma_start3A_261, %dma_start3A_262] : memref<128x256xf32, #tpu.memory_space<vmem>> -> memref<64x256xf32, #tpu.memory_space<vmem>>
          %dma_start3A_264 = arith.constant 0 : i32
          %dma_start3A_265 = tpu.memref_slice %arg6[%dma_start3A_264] : memref<128xi32, #tpu.memory_space<vmem>> -> memref<64xi32, #tpu.memory_space<vmem>>
          %dma_start3A_266 = arith.constant 0 : i32
          %dma_start3A_267 = arith.constant 0 : i32
          %dma_start3A_268 = tpu.memref_slice %arg2[%dma_start3A_266, %dma_start3A_267] : memref<81984x256xf32, #tpu.memory_space<hbm>> -> memref<81984x256xf32, #tpu.memory_space<hbm>>
          tpu.enqueue_indirect_dma source(%dma_start3A_268 : memref<81984x256xf32, #tpu.memory_space<hbm>>) target(%dma_start3A_263 : memref<64x256xf32, #tpu.memory_space<vmem>>) offsets(%dma_start3A_265 : memref<64xi32, #tpu.memory_space<vmem>>) semaphore(%arg12 : memref<!tpu.dma_semaphore, #tpu.memory_space<semaphore_mem>>)
          %dma_start3A_269 = arith.constant 64 : i32
          %dma_start3A_270 = arith.constant 0 : i32
          %dma_start3A_271 = tpu.memref_slice %arg8[%dma_start3A_269, %dma_start3A_270] : memref<128x256xf32, #tpu.memory_space<vmem>> -> memref<64x256xf32, #tpu.memory_space<vmem>>
          %dma_start3A_272 = arith.constant 64 : i32
          %dma_start3A_273 = tpu.memref_slice %arg6[%dma_start3A_272] : memref<128xi32, #tpu.memory_space<vmem>> -> memref<64xi32, #tpu.memory_space<vmem>>
          %dma_start3A_274 = arith.constant 0 : i32
          %dma_start3A_275 = arith.constant 0 : i32
          %dma_start3A_276 = tpu.memref_slice %arg2[%dma_start3A_274, %dma_start3A_275] : memref<81984x256xf32, #tpu.memory_space<hbm>> -> memref<81984x256xf32, #tpu.memory_space<hbm>>
          tpu.enqueue_indirect_dma source(%dma_start3A_276 : memref<81984x256xf32, #tpu.memory_space<hbm>>) target(%dma_start3A_271 : memref<64x256xf32, #tpu.memory_space<vmem>>) offsets(%dma_start3A_273 : memref<64xi32, #tpu.memory_space<vmem>>) semaphore(%arg18 : memref<!tpu.dma_semaphore, #tpu.memory_space<semaphore_mem>>)
        } else {
        }
      } else {
      }
      %mul3A_63 = arith.constant 64 : i32
      %mul3A_64 = arith.muli %add3A_55, %mul3A_63 : i32
      %jit3A_65 = arith.constant 10242 : i32
      %eq3A_66 = arith.constant 0 : i32
      %eq3A_67 = arith.cmpi eq, %jit3A_65, %eq3A_66 : i32
      %jit3A_68 = arith.constant 1 : i32
      %select_n3A_69 = arith.select %eq3A_67, %jit3A_68, %jit3A_65 : i32
      %rem3A_70 = arith.remsi %mul3A_64, %select_n3A_69 : i32
      %ne3A_71 = arith.constant 0 : i32
      %ne3A_72 = arith.cmpi ne, %rem3A_70, %ne3A_71 : i32
      %lt3A_73 = arith.constant 0 : i32
      %lt3A_74 = arith.cmpi slt, %rem3A_70, %lt3A_73 : i32
      %lt3A_75 = arith.constant 0 : i32
      %lt3A_76 = arith.cmpi slt, %select_n3A_69, %lt3A_75 : i32
      %ne3A_77 = arith.xori %lt3A_74, %lt3A_76 : i1
      %and3A_78 = arith.andi %ne3A_77, %ne3A_72 : i1
      %add3A_79 = arith.addi %rem3A_70, %select_n3A_69 : i32
      %select_n3A_80 = arith.select %and3A_78, %add3A_79, %rem3A_70 : i32
      %le3A_81 = arith.constant 2498 : i32
      %le3A_82 = arith.cmpi sle, %select_n3A_80, %le3A_81 : i32
      %convert_element_type3A_83 = arith.extui %le3A_82 : i1 to i32
      %cond3A_84 = arith.constant 0 : i32
      %cond3A_85 = arith.cmpi ne, %convert_element_type3A_83, %cond3A_84 : i32
      scf.if %cond3A_85 {
        %dma_wait3A_224 = arith.constant 0 : i32
        %dma_wait3A_225 = arith.constant 0 : i32
        %dma_wait3A_226 = tpu.memref_slice %arg7[%dma_wait3A_224, %dma_wait3A_225] : memref<128x256xf32, #tpu.memory_space<vmem>> -> memref<64x256xf32, #tpu.memory_space<vmem>>
        %dma_wait3A_227 = arith.constant 0 : i32
        %dma_wait3A_228 = tpu.memref_slice %arg5[%dma_wait3A_227] : memref<128xi32, #tpu.memory_space<vmem>> -> memref<64xi32, #tpu.memory_space<vmem>>
        %dma_wait3A_229 = arith.constant 0 : i32
        %dma_wait3A_230 = arith.constant 0 : i32
        %dma_wait3A_231 = tpu.memref_slice %arg2[%dma_wait3A_229, %dma_wait3A_230] : memref<81984x256xf32, #tpu.memory_space<hbm>> -> memref<81984x256xf32, #tpu.memory_space<hbm>>
        tpu.wait_indirect_dma semaphore(%arg11 : memref<!tpu.dma_semaphore, #tpu.memory_space<semaphore_mem>>) src(%dma_wait3A_231 : memref<81984x256xf32, #tpu.memory_space<hbm>>) dst(%dma_wait3A_226 : memref<64x256xf32, #tpu.memory_space<vmem>>)
      } else {
      }
      %not3A_86 = arith.constant true
      %not3A_87 = arith.xori %le3A_82, %not3A_86 : i1
      %convert_element_type3A_88 = arith.extui %not3A_87 : i1 to i32
      %cond3A_89 = arith.constant 0 : i32
      %cond3A_90 = arith.cmpi ne, %convert_element_type3A_88, %cond3A_89 : i32
      scf.if %cond3A_90 {
        %dma_wait3A_224 = arith.constant 0 : i32
        %dma_wait3A_225 = arith.constant 0 : i32
        %dma_wait3A_226 = tpu.memref_slice %arg7[%dma_wait3A_224, %dma_wait3A_225] : memref<128x256xf32, #tpu.memory_space<vmem>> -> memref<64x256xf32, #tpu.memory_space<vmem>>
        %dma_wait3A_227 = arith.constant 0 : i32
        %dma_wait3A_228 = tpu.memref_slice %arg5[%dma_wait3A_227] : memref<128xi32, #tpu.memory_space<vmem>> -> memref<64xi32, #tpu.memory_space<vmem>>
        %dma_wait3A_229 = arith.constant 0 : i32
        %dma_wait3A_230 = arith.constant 0 : i32
        %dma_wait3A_231 = tpu.memref_slice %arg2[%dma_wait3A_229, %dma_wait3A_230] : memref<81984x256xf32, #tpu.memory_space<hbm>> -> memref<81984x256xf32, #tpu.memory_space<hbm>>
        tpu.wait_indirect_dma semaphore(%arg11 : memref<!tpu.dma_semaphore, #tpu.memory_space<semaphore_mem>>) src(%dma_wait3A_231 : memref<81984x256xf32, #tpu.memory_space<hbm>>) dst(%dma_wait3A_226 : memref<64x256xf32, #tpu.memory_space<vmem>>)
        %dma_wait3A_232 = arith.constant 64 : i32
        %dma_wait3A_233 = arith.constant 0 : i32
        %dma_wait3A_234 = tpu.memref_slice %arg7[%dma_wait3A_232, %dma_wait3A_233] : memref<128x256xf32, #tpu.memory_space<vmem>> -> memref<64x256xf32, #tpu.memory_space<vmem>>
        %dma_wait3A_235 = arith.constant 64 : i32
        %dma_wait3A_236 = tpu.memref_slice %arg5[%dma_wait3A_235] : memref<128xi32, #tpu.memory_space<vmem>> -> memref<64xi32, #tpu.memory_space<vmem>>
        %dma_wait3A_237 = arith.constant 0 : i32
        %dma_wait3A_238 = arith.constant 0 : i32
        %dma_wait3A_239 = tpu.memref_slice %arg2[%dma_wait3A_237, %dma_wait3A_238] : memref<81984x256xf32, #tpu.memory_space<hbm>> -> memref<81984x256xf32, #tpu.memory_space<hbm>>
        tpu.wait_indirect_dma semaphore(%arg17 : memref<!tpu.dma_semaphore, #tpu.memory_space<semaphore_mem>>) src(%dma_wait3A_239 : memref<81984x256xf32, #tpu.memory_space<hbm>>) dst(%dma_wait3A_234 : memref<64x256xf32, #tpu.memory_space<vmem>>)
      } else {
      }
      %add3A_91 = arith.constant 2 : i32
      %add3A_92 = arith.addi %mul3A_52, %add3A_91 : i32
      %lt3A_93 = arith.constant 160 : i32
      %lt3A_94 = arith.cmpi slt, %add3A_92, %lt3A_93 : i32
      %convert_element_type3A_95 = arith.extui %lt3A_94 : i1 to i32
      %cond3A_96 = arith.constant 0 : i32
      %cond3A_97 = arith.cmpi ne, %convert_element_type3A_95, %cond3A_96 : i32
      scf.if %cond3A_97 {
        %add3A_224 = arith.constant 2 : i32
        %add3A_225 = arith.addi %mul3A_52, %add3A_224 : i32
        %mul3A_226 = arith.constant 32 : i32
        %mul3A_227 = arith.muli %add3A_225, %mul3A_226 : i32
        %add3A_228 = arith.addi %mul3A_227, %add3A : i32
        %mul3A_229 = arith.constant 2 : i32
        %mul3A_230 = arith.muli %add3A_228, %mul3A_229 : i32
        %mul3A_231 = arith.constant 64 : i32
        %mul3A_232 = arith.muli %mul3A_230, %mul3A_231 : i32
        %dma_start3A_233 = tpu.memref_slice %arg3[%mul3A_232] : memref<655488xi32, #tpu.memory_space<hbm>> -> memref<128xi32, #tpu.memory_space<hbm>>
        %dma_start3A_234 = tpu.memref_slice %arg3[%mul3A_232] : memref<655488xi32, #tpu.memory_space<hbm>> -> memref<128xi32, #tpu.memory_space<hbm>>
        tpu.enqueue_dma source(%dma_start3A_234 : memref<128xi32, #tpu.memory_space<hbm>>) target(%arg5 : memref<128xi32, #tpu.memory_space<vmem>>) target_semaphore(%arg15 : memref<!tpu.dma_semaphore, #tpu.memory_space<semaphore_mem>>)
      } else {
      }
      %ge3A = arith.constant 2 : i32
      %ge3A_98 = arith.cmpi sge, %mul3A_52, %ge3A : i32
      %convert_element_type3A_99 = arith.extui %ge3A_98 : i1 to i32
      %cond3A_100 = arith.constant 0 : i32
      %cond3A_101 = arith.cmpi ne, %convert_element_type3A_99, %cond3A_100 : i32
      scf.if %cond3A_101 {
        %dma_wait3A_224 = arith.constant 0 : i32
        %dma_wait3A_225 = arith.constant 0 : i32
        %dma_wait3A_226 = tpu.memref_slice %arg4[%dma_wait3A_224, %dma_wait3A_225] : memref<327744x256xf32, #tpu.memory_space<hbm>> -> memref<64x256xf32, #tpu.memory_space<hbm>>
        %dma_wait3A_227 = arith.constant 0 : i32
        %dma_wait3A_228 = arith.constant 0 : i32
        %dma_wait3A_229 = tpu.memref_slice %arg4[%dma_wait3A_227, %dma_wait3A_228] : memref<327744x256xf32, #tpu.memory_space<hbm>> -> memref<64x256xf32, #tpu.memory_space<hbm>>
        tpu.wait_dma2 semaphore(%arg13 : memref<!tpu.dma_semaphore, #tpu.memory_space<semaphore_mem>>) src(%arg9 : memref<64x256xf32, #tpu.memory_space<vmem>>) dst(%dma_wait3A_229 : memref<64x256xf32, #tpu.memory_space<hbm>>)
      } else {
      }
      %mul3A_102 = arith.constant 64 : i32
      %mul3A_103 = arith.muli %add3A_55, %mul3A_102 : i32
      %jit3A_104 = arith.constant 10242 : i32
      %eq3A_105 = arith.constant 0 : i32
      %eq3A_106 = arith.cmpi eq, %jit3A_104, %eq3A_105 : i32
      %jit3A_107 = arith.constant 1 : i32
      %select_n3A_108 = arith.select %eq3A_106, %jit3A_107, %jit3A_104 : i32
      %rem3A_109 = arith.remsi %mul3A_103, %select_n3A_108 : i32
      %ne3A_110 = arith.constant 0 : i32
      %ne3A_111 = arith.cmpi ne, %rem3A_109, %ne3A_110 : i32
      %lt3A_112 = arith.constant 0 : i32
      %lt3A_113 = arith.cmpi slt, %rem3A_109, %lt3A_112 : i32
      %lt3A_114 = arith.constant 0 : i32
      %lt3A_115 = arith.cmpi slt, %select_n3A_108, %lt3A_114 : i32
      %ne3A_116 = arith.xori %lt3A_113, %lt3A_115 : i1
      %and3A_117 = arith.andi %ne3A_116, %ne3A_111 : i1
      %add3A_118 = arith.addi %rem3A_109, %select_n3A_108 : i32
      %select_n3A_119 = arith.select %and3A_117, %add3A_118, %rem3A_109 : i32
      %le3A_120 = arith.constant 2498 : i32
      %le3A_121 = arith.cmpi sle, %select_n3A_119, %le3A_120 : i32
      %convert_element_type3A_122 = arith.extui %le3A_121 : i1 to i32
      %cond3A_123 = arith.constant 0 : i32
      %cond3A_124 = arith.cmpi ne, %convert_element_type3A_122, %cond3A_123 : i32
      scf.if %cond3A_124 {
        %scan3A_224 = arith.constant 0 : i32
        %scan3A_225 = arith.constant 0 : i32
        %scan3A_226 = arith.constant 64 : i32
        %scan3A_227 = arith.addi %scan3A_225, %scan3A_226 : i32
        %scan3A_228 = arith.constant 1 : i32
        scf.for %scan3A_230 = %scan3A_225 to %scan3A_227 step %scan3A_228  : i32 {
          %get3A = arith.index_cast %scan3A_230 : i32 to index
          %get3A_231 = arith.constant 0 : index
          %get3A_232 = tpu.vector_load %arg7[%get3A, %get3A_231] {strides = array<i32>} : memref<128x256xf32, #tpu.memory_space<vmem>>, vector<1x16xf32>,
          %get3A_233 = vector.shape_cast %get3A_232 : vector<1x16xf32> to vector<16xf32>
          %swap3A = arith.index_cast %scan3A_230 : i32 to index
          %swap3A_234 = arith.constant 0 : index
          %swap3A_235 = tpu.vector_load %arg9[%swap3A, %swap3A_234] {strides = array<i32>} : memref<64x256xf32, #tpu.memory_space<vmem>>, vector<1x16xf32>,
          %swap3A_236 = vector.shape_cast %swap3A_235 : vector<1x16xf32> to vector<16xf32>
          %swap3A_237 = vector.shape_cast %get3A_233 : vector<16xf32> to vector<1x16xf32>
          tpu.vector_store %arg9[%swap3A, %swap3A_234], %swap3A_237 {strides = array<i32>} : memref<64x256xf32, #tpu.memory_space<vmem>>, vector<1x16xf32>,
          %get3A_238 = arith.index_cast %scan3A_230 : i32 to index
          %get3A_239 = arith.constant 16 : index
          %get3A_240 = tpu.vector_load %arg7[%get3A_238, %get3A_239] {strides = array<i32>} : memref<128x256xf32, #tpu.memory_space<vmem>>, vector<1x16xf32>,
          %get3A_241 = vector.shape_cast %get3A_240 : vector<1x16xf32> to vector<16xf32>
          %swap3A_242 = arith.index_cast %scan3A_230 : i32 to index
          %swap3A_243 = arith.constant 16 : index
          %swap3A_244 = tpu.vector_load %arg9[%swap3A_242, %swap3A_243] {strides = array<i32>} : memref<64x256xf32, #tpu.memory_space<vmem>>, vector<1x16xf32>,
          %swap3A_245 = vector.shape_cast %swap3A_244 : vector<1x16xf32> to vector<16xf32>
          %swap3A_246 = vector.shape_cast %get3A_241 : vector<16xf32> to vector<1x16xf32>
          tpu.vector_store %arg9[%swap3A_242, %swap3A_243], %swap3A_246 {strides = array<i32>} : memref<64x256xf32, #tpu.memory_space<vmem>>, vector<1x16xf32>,
          %get3A_247 = arith.index_cast %scan3A_230 : i32 to index
          %get3A_248 = arith.constant 32 : index
          %get3A_249 = tpu.vector_load %arg7[%get3A_247, %get3A_248] {strides = array<i32>} : memref<128x256xf32, #tpu.memory_space<vmem>>, vector<1x16xf32>,
          %get3A_250 = vector.shape_cast %get3A_249 : vector<1x16xf32> to vector<16xf32>
          %swap3A_251 = arith.index_cast %scan3A_230 : i32 to index
          %swap3A_252 = arith.constant 32 : index
          %swap3A_253 = tpu.vector_load %arg9[%swap3A_251, %swap3A_252] {strides = array<i32>} : memref<64x256xf32, #tpu.memory_space<vmem>>, vector<1x16xf32>,
          %swap3A_254 = vector.shape_cast %swap3A_253 : vector<1x16xf32> to vector<16xf32>
          %swap3A_255 = vector.shape_cast %get3A_250 : vector<16xf32> to vector<1x16xf32>
          tpu.vector_store %arg9[%swap3A_251, %swap3A_252], %swap3A_255 {strides = array<i32>} : memref<64x256xf32, #tpu.memory_space<vmem>>, vector<1x16xf32>,
          %get3A_256 = arith.index_cast %scan3A_230 : i32 to index
          %get3A_257 = arith.constant 48 : index
          %get3A_258 = tpu.vector_load %arg7[%get3A_256, %get3A_257] {strides = array<i32>} : memref<128x256xf32, #tpu.memory_space<vmem>>, vector<1x16xf32>,
          %get3A_259 = vector.shape_cast %get3A_258 : vector<1x16xf32> to vector<16xf32>
          %swap3A_260 = arith.index_cast %scan3A_230 : i32 to index
          %swap3A_261 = arith.constant 48 : index
          %swap3A_262 = tpu.vector_load %arg9[%swap3A_260, %swap3A_261] {strides = array<i32>} : memref<64x256xf32, #tpu.memory_space<vmem>>, vector<1x16xf32>,
          %swap3A_263 = vector.shape_cast %swap3A_262 : vector<1x16xf32> to vector<16xf32>
          %swap3A_264 = vector.shape_cast %get3A_259 : vector<16xf32> to vector<1x16xf32>
          tpu.vector_store %arg9[%swap3A_260, %swap3A_261], %swap3A_264 {strides = array<i32>} : memref<64x256xf32, #tpu.memory_space<vmem>>, vector<1x16xf32>,
          %get3A_265 = arith.index_cast %scan3A_230 : i32 to index
          %get3A_266 = arith.constant 64 : index
          %get3A_267 = tpu.vector_load %arg7[%get3A_265, %get3A_266] {strides = array<i32>} : memref<128x256xf32, #tpu.memory_space<vmem>>, vector<1x16xf32>,
          %get3A_268 = vector.shape_cast %get3A_267 : vector<1x16xf32> to vector<16xf32>
          %swap3A_269 = arith.index_cast %scan3A_230 : i32 to index
          %swap3A_270 = arith.constant 64 : index
          %swap3A_271 = tpu.vector_load %arg9[%swap3A_269, %swap3A_270] {strides = array<i32>} : memref<64x256xf32, #tpu.memory_space<vmem>>, vector<1x16xf32>,
          %swap3A_272 = vector.shape_cast %swap3A_271 : vector<1x16xf32> to vector<16xf32>
          %swap3A_273 = vector.shape_cast %get3A_268 : vector<16xf32> to vector<1x16xf32>
          tpu.vector_store %arg9[%swap3A_269, %swap3A_270], %swap3A_273 {strides = array<i32>} : memref<64x256xf32, #tpu.memory_space<vmem>>, vector<1x16xf32>,
          %get3A_274 = arith.index_cast %scan3A_230 : i32 to index
          %get3A_275 = arith.constant 80 : index
          %get3A_276 = tpu.vector_load %arg7[%get3A_274, %get3A_275] {strides = array<i32>} : memref<128x256xf32, #tpu.memory_space<vmem>>, vector<1x16xf32>,
          %get3A_277 = vector.shape_cast %get3A_276 : vector<1x16xf32> to vector<16xf32>
          %swap3A_278 = arith.index_cast %scan3A_230 : i32 to index
          %swap3A_279 = arith.constant 80 : index
          %swap3A_280 = tpu.vector_load %arg9[%swap3A_278, %swap3A_279] {strides = array<i32>} : memref<64x256xf32, #tpu.memory_space<vmem>>, vector<1x16xf32>,
          %swap3A_281 = vector.shape_cast %swap3A_280 : vector<1x16xf32> to vector<16xf32>
          %swap3A_282 = vector.shape_cast %get3A_277 : vector<16xf32> to vector<1x16xf32>
          tpu.vector_store %arg9[%swap3A_278, %swap3A_279], %swap3A_282 {strides = array<i32>} : memref<64x256xf32, #tpu.memory_space<vmem>>, vector<1x16xf32>,
          %get3A_283 = arith.index_cast %scan3A_230 : i32 to index
          %get3A_284 = arith.constant 96 : index
          %get3A_285 = tpu.vector_load %arg7[%get3A_283, %get3A_284] {strides = array<i32>} : memref<128x256xf32, #tpu.memory_space<vmem>>, vector<1x16xf32>,
          %get3A_286 = vector.shape_cast %get3A_285 : vector<1x16xf32> to vector<16xf32>
          %swap3A_287 = arith.index_cast %scan3A_230 : i32 to index
          %swap3A_288 = arith.constant 96 : index
          %swap3A_289 = tpu.vector_load %arg9[%swap3A_287, %swap3A_288] {strides = array<i32>} : memref<64x256xf32, #tpu.memory_space<vmem>>, vector<1x16xf32>,
          %swap3A_290 = vector.shape_cast %swap3A_289 : vector<1x16xf32> to vector<16xf32>
          %swap3A_291 = vector.shape_cast %get3A_286 : vector<16xf32> to vector<1x16xf32>
          tpu.vector_store %arg9[%swap3A_287, %swap3A_288], %swap3A_291 {strides = array<i32>} : memref<64x256xf32, #tpu.memory_space<vmem>>, vector<1x16xf32>,
          %get3A_292 = arith.index_cast %scan3A_230 : i32 to index
          %get3A_293 = arith.constant 112 : index
          %get3A_294 = tpu.vector_load %arg7[%get3A_292, %get3A_293] {strides = array<i32>} : memref<128x256xf32, #tpu.memory_space<vmem>>, vector<1x16xf32>,
          %get3A_295 = vector.shape_cast %get3A_294 : vector<1x16xf32> to vector<16xf32>
          %swap3A_296 = arith.index_cast %scan3A_230 : i32 to index
          %swap3A_297 = arith.constant 112 : index
          %swap3A_298 = tpu.vector_load %arg9[%swap3A_296, %swap3A_297] {strides = array<i32>} : memref<64x256xf32, #tpu.memory_space<vmem>>, vector<1x16xf32>,
          %swap3A_299 = vector.shape_cast %swap3A_298 : vector<1x16xf32> to vector<16xf32>
          %swap3A_300 = vector.shape_cast %get3A_295 : vector<16xf32> to vector<1x16xf32>
          tpu.vector_store %arg9[%swap3A_296, %swap3A_297], %swap3A_300 {strides = array<i32>} : memref<64x256xf32, #tpu.memory_space<vmem>>, vector<1x16xf32>,
          %get3A_301 = arith.index_cast %scan3A_230 : i32 to index
          %get3A_302 = arith.constant 128 : index
          %get3A_303 = tpu.vector_load %arg7[%get3A_301, %get3A_302] {strides = array<i32>} : memref<128x256xf32, #tpu.memory_space<vmem>>, vector<1x16xf32>,
          %get3A_304 = vector.shape_cast %get3A_303 : vector<1x16xf32> to vector<16xf32>
          %swap3A_305 = arith.index_cast %scan3A_230 : i32 to index
          %swap3A_306 = arith.constant 128 : index
          %swap3A_307 = tpu.vector_load %arg9[%swap3A_305, %swap3A_306] {strides = array<i32>} : memref<64x256xf32, #tpu.memory_space<vmem>>, vector<1x16xf32>,
          %swap3A_308 = vector.shape_cast %swap3A_307 : vector<1x16xf32> to vector<16xf32>
          %swap3A_309 = vector.shape_cast %get3A_304 : vector<16xf32> to vector<1x16xf32>
          tpu.vector_store %arg9[%swap3A_305, %swap3A_306], %swap3A_309 {strides = array<i32>} : memref<64x256xf32, #tpu.memory_space<vmem>>, vector<1x16xf32>,
          %get3A_310 = arith.index_cast %scan3A_230 : i32 to index
          %get3A_311 = arith.constant 144 : index
          %get3A_312 = tpu.vector_load %arg7[%get3A_310, %get3A_311] {strides = array<i32>} : memref<128x256xf32, #tpu.memory_space<vmem>>, vector<1x16xf32>,
          %get3A_313 = vector.shape_cast %get3A_312 : vector<1x16xf32> to vector<16xf32>
          %swap3A_314 = arith.index_cast %scan3A_230 : i32 to index
          %swap3A_315 = arith.constant 144 : index
          %swap3A_316 = tpu.vector_load %arg9[%swap3A_314, %swap3A_315] {strides = array<i32>} : memref<64x256xf32, #tpu.memory_space<vmem>>, vector<1x16xf32>,
          %swap3A_317 = vector.shape_cast %swap3A_316 : vector<1x16xf32> to vector<16xf32>
          %swap3A_318 = vector.shape_cast %get3A_313 : vector<16xf32> to vector<1x16xf32>
          tpu.vector_store %arg9[%swap3A_314, %swap3A_315], %swap3A_318 {strides = array<i32>} : memref<64x256xf32, #tpu.memory_space<vmem>>, vector<1x16xf32>,
          %get3A_319 = arith.index_cast %scan3A_230 : i32 to index
          %get3A_320 = arith.constant 160 : index
          %get3A_321 = tpu.vector_load %arg7[%get3A_319, %get3A_320] {strides = array<i32>} : memref<128x256xf32, #tpu.memory_space<vmem>>, vector<1x16xf32>,
          %get3A_322 = vector.shape_cast %get3A_321 : vector<1x16xf32> to vector<16xf32>
          %swap3A_323 = arith.index_cast %scan3A_230 : i32 to index
          %swap3A_324 = arith.constant 160 : index
          %swap3A_325 = tpu.vector_load %arg9[%swap3A_323, %swap3A_324] {strides = array<i32>} : memref<64x256xf32, #tpu.memory_space<vmem>>, vector<1x16xf32>,
          %swap3A_326 = vector.shape_cast %swap3A_325 : vector<1x16xf32> to vector<16xf32>
          %swap3A_327 = vector.shape_cast %get3A_322 : vector<16xf32> to vector<1x16xf32>
          tpu.vector_store %arg9[%swap3A_323, %swap3A_324], %swap3A_327 {strides = array<i32>} : memref<64x256xf32, #tpu.memory_space<vmem>>, vector<1x16xf32>,
          %get3A_328 = arith.index_cast %scan3A_230 : i32 to index
          %get3A_329 = arith.constant 176 : index
          %get3A_330 = tpu.vector_load %arg7[%get3A_328, %get3A_329] {strides = array<i32>} : memref<128x256xf32, #tpu.memory_space<vmem>>, vector<1x16xf32>,
          %get3A_331 = vector.shape_cast %get3A_330 : vector<1x16xf32> to vector<16xf32>
          %swap3A_332 = arith.index_cast %scan3A_230 : i32 to index
          %swap3A_333 = arith.constant 176 : index
          %swap3A_334 = tpu.vector_load %arg9[%swap3A_332, %swap3A_333] {strides = array<i32>} : memref<64x256xf32, #tpu.memory_space<vmem>>, vector<1x16xf32>,
          %swap3A_335 = vector.shape_cast %swap3A_334 : vector<1x16xf32> to vector<16xf32>
          %swap3A_336 = vector.shape_cast %get3A_331 : vector<16xf32> to vector<1x16xf32>
          tpu.vector_store %arg9[%swap3A_332, %swap3A_333], %swap3A_336 {strides = array<i32>} : memref<64x256xf32, #tpu.memory_space<vmem>>, vector<1x16xf32>,
          %get3A_337 = arith.index_cast %scan3A_230 : i32 to index
          %get3A_338 = arith.constant 192 : index
          %get3A_339 = tpu.vector_load %arg7[%get3A_337, %get3A_338] {strides = array<i32>} : memref<128x256xf32, #tpu.memory_space<vmem>>, vector<1x16xf32>,
          %get3A_340 = vector.shape_cast %get3A_339 : vector<1x16xf32> to vector<16xf32>
          %swap3A_341 = arith.index_cast %scan3A_230 : i32 to index
          %swap3A_342 = arith.constant 192 : index
          %swap3A_343 = tpu.vector_load %arg9[%swap3A_341, %swap3A_342] {strides = array<i32>} : memref<64x256xf32, #tpu.memory_space<vmem>>, vector<1x16xf32>,
          %swap3A_344 = vector.shape_cast %swap3A_343 : vector<1x16xf32> to vector<16xf32>
          %swap3A_345 = vector.shape_cast %get3A_340 : vector<16xf32> to vector<1x16xf32>
          tpu.vector_store %arg9[%swap3A_341, %swap3A_342], %swap3A_345 {strides = array<i32>} : memref<64x256xf32, #tpu.memory_space<vmem>>, vector<1x16xf32>,
          %get3A_346 = arith.index_cast %scan3A_230 : i32 to index
          %get3A_347 = arith.constant 208 : index
          %get3A_348 = tpu.vector_load %arg7[%get3A_346, %get3A_347] {strides = array<i32>} : memref<128x256xf32, #tpu.memory_space<vmem>>, vector<1x16xf32>,
          %get3A_349 = vector.shape_cast %get3A_348 : vector<1x16xf32> to vector<16xf32>
          %swap3A_350 = arith.index_cast %scan3A_230 : i32 to index
          %swap3A_351 = arith.constant 208 : index
          %swap3A_352 = tpu.vector_load %arg9[%swap3A_350, %swap3A_351] {strides = array<i32>} : memref<64x256xf32, #tpu.memory_space<vmem>>, vector<1x16xf32>,
          %swap3A_353 = vector.shape_cast %swap3A_352 : vector<1x16xf32> to vector<16xf32>
          %swap3A_354 = vector.shape_cast %get3A_349 : vector<16xf32> to vector<1x16xf32>
          tpu.vector_store %arg9[%swap3A_350, %swap3A_351], %swap3A_354 {strides = array<i32>} : memref<64x256xf32, #tpu.memory_space<vmem>>, vector<1x16xf32>,
          %get3A_355 = arith.index_cast %scan3A_230 : i32 to index
          %get3A_356 = arith.constant 224 : index
          %get3A_357 = tpu.vector_load %arg7[%get3A_355, %get3A_356] {strides = array<i32>} : memref<128x256xf32, #tpu.memory_space<vmem>>, vector<1x16xf32>,
          %get3A_358 = vector.shape_cast %get3A_357 : vector<1x16xf32> to vector<16xf32>
          %swap3A_359 = arith.index_cast %scan3A_230 : i32 to index
          %swap3A_360 = arith.constant 224 : index
          %swap3A_361 = tpu.vector_load %arg9[%swap3A_359, %swap3A_360] {strides = array<i32>} : memref<64x256xf32, #tpu.memory_space<vmem>>, vector<1x16xf32>,
          %swap3A_362 = vector.shape_cast %swap3A_361 : vector<1x16xf32> to vector<16xf32>
          %swap3A_363 = vector.shape_cast %get3A_358 : vector<16xf32> to vector<1x16xf32>
          tpu.vector_store %arg9[%swap3A_359, %swap3A_360], %swap3A_363 {strides = array<i32>} : memref<64x256xf32, #tpu.memory_space<vmem>>, vector<1x16xf32>,
          %get3A_364 = arith.index_cast %scan3A_230 : i32 to index
          %get3A_365 = arith.constant 240 : index
          %get3A_366 = tpu.vector_load %arg7[%get3A_364, %get3A_365] {strides = array<i32>} : memref<128x256xf32, #tpu.memory_space<vmem>>, vector<1x16xf32>,
          %get3A_367 = vector.shape_cast %get3A_366 : vector<1x16xf32> to vector<16xf32>
          %swap3A_368 = arith.index_cast %scan3A_230 : i32 to index
          %swap3A_369 = arith.constant 240 : index
          %swap3A_370 = tpu.vector_load %arg9[%swap3A_368, %swap3A_369] {strides = array<i32>} : memref<64x256xf32, #tpu.memory_space<vmem>>, vector<1x16xf32>,
          %swap3A_371 = vector.shape_cast %swap3A_370 : vector<1x16xf32> to vector<16xf32>
          %swap3A_372 = vector.shape_cast %get3A_367 : vector<16xf32> to vector<1x16xf32>
          tpu.vector_store %arg9[%swap3A_368, %swap3A_369], %swap3A_372 {strides = array<i32>} : memref<64x256xf32, #tpu.memory_space<vmem>>, vector<1x16xf32>,
        }
        %scan3A_229 = arith.constant 64 : i32
      } else {
      }
      %not3A_125 = arith.constant true
      %not3A_126 = arith.xori %le3A_121, %not3A_125 : i1
      %convert_element_type3A_127 = arith.extui %not3A_126 : i1 to i32
      %cond3A_128 = arith.constant 0 : i32
      %cond3A_129 = arith.cmpi ne, %convert_element_type3A_127, %cond3A_128 : i32
      scf.if %cond3A_129 {
        %scan3A_224 = arith.constant 0 : i32
        %scan3A_225 = arith.constant 0 : i32
        %scan3A_226 = arith.constant 64 : i32
        %scan3A_227 = arith.addi %scan3A_225, %scan3A_226 : i32
        %scan3A_228 = arith.constant 1 : i32
        scf.for %scan3A_230 = %scan3A_225 to %scan3A_227 step %scan3A_228  : i32 {
          %get3A = arith.index_cast %scan3A_230 : i32 to index
          %get3A_231 = arith.constant 0 : index
          %get3A_232 = tpu.vector_load %arg7[%get3A, %get3A_231] {strides = array<i32>} : memref<128x256xf32, #tpu.memory_space<vmem>>, vector<1x16xf32>,
          %get3A_233 = vector.shape_cast %get3A_232 : vector<1x16xf32> to vector<16xf32>
          %add3A_234 = arith.constant 64 : i32
          %add3A_235 = arith.addi %add3A_234, %scan3A_230 : i32
          %get3A_236 = arith.index_cast %add3A_235 : i32 to index
          %get3A_237 = arith.constant 0 : index
          %get3A_238 = tpu.vector_load %arg7[%get3A_236, %get3A_237] {strides = array<i32>} : memref<128x256xf32, #tpu.memory_space<vmem>>, vector<1x16xf32>,
          %get3A_239 = vector.shape_cast %get3A_238 : vector<1x16xf32> to vector<16xf32>
          %add3A_240 = arith.addf %get3A_233, %get3A_239 : vector<16xf32>
          %mul3A_241 = arith.constant 5.000000e-01 : f32
          %mul3A_242 = vector.broadcast %mul3A_241 : f32 to vector<16xf32>
          %mul3A_243 = arith.mulf %add3A_240, %mul3A_242 : vector<16xf32>
          %swap3A = arith.index_cast %scan3A_230 : i32 to index
          %swap3A_244 = arith.constant 0 : index
          %swap3A_245 = tpu.vector_load %arg9[%swap3A, %swap3A_244] {strides = array<i32>} : memref<64x256xf32, #tpu.memory_space<vmem>>, vector<1x16xf32>,
          %swap3A_246 = vector.shape_cast %swap3A_245 : vector<1x16xf32> to vector<16xf32>
          %swap3A_247 = vector.shape_cast %mul3A_243 : vector<16xf32> to vector<1x16xf32>
          tpu.vector_store %arg9[%swap3A, %swap3A_244], %swap3A_247 {strides = array<i32>} : memref<64x256xf32, #tpu.memory_space<vmem>>, vector<1x16xf32>,
          %get3A_248 = arith.index_cast %scan3A_230 : i32 to index
          %get3A_249 = arith.constant 16 : index
          %get3A_250 = tpu.vector_load %arg7[%get3A_248, %get3A_249] {strides = array<i32>} : memref<128x256xf32, #tpu.memory_space<vmem>>, vector<1x16xf32>,
          %get3A_251 = vector.shape_cast %get3A_250 : vector<1x16xf32> to vector<16xf32>
          %add3A_252 = arith.constant 64 : i32
          %add3A_253 = arith.addi %add3A_252, %scan3A_230 : i32
          %get3A_254 = arith.index_cast %add3A_253 : i32 to index
          %get3A_255 = arith.constant 16 : index
          %get3A_256 = tpu.vector_load %arg7[%get3A_254, %get3A_255] {strides = array<i32>} : memref<128x256xf32, #tpu.memory_space<vmem>>, vector<1x16xf32>,
          %get3A_257 = vector.shape_cast %get3A_256 : vector<1x16xf32> to vector<16xf32>
          %add3A_258 = arith.addf %get3A_251, %get3A_257 : vector<16xf32>
          %mul3A_259 = arith.constant 5.000000e-01 : f32
          %mul3A_260 = vector.broadcast %mul3A_259 : f32 to vector<16xf32>
          %mul3A_261 = arith.mulf %add3A_258, %mul3A_260 : vector<16xf32>
          %swap3A_262 = arith.index_cast %scan3A_230 : i32 to index
          %swap3A_263 = arith.constant 16 : index
          %swap3A_264 = tpu.vector_load %arg9[%swap3A_262, %swap3A_263] {strides = array<i32>} : memref<64x256xf32, #tpu.memory_space<vmem>>, vector<1x16xf32>,
          %swap3A_265 = vector.shape_cast %swap3A_264 : vector<1x16xf32> to vector<16xf32>
          %swap3A_266 = vector.shape_cast %mul3A_261 : vector<16xf32> to vector<1x16xf32>
          tpu.vector_store %arg9[%swap3A_262, %swap3A_263], %swap3A_266 {strides = array<i32>} : memref<64x256xf32, #tpu.memory_space<vmem>>, vector<1x16xf32>,
          %get3A_267 = arith.index_cast %scan3A_230 : i32 to index
          %get3A_268 = arith.constant 32 : index
          %get3A_269 = tpu.vector_load %arg7[%get3A_267, %get3A_268] {strides = array<i32>} : memref<128x256xf32, #tpu.memory_space<vmem>>, vector<1x16xf32>,
          %get3A_270 = vector.shape_cast %get3A_269 : vector<1x16xf32> to vector<16xf32>
          %add3A_271 = arith.constant 64 : i32
          %add3A_272 = arith.addi %add3A_271, %scan3A_230 : i32
          %get3A_273 = arith.index_cast %add3A_272 : i32 to index
          %get3A_274 = arith.constant 32 : index
          %get3A_275 = tpu.vector_load %arg7[%get3A_273, %get3A_274] {strides = array<i32>} : memref<128x256xf32, #tpu.memory_space<vmem>>, vector<1x16xf32>,
          %get3A_276 = vector.shape_cast %get3A_275 : vector<1x16xf32> to vector<16xf32>
          %add3A_277 = arith.addf %get3A_270, %get3A_276 : vector<16xf32>
          %mul3A_278 = arith.constant 5.000000e-01 : f32
          %mul3A_279 = vector.broadcast %mul3A_278 : f32 to vector<16xf32>
          %mul3A_280 = arith.mulf %add3A_277, %mul3A_279 : vector<16xf32>
          %swap3A_281 = arith.index_cast %scan3A_230 : i32 to index
          %swap3A_282 = arith.constant 32 : index
          %swap3A_283 = tpu.vector_load %arg9[%swap3A_281, %swap3A_282] {strides = array<i32>} : memref<64x256xf32, #tpu.memory_space<vmem>>, vector<1x16xf32>,
          %swap3A_284 = vector.shape_cast %swap3A_283 : vector<1x16xf32> to vector<16xf32>
          %swap3A_285 = vector.shape_cast %mul3A_280 : vector<16xf32> to vector<1x16xf32>
          tpu.vector_store %arg9[%swap3A_281, %swap3A_282], %swap3A_285 {strides = array<i32>} : memref<64x256xf32, #tpu.memory_space<vmem>>, vector<1x16xf32>,
          %get3A_286 = arith.index_cast %scan3A_230 : i32 to index
          %get3A_287 = arith.constant 48 : index
          %get3A_288 = tpu.vector_load %arg7[%get3A_286, %get3A_287] {strides = array<i32>} : memref<128x256xf32, #tpu.memory_space<vmem>>, vector<1x16xf32>,
          %get3A_289 = vector.shape_cast %get3A_288 : vector<1x16xf32> to vector<16xf32>
          %add3A_290 = arith.constant 64 : i32
          %add3A_291 = arith.addi %add3A_290, %scan3A_230 : i32
          %get3A_292 = arith.index_cast %add3A_291 : i32 to index
          %get3A_293 = arith.constant 48 : index
          %get3A_294 = tpu.vector_load %arg7[%get3A_292, %get3A_293] {strides = array<i32>} : memref<128x256xf32, #tpu.memory_space<vmem>>, vector<1x16xf32>,
          %get3A_295 = vector.shape_cast %get3A_294 : vector<1x16xf32> to vector<16xf32>
          %add3A_296 = arith.addf %get3A_289, %get3A_295 : vector<16xf32>
          %mul3A_297 = arith.constant 5.000000e-01 : f32
          %mul3A_298 = vector.broadcast %mul3A_297 : f32 to vector<16xf32>
          %mul3A_299 = arith.mulf %add3A_296, %mul3A_298 : vector<16xf32>
          %swap3A_300 = arith.index_cast %scan3A_230 : i32 to index
          %swap3A_301 = arith.constant 48 : index
          %swap3A_302 = tpu.vector_load %arg9[%swap3A_300, %swap3A_301] {strides = array<i32>} : memref<64x256xf32, #tpu.memory_space<vmem>>, vector<1x16xf32>,
          %swap3A_303 = vector.shape_cast %swap3A_302 : vector<1x16xf32> to vector<16xf32>
          %swap3A_304 = vector.shape_cast %mul3A_299 : vector<16xf32> to vector<1x16xf32>
          tpu.vector_store %arg9[%swap3A_300, %swap3A_301], %swap3A_304 {strides = array<i32>} : memref<64x256xf32, #tpu.memory_space<vmem>>, vector<1x16xf32>,
          %get3A_305 = arith.index_cast %scan3A_230 : i32 to index
          %get3A_306 = arith.constant 64 : index
          %get3A_307 = tpu.vector_load %arg7[%get3A_305, %get3A_306] {strides = array<i32>} : memref<128x256xf32, #tpu.memory_space<vmem>>, vector<1x16xf32>,
          %get3A_308 = vector.shape_cast %get3A_307 : vector<1x16xf32> to vector<16xf32>
          %add3A_309 = arith.constant 64 : i32
          %add3A_310 = arith.addi %add3A_309, %scan3A_230 : i32
          %get3A_311 = arith.index_cast %add3A_310 : i32 to index
          %get3A_312 = arith.constant 64 : index
          %get3A_313 = tpu.vector_load %arg7[%get3A_311, %get3A_312] {strides = array<i32>} : memref<128x256xf32, #tpu.memory_space<vmem>>, vector<1x16xf32>,
          %get3A_314 = vector.shape_cast %get3A_313 : vector<1x16xf32> to vector<16xf32>
          %add3A_315 = arith.addf %get3A_308, %get3A_314 : vector<16xf32>
          %mul3A_316 = arith.constant 5.000000e-01 : f32
          %mul3A_317 = vector.broadcast %mul3A_316 : f32 to vector<16xf32>
          %mul3A_318 = arith.mulf %add3A_315, %mul3A_317 : vector<16xf32>
          %swap3A_319 = arith.index_cast %scan3A_230 : i32 to index
          %swap3A_320 = arith.constant 64 : index
          %swap3A_321 = tpu.vector_load %arg9[%swap3A_319, %swap3A_320] {strides = array<i32>} : memref<64x256xf32, #tpu.memory_space<vmem>>, vector<1x16xf32>,
          %swap3A_322 = vector.shape_cast %swap3A_321 : vector<1x16xf32> to vector<16xf32>
          %swap3A_323 = vector.shape_cast %mul3A_318 : vector<16xf32> to vector<1x16xf32>
          tpu.vector_store %arg9[%swap3A_319, %swap3A_320], %swap3A_323 {strides = array<i32>} : memref<64x256xf32, #tpu.memory_space<vmem>>, vector<1x16xf32>,
          %get3A_324 = arith.index_cast %scan3A_230 : i32 to index
          %get3A_325 = arith.constant 80 : index
          %get3A_326 = tpu.vector_load %arg7[%get3A_324, %get3A_325] {strides = array<i32>} : memref<128x256xf32, #tpu.memory_space<vmem>>, vector<1x16xf32>,
          %get3A_327 = vector.shape_cast %get3A_326 : vector<1x16xf32> to vector<16xf32>
          %add3A_328 = arith.constant 64 : i32
          %add3A_329 = arith.addi %add3A_328, %scan3A_230 : i32
          %get3A_330 = arith.index_cast %add3A_329 : i32 to index
          %get3A_331 = arith.constant 80 : index
          %get3A_332 = tpu.vector_load %arg7[%get3A_330, %get3A_331] {strides = array<i32>} : memref<128x256xf32, #tpu.memory_space<vmem>>, vector<1x16xf32>,
          %get3A_333 = vector.shape_cast %get3A_332 : vector<1x16xf32> to vector<16xf32>
          %add3A_334 = arith.addf %get3A_327, %get3A_333 : vector<16xf32>
          %mul3A_335 = arith.constant 5.000000e-01 : f32
          %mul3A_336 = vector.broadcast %mul3A_335 : f32 to vector<16xf32>
          %mul3A_337 = arith.mulf %add3A_334, %mul3A_336 : vector<16xf32>
          %swap3A_338 = arith.index_cast %scan3A_230 : i32 to index
          %swap3A_339 = arith.constant 80 : index
          %swap3A_340 = tpu.vector_load %arg9[%swap3A_338, %swap3A_339] {strides = array<i32>} : memref<64x256xf32, #tpu.memory_space<vmem>>, vector<1x16xf32>,
          %swap3A_341 = vector.shape_cast %swap3A_340 : vector<1x16xf32> to vector<16xf32>
          %swap3A_342 = vector.shape_cast %mul3A_337 : vector<16xf32> to vector<1x16xf32>
          tpu.vector_store %arg9[%swap3A_338, %swap3A_339], %swap3A_342 {strides = array<i32>} : memref<64x256xf32, #tpu.memory_space<vmem>>, vector<1x16xf32>,
          %get3A_343 = arith.index_cast %scan3A_230 : i32 to index
          %get3A_344 = arith.constant 96 : index
          %get3A_345 = tpu.vector_load %arg7[%get3A_343, %get3A_344] {strides = array<i32>} : memref<128x256xf32, #tpu.memory_space<vmem>>, vector<1x16xf32>,
          %get3A_346 = vector.shape_cast %get3A_345 : vector<1x16xf32> to vector<16xf32>
          %add3A_347 = arith.constant 64 : i32
          %add3A_348 = arith.addi %add3A_347, %scan3A_230 : i32
          %get3A_349 = arith.index_cast %add3A_348 : i32 to index
          %get3A_350 = arith.constant 96 : index
          %get3A_351 = tpu.vector_load %arg7[%get3A_349, %get3A_350] {strides = array<i32>} : memref<128x256xf32, #tpu.memory_space<vmem>>, vector<1x16xf32>,
          %get3A_352 = vector.shape_cast %get3A_351 : vector<1x16xf32> to vector<16xf32>
          %add3A_353 = arith.addf %get3A_346, %get3A_352 : vector<16xf32>
          %mul3A_354 = arith.constant 5.000000e-01 : f32
          %mul3A_355 = vector.broadcast %mul3A_354 : f32 to vector<16xf32>
          %mul3A_356 = arith.mulf %add3A_353, %mul3A_355 : vector<16xf32>
          %swap3A_357 = arith.index_cast %scan3A_230 : i32 to index
          %swap3A_358 = arith.constant 96 : index
          %swap3A_359 = tpu.vector_load %arg9[%swap3A_357, %swap3A_358] {strides = array<i32>} : memref<64x256xf32, #tpu.memory_space<vmem>>, vector<1x16xf32>,
          %swap3A_360 = vector.shape_cast %swap3A_359 : vector<1x16xf32> to vector<16xf32>
          %swap3A_361 = vector.shape_cast %mul3A_356 : vector<16xf32> to vector<1x16xf32>
          tpu.vector_store %arg9[%swap3A_357, %swap3A_358], %swap3A_361 {strides = array<i32>} : memref<64x256xf32, #tpu.memory_space<vmem>>, vector<1x16xf32>,
          %get3A_362 = arith.index_cast %scan3A_230 : i32 to index
          %get3A_363 = arith.constant 112 : index
          %get3A_364 = tpu.vector_load %arg7[%get3A_362, %get3A_363] {strides = array<i32>} : memref<128x256xf32, #tpu.memory_space<vmem>>, vector<1x16xf32>,
          %get3A_365 = vector.shape_cast %get3A_364 : vector<1x16xf32> to vector<16xf32>
          %add3A_366 = arith.constant 64 : i32
          %add3A_367 = arith.addi %add3A_366, %scan3A_230 : i32
          %get3A_368 = arith.index_cast %add3A_367 : i32 to index
          %get3A_369 = arith.constant 112 : index
          %get3A_370 = tpu.vector_load %arg7[%get3A_368, %get3A_369] {strides = array<i32>} : memref<128x256xf32, #tpu.memory_space<vmem>>, vector<1x16xf32>,
          %get3A_371 = vector.shape_cast %get3A_370 : vector<1x16xf32> to vector<16xf32>
          %add3A_372 = arith.addf %get3A_365, %get3A_371 : vector<16xf32>
          %mul3A_373 = arith.constant 5.000000e-01 : f32
          %mul3A_374 = vector.broadcast %mul3A_373 : f32 to vector<16xf32>
          %mul3A_375 = arith.mulf %add3A_372, %mul3A_374 : vector<16xf32>
          %swap3A_376 = arith.index_cast %scan3A_230 : i32 to index
          %swap3A_377 = arith.constant 112 : index
          %swap3A_378 = tpu.vector_load %arg9[%swap3A_376, %swap3A_377] {strides = array<i32>} : memref<64x256xf32, #tpu.memory_space<vmem>>, vector<1x16xf32>,
          %swap3A_379 = vector.shape_cast %swap3A_378 : vector<1x16xf32> to vector<16xf32>
          %swap3A_380 = vector.shape_cast %mul3A_375 : vector<16xf32> to vector<1x16xf32>
          tpu.vector_store %arg9[%swap3A_376, %swap3A_377], %swap3A_380 {strides = array<i32>} : memref<64x256xf32, #tpu.memory_space<vmem>>, vector<1x16xf32>,
          %get3A_381 = arith.index_cast %scan3A_230 : i32 to index
          %get3A_382 = arith.constant 128 : index
          %get3A_383 = tpu.vector_load %arg7[%get3A_381, %get3A_382] {strides = array<i32>} : memref<128x256xf32, #tpu.memory_space<vmem>>, vector<1x16xf32>,
          %get3A_384 = vector.shape_cast %get3A_383 : vector<1x16xf32> to vector<16xf32>
          %add3A_385 = arith.constant 64 : i32
          %add3A_386 = arith.addi %add3A_385, %scan3A_230 : i32
          %get3A_387 = arith.index_cast %add3A_386 : i32 to index
          %get3A_388 = arith.constant 128 : index
          %get3A_389 = tpu.vector_load %arg7[%get3A_387, %get3A_388] {strides = array<i32>} : memref<128x256xf32, #tpu.memory_space<vmem>>, vector<1x16xf32>,
          %get3A_390 = vector.shape_cast %get3A_389 : vector<1x16xf32> to vector<16xf32>
          %add3A_391 = arith.addf %get3A_384, %get3A_390 : vector<16xf32>
          %mul3A_392 = arith.constant 5.000000e-01 : f32
          %mul3A_393 = vector.broadcast %mul3A_392 : f32 to vector<16xf32>
          %mul3A_394 = arith.mulf %add3A_391, %mul3A_393 : vector<16xf32>
          %swap3A_395 = arith.index_cast %scan3A_230 : i32 to index
          %swap3A_396 = arith.constant 128 : index
          %swap3A_397 = tpu.vector_load %arg9[%swap3A_395, %swap3A_396] {strides = array<i32>} : memref<64x256xf32, #tpu.memory_space<vmem>>, vector<1x16xf32>,
          %swap3A_398 = vector.shape_cast %swap3A_397 : vector<1x16xf32> to vector<16xf32>
          %swap3A_399 = vector.shape_cast %mul3A_394 : vector<16xf32> to vector<1x16xf32>
          tpu.vector_store %arg9[%swap3A_395, %swap3A_396], %swap3A_399 {strides = array<i32>} : memref<64x256xf32, #tpu.memory_space<vmem>>, vector<1x16xf32>,
          %get3A_400 = arith.index_cast %scan3A_230 : i32 to index
          %get3A_401 = arith.constant 144 : index
          %get3A_402 = tpu.vector_load %arg7[%get3A_400, %get3A_401] {strides = array<i32>} : memref<128x256xf32, #tpu.memory_space<vmem>>, vector<1x16xf32>,
          %get3A_403 = vector.shape_cast %get3A_402 : vector<1x16xf32> to vector<16xf32>
          %add3A_404 = arith.constant 64 : i32
          %add3A_405 = arith.addi %add3A_404, %scan3A_230 : i32
          %get3A_406 = arith.index_cast %add3A_405 : i32 to index
          %get3A_407 = arith.constant 144 : index
          %get3A_408 = tpu.vector_load %arg7[%get3A_406, %get3A_407] {strides = array<i32>} : memref<128x256xf32, #tpu.memory_space<vmem>>, vector<1x16xf32>,
          %get3A_409 = vector.shape_cast %get3A_408 : vector<1x16xf32> to vector<16xf32>
          %add3A_410 = arith.addf %get3A_403, %get3A_409 : vector<16xf32>
          %mul3A_411 = arith.constant 5.000000e-01 : f32
          %mul3A_412 = vector.broadcast %mul3A_411 : f32 to vector<16xf32>
          %mul3A_413 = arith.mulf %add3A_410, %mul3A_412 : vector<16xf32>
          %swap3A_414 = arith.index_cast %scan3A_230 : i32 to index
          %swap3A_415 = arith.constant 144 : index
          %swap3A_416 = tpu.vector_load %arg9[%swap3A_414, %swap3A_415] {strides = array<i32>} : memref<64x256xf32, #tpu.memory_space<vmem>>, vector<1x16xf32>,
          %swap3A_417 = vector.shape_cast %swap3A_416 : vector<1x16xf32> to vector<16xf32>
          %swap3A_418 = vector.shape_cast %mul3A_413 : vector<16xf32> to vector<1x16xf32>
          tpu.vector_store %arg9[%swap3A_414, %swap3A_415], %swap3A_418 {strides = array<i32>} : memref<64x256xf32, #tpu.memory_space<vmem>>, vector<1x16xf32>,
          %get3A_419 = arith.index_cast %scan3A_230 : i32 to index
          %get3A_420 = arith.constant 160 : index
          %get3A_421 = tpu.vector_load %arg7[%get3A_419, %get3A_420] {strides = array<i32>} : memref<128x256xf32, #tpu.memory_space<vmem>>, vector<1x16xf32>,
          %get3A_422 = vector.shape_cast %get3A_421 : vector<1x16xf32> to vector<16xf32>
          %add3A_423 = arith.constant 64 : i32
          %add3A_424 = arith.addi %add3A_423, %scan3A_230 : i32
          %get3A_425 = arith.index_cast %add3A_424 : i32 to index
          %get3A_426 = arith.constant 160 : index
          %get3A_427 = tpu.vector_load %arg7[%get3A_425, %get3A_426] {strides = array<i32>} : memref<128x256xf32, #tpu.memory_space<vmem>>, vector<1x16xf32>,
          %get3A_428 = vector.shape_cast %get3A_427 : vector<1x16xf32> to vector<16xf32>
          %add3A_429 = arith.addf %get3A_422, %get3A_428 : vector<16xf32>
          %mul3A_430 = arith.constant 5.000000e-01 : f32
          %mul3A_431 = vector.broadcast %mul3A_430 : f32 to vector<16xf32>
          %mul3A_432 = arith.mulf %add3A_429, %mul3A_431 : vector<16xf32>
          %swap3A_433 = arith.index_cast %scan3A_230 : i32 to index
          %swap3A_434 = arith.constant 160 : index
          %swap3A_435 = tpu.vector_load %arg9[%swap3A_433, %swap3A_434] {strides = array<i32>} : memref<64x256xf32, #tpu.memory_space<vmem>>, vector<1x16xf32>,
          %swap3A_436 = vector.shape_cast %swap3A_435 : vector<1x16xf32> to vector<16xf32>
          %swap3A_437 = vector.shape_cast %mul3A_432 : vector<16xf32> to vector<1x16xf32>
          tpu.vector_store %arg9[%swap3A_433, %swap3A_434], %swap3A_437 {strides = array<i32>} : memref<64x256xf32, #tpu.memory_space<vmem>>, vector<1x16xf32>,
          %get3A_438 = arith.index_cast %scan3A_230 : i32 to index
          %get3A_439 = arith.constant 176 : index
          %get3A_440 = tpu.vector_load %arg7[%get3A_438, %get3A_439] {strides = array<i32>} : memref<128x256xf32, #tpu.memory_space<vmem>>, vector<1x16xf32>,
          %get3A_441 = vector.shape_cast %get3A_440 : vector<1x16xf32> to vector<16xf32>
          %add3A_442 = arith.constant 64 : i32
          %add3A_443 = arith.addi %add3A_442, %scan3A_230 : i32
          %get3A_444 = arith.index_cast %add3A_443 : i32 to index
          %get3A_445 = arith.constant 176 : index
          %get3A_446 = tpu.vector_load %arg7[%get3A_444, %get3A_445] {strides = array<i32>} : memref<128x256xf32, #tpu.memory_space<vmem>>, vector<1x16xf32>,
          %get3A_447 = vector.shape_cast %get3A_446 : vector<1x16xf32> to vector<16xf32>
          %add3A_448 = arith.addf %get3A_441, %get3A_447 : vector<16xf32>
          %mul3A_449 = arith.constant 5.000000e-01 : f32
          %mul3A_450 = vector.broadcast %mul3A_449 : f32 to vector<16xf32>
          %mul3A_451 = arith.mulf %add3A_448, %mul3A_450 : vector<16xf32>
          %swap3A_452 = arith.index_cast %scan3A_230 : i32 to index
          %swap3A_453 = arith.constant 176 : index
          %swap3A_454 = tpu.vector_load %arg9[%swap3A_452, %swap3A_453] {strides = array<i32>} : memref<64x256xf32, #tpu.memory_space<vmem>>, vector<1x16xf32>,
          %swap3A_455 = vector.shape_cast %swap3A_454 : vector<1x16xf32> to vector<16xf32>
          %swap3A_456 = vector.shape_cast %mul3A_451 : vector<16xf32> to vector<1x16xf32>
          tpu.vector_store %arg9[%swap3A_452, %swap3A_453], %swap3A_456 {strides = array<i32>} : memref<64x256xf32, #tpu.memory_space<vmem>>, vector<1x16xf32>,
          %get3A_457 = arith.index_cast %scan3A_230 : i32 to index
          %get3A_458 = arith.constant 192 : index
          %get3A_459 = tpu.vector_load %arg7[%get3A_457, %get3A_458] {strides = array<i32>} : memref<128x256xf32, #tpu.memory_space<vmem>>, vector<1x16xf32>,
          %get3A_460 = vector.shape_cast %get3A_459 : vector<1x16xf32> to vector<16xf32>
          %add3A_461 = arith.constant 64 : i32
          %add3A_462 = arith.addi %add3A_461, %scan3A_230 : i32
          %get3A_463 = arith.index_cast %add3A_462 : i32 to index
          %get3A_464 = arith.constant 192 : index
          %get3A_465 = tpu.vector_load %arg7[%get3A_463, %get3A_464] {strides = array<i32>} : memref<128x256xf32, #tpu.memory_space<vmem>>, vector<1x16xf32>,
          %get3A_466 = vector.shape_cast %get3A_465 : vector<1x16xf32> to vector<16xf32>
          %add3A_467 = arith.addf %get3A_460, %get3A_466 : vector<16xf32>
          %mul3A_468 = arith.constant 5.000000e-01 : f32
          %mul3A_469 = vector.broadcast %mul3A_468 : f32 to vector<16xf32>
          %mul3A_470 = arith.mulf %add3A_467, %mul3A_469 : vector<16xf32>
          %swap3A_471 = arith.index_cast %scan3A_230 : i32 to index
          %swap3A_472 = arith.constant 192 : index
          %swap3A_473 = tpu.vector_load %arg9[%swap3A_471, %swap3A_472] {strides = array<i32>} : memref<64x256xf32, #tpu.memory_space<vmem>>, vector<1x16xf32>,
          %swap3A_474 = vector.shape_cast %swap3A_473 : vector<1x16xf32> to vector<16xf32>
          %swap3A_475 = vector.shape_cast %mul3A_470 : vector<16xf32> to vector<1x16xf32>
          tpu.vector_store %arg9[%swap3A_471, %swap3A_472], %swap3A_475 {strides = array<i32>} : memref<64x256xf32, #tpu.memory_space<vmem>>, vector<1x16xf32>,
          %get3A_476 = arith.index_cast %scan3A_230 : i32 to index
          %get3A_477 = arith.constant 208 : index
          %get3A_478 = tpu.vector_load %arg7[%get3A_476, %get3A_477] {strides = array<i32>} : memref<128x256xf32, #tpu.memory_space<vmem>>, vector<1x16xf32>,
          %get3A_479 = vector.shape_cast %get3A_478 : vector<1x16xf32> to vector<16xf32>
          %add3A_480 = arith.constant 64 : i32
          %add3A_481 = arith.addi %add3A_480, %scan3A_230 : i32
          %get3A_482 = arith.index_cast %add3A_481 : i32 to index
          %get3A_483 = arith.constant 208 : index
          %get3A_484 = tpu.vector_load %arg7[%get3A_482, %get3A_483] {strides = array<i32>} : memref<128x256xf32, #tpu.memory_space<vmem>>, vector<1x16xf32>,
          %get3A_485 = vector.shape_cast %get3A_484 : vector<1x16xf32> to vector<16xf32>
          %add3A_486 = arith.addf %get3A_479, %get3A_485 : vector<16xf32>
          %mul3A_487 = arith.constant 5.000000e-01 : f32
          %mul3A_488 = vector.broadcast %mul3A_487 : f32 to vector<16xf32>
          %mul3A_489 = arith.mulf %add3A_486, %mul3A_488 : vector<16xf32>
          %swap3A_490 = arith.index_cast %scan3A_230 : i32 to index
          %swap3A_491 = arith.constant 208 : index
          %swap3A_492 = tpu.vector_load %arg9[%swap3A_490, %swap3A_491] {strides = array<i32>} : memref<64x256xf32, #tpu.memory_space<vmem>>, vector<1x16xf32>,
          %swap3A_493 = vector.shape_cast %swap3A_492 : vector<1x16xf32> to vector<16xf32>
          %swap3A_494 = vector.shape_cast %mul3A_489 : vector<16xf32> to vector<1x16xf32>
          tpu.vector_store %arg9[%swap3A_490, %swap3A_491], %swap3A_494 {strides = array<i32>} : memref<64x256xf32, #tpu.memory_space<vmem>>, vector<1x16xf32>,
          %get3A_495 = arith.index_cast %scan3A_230 : i32 to index
          %get3A_496 = arith.constant 224 : index
          %get3A_497 = tpu.vector_load %arg7[%get3A_495, %get3A_496] {strides = array<i32>} : memref<128x256xf32, #tpu.memory_space<vmem>>, vector<1x16xf32>,
          %get3A_498 = vector.shape_cast %get3A_497 : vector<1x16xf32> to vector<16xf32>
          %add3A_499 = arith.constant 64 : i32
          %add3A_500 = arith.addi %add3A_499, %scan3A_230 : i32
          %get3A_501 = arith.index_cast %add3A_500 : i32 to index
          %get3A_502 = arith.constant 224 : index
          %get3A_503 = tpu.vector_load %arg7[%get3A_501, %get3A_502] {strides = array<i32>} : memref<128x256xf32, #tpu.memory_space<vmem>>, vector<1x16xf32>,
          %get3A_504 = vector.shape_cast %get3A_503 : vector<1x16xf32> to vector<16xf32>
          %add3A_505 = arith.addf %get3A_498, %get3A_504 : vector<16xf32>
          %mul3A_506 = arith.constant 5.000000e-01 : f32
          %mul3A_507 = vector.broadcast %mul3A_506 : f32 to vector<16xf32>
          %mul3A_508 = arith.mulf %add3A_505, %mul3A_507 : vector<16xf32>
          %swap3A_509 = arith.index_cast %scan3A_230 : i32 to index
          %swap3A_510 = arith.constant 224 : index
          %swap3A_511 = tpu.vector_load %arg9[%swap3A_509, %swap3A_510] {strides = array<i32>} : memref<64x256xf32, #tpu.memory_space<vmem>>, vector<1x16xf32>,
          %swap3A_512 = vector.shape_cast %swap3A_511 : vector<1x16xf32> to vector<16xf32>
          %swap3A_513 = vector.shape_cast %mul3A_508 : vector<16xf32> to vector<1x16xf32>
          tpu.vector_store %arg9[%swap3A_509, %swap3A_510], %swap3A_513 {strides = array<i32>} : memref<64x256xf32, #tpu.memory_space<vmem>>, vector<1x16xf32>,
          %get3A_514 = arith.index_cast %scan3A_230 : i32 to index
          %get3A_515 = arith.constant 240 : index
          %get3A_516 = tpu.vector_load %arg7[%get3A_514, %get3A_515] {strides = array<i32>} : memref<128x256xf32, #tpu.memory_space<vmem>>, vector<1x16xf32>,
          %get3A_517 = vector.shape_cast %get3A_516 : vector<1x16xf32> to vector<16xf32>
          %add3A_518 = arith.constant 64 : i32
          %add3A_519 = arith.addi %add3A_518, %scan3A_230 : i32
          %get3A_520 = arith.index_cast %add3A_519 : i32 to index
          %get3A_521 = arith.constant 240 : index
          %get3A_522 = tpu.vector_load %arg7[%get3A_520, %get3A_521] {strides = array<i32>} : memref<128x256xf32, #tpu.memory_space<vmem>>, vector<1x16xf32>,
          %get3A_523 = vector.shape_cast %get3A_522 : vector<1x16xf32> to vector<16xf32>
          %add3A_524 = arith.addf %get3A_517, %get3A_523 : vector<16xf32>
          %mul3A_525 = arith.constant 5.000000e-01 : f32
          %mul3A_526 = vector.broadcast %mul3A_525 : f32 to vector<16xf32>
          %mul3A_527 = arith.mulf %add3A_524, %mul3A_526 : vector<16xf32>
          %swap3A_528 = arith.index_cast %scan3A_230 : i32 to index
          %swap3A_529 = arith.constant 240 : index
          %swap3A_530 = tpu.vector_load %arg9[%swap3A_528, %swap3A_529] {strides = array<i32>} : memref<64x256xf32, #tpu.memory_space<vmem>>, vector<1x16xf32>,
          %swap3A_531 = vector.shape_cast %swap3A_530 : vector<1x16xf32> to vector<16xf32>
          %swap3A_532 = vector.shape_cast %mul3A_527 : vector<16xf32> to vector<1x16xf32>
          tpu.vector_store %arg9[%swap3A_528, %swap3A_529], %swap3A_532 {strides = array<i32>} : memref<64x256xf32, #tpu.memory_space<vmem>>, vector<1x16xf32>,
        }
        %scan3A_229 = arith.constant 64 : i32
      } else {
      }
      %mul3A_130 = arith.constant 64 : i32
      %mul3A_131 = arith.muli %add3A_55, %mul3A_130 : i32
      %dma_start3A_132 = arith.constant 0 : i32
      %dma_start3A_133 = tpu.memref_slice %arg4[%mul3A_131, %dma_start3A_132] : memref<327744x256xf32, #tpu.memory_space<hbm>> -> memref<64x256xf32, #tpu.memory_space<hbm>>
      %dma_start3A_134 = arith.constant 0 : i32
      %dma_start3A_135 = tpu.memref_slice %arg4[%mul3A_131, %dma_start3A_134] : memref<327744x256xf32, #tpu.memory_space<hbm>> -> memref<64x256xf32, #tpu.memory_space<hbm>>
      tpu.enqueue_dma source(%arg9 : memref<64x256xf32, #tpu.memory_space<vmem>>) target(%dma_start3A_135 : memref<64x256xf32, #tpu.memory_space<hbm>>) target_semaphore(%arg13 : memref<!tpu.dma_semaphore, #tpu.memory_space<semaphore_mem>>)
      %mul3A_136 = arith.constant 2 : i32
      %mul3A_137 = arith.muli %scan3A_50, %mul3A_136 : i32
      %add3A_138 = arith.constant 1 : i32
      %add3A_139 = arith.addi %mul3A_137, %add3A_138 : i32
      %mul3A_140 = arith.constant 32 : i32
      %mul3A_141 = arith.muli %add3A_139, %mul3A_140 : i32
      %add3A_142 = arith.addi %mul3A_141, %add3A : i32
      %add3A_143 = arith.constant 1 : i32
      %add3A_144 = arith.addi %add3A_139, %add3A_143 : i32
      %lt3A_145 = arith.constant 160 : i32
      %lt3A_146 = arith.cmpi slt, %add3A_144, %lt3A_145 : i32
      %convert_element_type3A_147 = arith.extui %lt3A_146 : i1 to i32
      %cond3A_148 = arith.constant 0 : i32
      %cond3A_149 = arith.cmpi ne, %convert_element_type3A_147, %cond3A_148 : i32
      scf.if %cond3A_149 {
        %dma_wait3A_224 = arith.constant 0 : i32
        %dma_wait3A_225 = tpu.memref_slice %arg3[%dma_wait3A_224] : memref<655488xi32, #tpu.memory_space<hbm>> -> memref<128xi32, #tpu.memory_space<hbm>>
        %dma_wait3A_226 = arith.constant 0 : i32
        %dma_wait3A_227 = tpu.memref_slice %arg3[%dma_wait3A_226] : memref<655488xi32, #tpu.memory_space<hbm>> -> memref<128xi32, #tpu.memory_space<hbm>>
        tpu.wait_dma2 semaphore(%arg15 : memref<!tpu.dma_semaphore, #tpu.memory_space<semaphore_mem>>) src(%dma_wait3A_227 : memref<128xi32, #tpu.memory_space<hbm>>) dst(%arg5 : memref<128xi32, #tpu.memory_space<vmem>>)
        %add3A_228 = arith.constant 1 : i32
        %add3A_229 = arith.addi %add3A_139, %add3A_228 : i32
        %mul3A_230 = arith.constant 32 : i32
        %mul3A_231 = arith.muli %add3A_229, %mul3A_230 : i32
        %add3A_232 = arith.addi %mul3A_231, %add3A : i32
        %mul3A_233 = arith.constant 64 : i32
        %mul3A_234 = arith.muli %add3A_232, %mul3A_233 : i32
        %jit3A_235 = arith.constant 10242 : i32
        %eq3A_236 = arith.constant 0 : i32
        %eq3A_237 = arith.cmpi eq, %jit3A_235, %eq3A_236 : i32
        %jit3A_238 = arith.constant 1 : i32
        %select_n3A_239 = arith.select %eq3A_237, %jit3A_238, %jit3A_235 : i32
        %rem3A_240 = arith.remsi %mul3A_234, %select_n3A_239 : i32
        %ne3A_241 = arith.constant 0 : i32
        %ne3A_242 = arith.cmpi ne, %rem3A_240, %ne3A_241 : i32
        %lt3A_243 = arith.constant 0 : i32
        %lt3A_244 = arith.cmpi slt, %rem3A_240, %lt3A_243 : i32
        %lt3A_245 = arith.constant 0 : i32
        %lt3A_246 = arith.cmpi slt, %select_n3A_239, %lt3A_245 : i32
        %ne3A_247 = arith.xori %lt3A_244, %lt3A_246 : i1
        %and3A_248 = arith.andi %ne3A_247, %ne3A_242 : i1
        %add3A_249 = arith.addi %rem3A_240, %select_n3A_239 : i32
        %select_n3A_250 = arith.select %and3A_248, %add3A_249, %rem3A_240 : i32
        %le3A_251 = arith.constant 2498 : i32
        %le3A_252 = arith.cmpi sle, %select_n3A_250, %le3A_251 : i32
        %convert_element_type3A_253 = arith.extui %le3A_252 : i1 to i32
        %cond3A_254 = arith.constant 0 : i32
        %cond3A_255 = arith.cmpi ne, %convert_element_type3A_253, %cond3A_254 : i32
        scf.if %cond3A_255 {
          %dma_start3A_261 = arith.constant 0 : i32
          %dma_start3A_262 = arith.constant 0 : i32
          %dma_start3A_263 = tpu.memref_slice %arg7[%dma_start3A_261, %dma_start3A_262] : memref<128x256xf32, #tpu.memory_space<vmem>> -> memref<64x256xf32, #tpu.memory_space<vmem>>
          %dma_start3A_264 = arith.constant 0 : i32
          %dma_start3A_265 = tpu.memref_slice %arg5[%dma_start3A_264] : memref<128xi32, #tpu.memory_space<vmem>> -> memref<64xi32, #tpu.memory_space<vmem>>
          %dma_start3A_266 = arith.constant 0 : i32
          %dma_start3A_267 = arith.constant 0 : i32
          %dma_start3A_268 = tpu.memref_slice %arg2[%dma_start3A_266, %dma_start3A_267] : memref<81984x256xf32, #tpu.memory_space<hbm>> -> memref<81984x256xf32, #tpu.memory_space<hbm>>
          tpu.enqueue_indirect_dma source(%dma_start3A_268 : memref<81984x256xf32, #tpu.memory_space<hbm>>) target(%dma_start3A_263 : memref<64x256xf32, #tpu.memory_space<vmem>>) offsets(%dma_start3A_265 : memref<64xi32, #tpu.memory_space<vmem>>) semaphore(%arg11 : memref<!tpu.dma_semaphore, #tpu.memory_space<semaphore_mem>>)
        } else {
        }
        %not3A_256 = arith.constant true
        %not3A_257 = arith.xori %le3A_252, %not3A_256 : i1
        %convert_element_type3A_258 = arith.extui %not3A_257 : i1 to i32
        %cond3A_259 = arith.constant 0 : i32
        %cond3A_260 = arith.cmpi ne, %convert_element_type3A_258, %cond3A_259 : i32
        scf.if %cond3A_260 {
          %dma_start3A_261 = arith.constant 0 : i32
          %dma_start3A_262 = arith.constant 0 : i32
          %dma_start3A_263 = tpu.memref_slice %arg7[%dma_start3A_261, %dma_start3A_262] : memref<128x256xf32, #tpu.memory_space<vmem>> -> memref<64x256xf32, #tpu.memory_space<vmem>>
          %dma_start3A_264 = arith.constant 0 : i32
          %dma_start3A_265 = tpu.memref_slice %arg5[%dma_start3A_264] : memref<128xi32, #tpu.memory_space<vmem>> -> memref<64xi32, #tpu.memory_space<vmem>>
          %dma_start3A_266 = arith.constant 0 : i32
          %dma_start3A_267 = arith.constant 0 : i32
          %dma_start3A_268 = tpu.memref_slice %arg2[%dma_start3A_266, %dma_start3A_267] : memref<81984x256xf32, #tpu.memory_space<hbm>> -> memref<81984x256xf32, #tpu.memory_space<hbm>>
          tpu.enqueue_indirect_dma source(%dma_start3A_268 : memref<81984x256xf32, #tpu.memory_space<hbm>>) target(%dma_start3A_263 : memref<64x256xf32, #tpu.memory_space<vmem>>) offsets(%dma_start3A_265 : memref<64xi32, #tpu.memory_space<vmem>>) semaphore(%arg11 : memref<!tpu.dma_semaphore, #tpu.memory_space<semaphore_mem>>)
          %dma_start3A_269 = arith.constant 64 : i32
          %dma_start3A_270 = arith.constant 0 : i32
          %dma_start3A_271 = tpu.memref_slice %arg7[%dma_start3A_269, %dma_start3A_270] : memref<128x256xf32, #tpu.memory_space<vmem>> -> memref<64x256xf32, #tpu.memory_space<vmem>>
          %dma_start3A_272 = arith.constant 64 : i32
          %dma_start3A_273 = tpu.memref_slice %arg5[%dma_start3A_272] : memref<128xi32, #tpu.memory_space<vmem>> -> memref<64xi32, #tpu.memory_space<vmem>>
          %dma_start3A_274 = arith.constant 0 : i32
          %dma_start3A_275 = arith.constant 0 : i32
          %dma_start3A_276 = tpu.memref_slice %arg2[%dma_start3A_274, %dma_start3A_275] : memref<81984x256xf32, #tpu.memory_space<hbm>> -> memref<81984x256xf32, #tpu.memory_space<hbm>>
          tpu.enqueue_indirect_dma source(%dma_start3A_276 : memref<81984x256xf32, #tpu.memory_space<hbm>>) target(%dma_start3A_271 : memref<64x256xf32, #tpu.memory_space<vmem>>) offsets(%dma_start3A_273 : memref<64xi32, #tpu.memory_space<vmem>>) semaphore(%arg17 : memref<!tpu.dma_semaphore, #tpu.memory_space<semaphore_mem>>)
        } else {
        }
      } else {
      }
      %mul3A_150 = arith.constant 64 : i32
      %mul3A_151 = arith.muli %add3A_142, %mul3A_150 : i32
      %jit3A_152 = arith.constant 10242 : i32
      %eq3A_153 = arith.constant 0 : i32
      %eq3A_154 = arith.cmpi eq, %jit3A_152, %eq3A_153 : i32
      %jit3A_155 = arith.constant 1 : i32
      %select_n3A_156 = arith.select %eq3A_154, %jit3A_155, %jit3A_152 : i32
      %rem3A_157 = arith.remsi %mul3A_151, %select_n3A_156 : i32
      %ne3A_158 = arith.constant 0 : i32
      %ne3A_159 = arith.cmpi ne, %rem3A_157, %ne3A_158 : i32
      %lt3A_160 = arith.constant 0 : i32
      %lt3A_161 = arith.cmpi slt, %rem3A_157, %lt3A_160 : i32
      %lt3A_162 = arith.constant 0 : i32
      %lt3A_163 = arith.cmpi slt, %select_n3A_156, %lt3A_162 : i32
      %ne3A_164 = arith.xori %lt3A_161, %lt3A_163 : i1
      %and3A_165 = arith.andi %ne3A_164, %ne3A_159 : i1
      %add3A_166 = arith.addi %rem3A_157, %select_n3A_156 : i32
      %select_n3A_167 = arith.select %and3A_165, %add3A_166, %rem3A_157 : i32
      %le3A_168 = arith.constant 2498 : i32
      %le3A_169 = arith.cmpi sle, %select_n3A_167, %le3A_168 : i32
      %convert_element_type3A_170 = arith.extui %le3A_169 : i1 to i32
      %cond3A_171 = arith.constant 0 : i32
      %cond3A_172 = arith.cmpi ne, %convert_element_type3A_170, %cond3A_171 : i32
      scf.if %cond3A_172 {
        %dma_wait3A_224 = arith.constant 0 : i32
        %dma_wait3A_225 = arith.constant 0 : i32
        %dma_wait3A_226 = tpu.memref_slice %arg8[%dma_wait3A_224, %dma_wait3A_225] : memref<128x256xf32, #tpu.memory_space<vmem>> -> memref<64x256xf32, #tpu.memory_space<vmem>>
        %dma_wait3A_227 = arith.constant 0 : i32
        %dma_wait3A_228 = tpu.memref_slice %arg6[%dma_wait3A_227] : memref<128xi32, #tpu.memory_space<vmem>> -> memref<64xi32, #tpu.memory_space<vmem>>
        %dma_wait3A_229 = arith.constant 0 : i32
        %dma_wait3A_230 = arith.constant 0 : i32
        %dma_wait3A_231 = tpu.memref_slice %arg2[%dma_wait3A_229, %dma_wait3A_230] : memref<81984x256xf32, #tpu.memory_space<hbm>> -> memref<81984x256xf32, #tpu.memory_space<hbm>>
        tpu.wait_indirect_dma semaphore(%arg12 : memref<!tpu.dma_semaphore, #tpu.memory_space<semaphore_mem>>) src(%dma_wait3A_231 : memref<81984x256xf32, #tpu.memory_space<hbm>>) dst(%dma_wait3A_226 : memref<64x256xf32, #tpu.memory_space<vmem>>)
      } else {
      }
      %not3A_173 = arith.constant true
      %not3A_174 = arith.xori %le3A_169, %not3A_173 : i1
      %convert_element_type3A_175 = arith.extui %not3A_174 : i1 to i32
      %cond3A_176 = arith.constant 0 : i32
      %cond3A_177 = arith.cmpi ne, %convert_element_type3A_175, %cond3A_176 : i32
      scf.if %cond3A_177 {
        %dma_wait3A_224 = arith.constant 0 : i32
        %dma_wait3A_225 = arith.constant 0 : i32
        %dma_wait3A_226 = tpu.memref_slice %arg8[%dma_wait3A_224, %dma_wait3A_225] : memref<128x256xf32, #tpu.memory_space<vmem>> -> memref<64x256xf32, #tpu.memory_space<vmem>>
        %dma_wait3A_227 = arith.constant 0 : i32
        %dma_wait3A_228 = tpu.memref_slice %arg6[%dma_wait3A_227] : memref<128xi32, #tpu.memory_space<vmem>> -> memref<64xi32, #tpu.memory_space<vmem>>
        %dma_wait3A_229 = arith.constant 0 : i32
        %dma_wait3A_230 = arith.constant 0 : i32
        %dma_wait3A_231 = tpu.memref_slice %arg2[%dma_wait3A_229, %dma_wait3A_230] : memref<81984x256xf32, #tpu.memory_space<hbm>> -> memref<81984x256xf32, #tpu.memory_space<hbm>>
        tpu.wait_indirect_dma semaphore(%arg12 : memref<!tpu.dma_semaphore, #tpu.memory_space<semaphore_mem>>) src(%dma_wait3A_231 : memref<81984x256xf32, #tpu.memory_space<hbm>>) dst(%dma_wait3A_226 : memref<64x256xf32, #tpu.memory_space<vmem>>)
        %dma_wait3A_232 = arith.constant 64 : i32
        %dma_wait3A_233 = arith.constant 0 : i32
        %dma_wait3A_234 = tpu.memref_slice %arg8[%dma_wait3A_232, %dma_wait3A_233] : memref<128x256xf32, #tpu.memory_space<vmem>> -> memref<64x256xf32, #tpu.memory_space<vmem>>
        %dma_wait3A_235 = arith.constant 64 : i32
        %dma_wait3A_236 = tpu.memref_slice %arg6[%dma_wait3A_235] : memref<128xi32, #tpu.memory_space<vmem>> -> memref<64xi32, #tpu.memory_space<vmem>>
        %dma_wait3A_237 = arith.constant 0 : i32
        %dma_wait3A_238 = arith.constant 0 : i32
        %dma_wait3A_239 = tpu.memref_slice %arg2[%dma_wait3A_237, %dma_wait3A_238] : memref<81984x256xf32, #tpu.memory_space<hbm>> -> memref<81984x256xf32, #tpu.memory_space<hbm>>
        tpu.wait_indirect_dma semaphore(%arg18 : memref<!tpu.dma_semaphore, #tpu.memory_space<semaphore_mem>>) src(%dma_wait3A_239 : memref<81984x256xf32, #tpu.memory_space<hbm>>) dst(%dma_wait3A_234 : memref<64x256xf32, #tpu.memory_space<vmem>>)
      } else {
      }
      %add3A_178 = arith.constant 2 : i32
      %add3A_179 = arith.addi %add3A_139, %add3A_178 : i32
      %lt3A_180 = arith.constant 160 : i32
      %lt3A_181 = arith.cmpi slt, %add3A_179, %lt3A_180 : i32
      %convert_element_type3A_182 = arith.extui %lt3A_181 : i1 to i32
      %cond3A_183 = arith.constant 0 : i32
      %cond3A_184 = arith.cmpi ne, %convert_element_type3A_182, %cond3A_183 : i32
      scf.if %cond3A_184 {
        %add3A_224 = arith.constant 2 : i32
        %add3A_225 = arith.addi %add3A_139, %add3A_224 : i32
        %mul3A_226 = arith.constant 32 : i32
        %mul3A_227 = arith.muli %add3A_225, %mul3A_226 : i32
        %add3A_228 = arith.addi %mul3A_227, %add3A : i32
        %mul3A_229 = arith.constant 2 : i32
        %mul3A_230 = arith.muli %add3A_228, %mul3A_229 : i32
        %mul3A_231 = arith.constant 64 : i32
        %mul3A_232 = arith.muli %mul3A_230, %mul3A_231 : i32
        %dma_start3A_233 = tpu.memref_slice %arg3[%mul3A_232] : memref<655488xi32, #tpu.memory_space<hbm>> -> memref<128xi32, #tpu.memory_space<hbm>>
        %dma_start3A_234 = tpu.memref_slice %arg3[%mul3A_232] : memref<655488xi32, #tpu.memory_space<hbm>> -> memref<128xi32, #tpu.memory_space<hbm>>
        tpu.enqueue_dma source(%dma_start3A_234 : memref<128xi32, #tpu.memory_space<hbm>>) target(%arg6 : memref<128xi32, #tpu.memory_space<vmem>>) target_semaphore(%arg16 : memref<!tpu.dma_semaphore, #tpu.memory_space<semaphore_mem>>)
      } else {
      }
      %ge3A_185 = arith.constant 2 : i32
      %ge3A_186 = arith.cmpi sge, %add3A_139, %ge3A_185 : i32
      %convert_element_type3A_187 = arith.extui %ge3A_186 : i1 to i32
      %cond3A_188 = arith.constant 0 : i32
      %cond3A_189 = arith.cmpi ne, %convert_element_type3A_187, %cond3A_188 : i32
      scf.if %cond3A_189 {
        %dma_wait3A_224 = arith.constant 0 : i32
        %dma_wait3A_225 = arith.constant 0 : i32
        %dma_wait3A_226 = tpu.memref_slice %arg4[%dma_wait3A_224, %dma_wait3A_225] : memref<327744x256xf32, #tpu.memory_space<hbm>> -> memref<64x256xf32, #tpu.memory_space<hbm>>
        %dma_wait3A_227 = arith.constant 0 : i32
        %dma_wait3A_228 = arith.constant 0 : i32
        %dma_wait3A_229 = tpu.memref_slice %arg4[%dma_wait3A_227, %dma_wait3A_228] : memref<327744x256xf32, #tpu.memory_space<hbm>> -> memref<64x256xf32, #tpu.memory_space<hbm>>
        tpu.wait_dma2 semaphore(%arg14 : memref<!tpu.dma_semaphore, #tpu.memory_space<semaphore_mem>>) src(%arg10 : memref<64x256xf32, #tpu.memory_space<vmem>>) dst(%dma_wait3A_229 : memref<64x256xf32, #tpu.memory_space<hbm>>)
      } else {
      }
      %mul3A_190 = arith.constant 64 : i32
      %mul3A_191 = arith.muli %add3A_142, %mul3A_190 : i32
      %jit3A_192 = arith.constant 10242 : i32
      %eq3A_193 = arith.constant 0 : i32
      %eq3A_194 = arith.cmpi eq, %jit3A_192, %eq3A_193 : i32
      %jit3A_195 = arith.constant 1 : i32
      %select_n3A_196 = arith.select %eq3A_194, %jit3A_195, %jit3A_192 : i32
      %rem3A_197 = arith.remsi %mul3A_191, %select_n3A_196 : i32
      %ne3A_198 = arith.constant 0 : i32
      %ne3A_199 = arith.cmpi ne, %rem3A_197, %ne3A_198 : i32
      %lt3A_200 = arith.constant 0 : i32
      %lt3A_201 = arith.cmpi slt, %rem3A_197, %lt3A_200 : i32
      %lt3A_202 = arith.constant 0 : i32
      %lt3A_203 = arith.cmpi slt, %select_n3A_196, %lt3A_202 : i32
      %ne3A_204 = arith.xori %lt3A_201, %lt3A_203 : i1
      %and3A_205 = arith.andi %ne3A_204, %ne3A_199 : i1
      %add3A_206 = arith.addi %rem3A_197, %select_n3A_196 : i32
      %select_n3A_207 = arith.select %and3A_205, %add3A_206, %rem3A_197 : i32
      %le3A_208 = arith.constant 2498 : i32
      %le3A_209 = arith.cmpi sle, %select_n3A_207, %le3A_208 : i32
      %convert_element_type3A_210 = arith.extui %le3A_209 : i1 to i32
      %cond3A_211 = arith.constant 0 : i32
      %cond3A_212 = arith.cmpi ne, %convert_element_type3A_210, %cond3A_211 : i32
      scf.if %cond3A_212 {
        %scan3A_224 = arith.constant 0 : i32
        %scan3A_225 = arith.constant 0 : i32
        %scan3A_226 = arith.constant 64 : i32
        %scan3A_227 = arith.addi %scan3A_225, %scan3A_226 : i32
        %scan3A_228 = arith.constant 1 : i32
        scf.for %scan3A_230 = %scan3A_225 to %scan3A_227 step %scan3A_228  : i32 {
          %get3A = arith.index_cast %scan3A_230 : i32 to index
          %get3A_231 = arith.constant 0 : index
          %get3A_232 = tpu.vector_load %arg8[%get3A, %get3A_231] {strides = array<i32>} : memref<128x256xf32, #tpu.memory_space<vmem>>, vector<1x16xf32>,
          %get3A_233 = vector.shape_cast %get3A_232 : vector<1x16xf32> to vector<16xf32>
          %swap3A = arith.index_cast %scan3A_230 : i32 to index
          %swap3A_234 = arith.constant 0 : index
          %swap3A_235 = tpu.vector_load %arg10[%swap3A, %swap3A_234] {strides = array<i32>} : memref<64x256xf32, #tpu.memory_space<vmem>>, vector<1x16xf32>,
          %swap3A_236 = vector.shape_cast %swap3A_235 : vector<1x16xf32> to vector<16xf32>
          %swap3A_237 = vector.shape_cast %get3A_233 : vector<16xf32> to vector<1x16xf32>
          tpu.vector_store %arg10[%swap3A, %swap3A_234], %swap3A_237 {strides = array<i32>} : memref<64x256xf32, #tpu.memory_space<vmem>>, vector<1x16xf32>,
          %get3A_238 = arith.index_cast %scan3A_230 : i32 to index
          %get3A_239 = arith.constant 16 : index
          %get3A_240 = tpu.vector_load %arg8[%get3A_238, %get3A_239] {strides = array<i32>} : memref<128x256xf32, #tpu.memory_space<vmem>>, vector<1x16xf32>,
          %get3A_241 = vector.shape_cast %get3A_240 : vector<1x16xf32> to vector<16xf32>
          %swap3A_242 = arith.index_cast %scan3A_230 : i32 to index
          %swap3A_243 = arith.constant 16 : index
          %swap3A_244 = tpu.vector_load %arg10[%swap3A_242, %swap3A_243] {strides = array<i32>} : memref<64x256xf32, #tpu.memory_space<vmem>>, vector<1x16xf32>,
          %swap3A_245 = vector.shape_cast %swap3A_244 : vector<1x16xf32> to vector<16xf32>
          %swap3A_246 = vector.shape_cast %get3A_241 : vector<16xf32> to vector<1x16xf32>
          tpu.vector_store %arg10[%swap3A_242, %swap3A_243], %swap3A_246 {strides = array<i32>} : memref<64x256xf32, #tpu.memory_space<vmem>>, vector<1x16xf32>,
          %get3A_247 = arith.index_cast %scan3A_230 : i32 to index
          %get3A_248 = arith.constant 32 : index
          %get3A_249 = tpu.vector_load %arg8[%get3A_247, %get3A_248] {strides = array<i32>} : memref<128x256xf32, #tpu.memory_space<vmem>>, vector<1x16xf32>,
          %get3A_250 = vector.shape_cast %get3A_249 : vector<1x16xf32> to vector<16xf32>
          %swap3A_251 = arith.index_cast %scan3A_230 : i32 to index
          %swap3A_252 = arith.constant 32 : index
          %swap3A_253 = tpu.vector_load %arg10[%swap3A_251, %swap3A_252] {strides = array<i32>} : memref<64x256xf32, #tpu.memory_space<vmem>>, vector<1x16xf32>,
          %swap3A_254 = vector.shape_cast %swap3A_253 : vector<1x16xf32> to vector<16xf32>
          %swap3A_255 = vector.shape_cast %get3A_250 : vector<16xf32> to vector<1x16xf32>
          tpu.vector_store %arg10[%swap3A_251, %swap3A_252], %swap3A_255 {strides = array<i32>} : memref<64x256xf32, #tpu.memory_space<vmem>>, vector<1x16xf32>,
          %get3A_256 = arith.index_cast %scan3A_230 : i32 to index
          %get3A_257 = arith.constant 48 : index
          %get3A_258 = tpu.vector_load %arg8[%get3A_256, %get3A_257] {strides = array<i32>} : memref<128x256xf32, #tpu.memory_space<vmem>>, vector<1x16xf32>,
          %get3A_259 = vector.shape_cast %get3A_258 : vector<1x16xf32> to vector<16xf32>
          %swap3A_260 = arith.index_cast %scan3A_230 : i32 to index
          %swap3A_261 = arith.constant 48 : index
          %swap3A_262 = tpu.vector_load %arg10[%swap3A_260, %swap3A_261] {strides = array<i32>} : memref<64x256xf32, #tpu.memory_space<vmem>>, vector<1x16xf32>,
          %swap3A_263 = vector.shape_cast %swap3A_262 : vector<1x16xf32> to vector<16xf32>
          %swap3A_264 = vector.shape_cast %get3A_259 : vector<16xf32> to vector<1x16xf32>
          tpu.vector_store %arg10[%swap3A_260, %swap3A_261], %swap3A_264 {strides = array<i32>} : memref<64x256xf32, #tpu.memory_space<vmem>>, vector<1x16xf32>,
          %get3A_265 = arith.index_cast %scan3A_230 : i32 to index
          %get3A_266 = arith.constant 64 : index
          %get3A_267 = tpu.vector_load %arg8[%get3A_265, %get3A_266] {strides = array<i32>} : memref<128x256xf32, #tpu.memory_space<vmem>>, vector<1x16xf32>,
          %get3A_268 = vector.shape_cast %get3A_267 : vector<1x16xf32> to vector<16xf32>
          %swap3A_269 = arith.index_cast %scan3A_230 : i32 to index
          %swap3A_270 = arith.constant 64 : index
          %swap3A_271 = tpu.vector_load %arg10[%swap3A_269, %swap3A_270] {strides = array<i32>} : memref<64x256xf32, #tpu.memory_space<vmem>>, vector<1x16xf32>,
          %swap3A_272 = vector.shape_cast %swap3A_271 : vector<1x16xf32> to vector<16xf32>
          %swap3A_273 = vector.shape_cast %get3A_268 : vector<16xf32> to vector<1x16xf32>
          tpu.vector_store %arg10[%swap3A_269, %swap3A_270], %swap3A_273 {strides = array<i32>} : memref<64x256xf32, #tpu.memory_space<vmem>>, vector<1x16xf32>,
          %get3A_274 = arith.index_cast %scan3A_230 : i32 to index
          %get3A_275 = arith.constant 80 : index
          %get3A_276 = tpu.vector_load %arg8[%get3A_274, %get3A_275] {strides = array<i32>} : memref<128x256xf32, #tpu.memory_space<vmem>>, vector<1x16xf32>,
          %get3A_277 = vector.shape_cast %get3A_276 : vector<1x16xf32> to vector<16xf32>
          %swap3A_278 = arith.index_cast %scan3A_230 : i32 to index
          %swap3A_279 = arith.constant 80 : index
          %swap3A_280 = tpu.vector_load %arg10[%swap3A_278, %swap3A_279] {strides = array<i32>} : memref<64x256xf32, #tpu.memory_space<vmem>>, vector<1x16xf32>,
          %swap3A_281 = vector.shape_cast %swap3A_280 : vector<1x16xf32> to vector<16xf32>
          %swap3A_282 = vector.shape_cast %get3A_277 : vector<16xf32> to vector<1x16xf32>
          tpu.vector_store %arg10[%swap3A_278, %swap3A_279], %swap3A_282 {strides = array<i32>} : memref<64x256xf32, #tpu.memory_space<vmem>>, vector<1x16xf32>,
          %get3A_283 = arith.index_cast %scan3A_230 : i32 to index
          %get3A_284 = arith.constant 96 : index
          %get3A_285 = tpu.vector_load %arg8[%get3A_283, %get3A_284] {strides = array<i32>} : memref<128x256xf32, #tpu.memory_space<vmem>>, vector<1x16xf32>,
          %get3A_286 = vector.shape_cast %get3A_285 : vector<1x16xf32> to vector<16xf32>
          %swap3A_287 = arith.index_cast %scan3A_230 : i32 to index
          %swap3A_288 = arith.constant 96 : index
          %swap3A_289 = tpu.vector_load %arg10[%swap3A_287, %swap3A_288] {strides = array<i32>} : memref<64x256xf32, #tpu.memory_space<vmem>>, vector<1x16xf32>,
          %swap3A_290 = vector.shape_cast %swap3A_289 : vector<1x16xf32> to vector<16xf32>
          %swap3A_291 = vector.shape_cast %get3A_286 : vector<16xf32> to vector<1x16xf32>
          tpu.vector_store %arg10[%swap3A_287, %swap3A_288], %swap3A_291 {strides = array<i32>} : memref<64x256xf32, #tpu.memory_space<vmem>>, vector<1x16xf32>,
          %get3A_292 = arith.index_cast %scan3A_230 : i32 to index
          %get3A_293 = arith.constant 112 : index
          %get3A_294 = tpu.vector_load %arg8[%get3A_292, %get3A_293] {strides = array<i32>} : memref<128x256xf32, #tpu.memory_space<vmem>>, vector<1x16xf32>,
          %get3A_295 = vector.shape_cast %get3A_294 : vector<1x16xf32> to vector<16xf32>
          %swap3A_296 = arith.index_cast %scan3A_230 : i32 to index
          %swap3A_297 = arith.constant 112 : index
          %swap3A_298 = tpu.vector_load %arg10[%swap3A_296, %swap3A_297] {strides = array<i32>} : memref<64x256xf32, #tpu.memory_space<vmem>>, vector<1x16xf32>,
          %swap3A_299 = vector.shape_cast %swap3A_298 : vector<1x16xf32> to vector<16xf32>
          %swap3A_300 = vector.shape_cast %get3A_295 : vector<16xf32> to vector<1x16xf32>
          tpu.vector_store %arg10[%swap3A_296, %swap3A_297], %swap3A_300 {strides = array<i32>} : memref<64x256xf32, #tpu.memory_space<vmem>>, vector<1x16xf32>,
          %get3A_301 = arith.index_cast %scan3A_230 : i32 to index
          %get3A_302 = arith.constant 128 : index
          %get3A_303 = tpu.vector_load %arg8[%get3A_301, %get3A_302] {strides = array<i32>} : memref<128x256xf32, #tpu.memory_space<vmem>>, vector<1x16xf32>,
          %get3A_304 = vector.shape_cast %get3A_303 : vector<1x16xf32> to vector<16xf32>
          %swap3A_305 = arith.index_cast %scan3A_230 : i32 to index
          %swap3A_306 = arith.constant 128 : index
          %swap3A_307 = tpu.vector_load %arg10[%swap3A_305, %swap3A_306] {strides = array<i32>} : memref<64x256xf32, #tpu.memory_space<vmem>>, vector<1x16xf32>,
          %swap3A_308 = vector.shape_cast %swap3A_307 : vector<1x16xf32> to vector<16xf32>
          %swap3A_309 = vector.shape_cast %get3A_304 : vector<16xf32> to vector<1x16xf32>
          tpu.vector_store %arg10[%swap3A_305, %swap3A_306], %swap3A_309 {strides = array<i32>} : memref<64x256xf32, #tpu.memory_space<vmem>>, vector<1x16xf32>,
          %get3A_310 = arith.index_cast %scan3A_230 : i32 to index
          %get3A_311 = arith.constant 144 : index
          %get3A_312 = tpu.vector_load %arg8[%get3A_310, %get3A_311] {strides = array<i32>} : memref<128x256xf32, #tpu.memory_space<vmem>>, vector<1x16xf32>,
          %get3A_313 = vector.shape_cast %get3A_312 : vector<1x16xf32> to vector<16xf32>
          %swap3A_314 = arith.index_cast %scan3A_230 : i32 to index
          %swap3A_315 = arith.constant 144 : index
          %swap3A_316 = tpu.vector_load %arg10[%swap3A_314, %swap3A_315] {strides = array<i32>} : memref<64x256xf32, #tpu.memory_space<vmem>>, vector<1x16xf32>,
          %swap3A_317 = vector.shape_cast %swap3A_316 : vector<1x16xf32> to vector<16xf32>
          %swap3A_318 = vector.shape_cast %get3A_313 : vector<16xf32> to vector<1x16xf32>
          tpu.vector_store %arg10[%swap3A_314, %swap3A_315], %swap3A_318 {strides = array<i32>} : memref<64x256xf32, #tpu.memory_space<vmem>>, vector<1x16xf32>,
          %get3A_319 = arith.index_cast %scan3A_230 : i32 to index
          %get3A_320 = arith.constant 160 : index
          %get3A_321 = tpu.vector_load %arg8[%get3A_319, %get3A_320] {strides = array<i32>} : memref<128x256xf32, #tpu.memory_space<vmem>>, vector<1x16xf32>,
          %get3A_322 = vector.shape_cast %get3A_321 : vector<1x16xf32> to vector<16xf32>
          %swap3A_323 = arith.index_cast %scan3A_230 : i32 to index
          %swap3A_324 = arith.constant 160 : index
          %swap3A_325 = tpu.vector_load %arg10[%swap3A_323, %swap3A_324] {strides = array<i32>} : memref<64x256xf32, #tpu.memory_space<vmem>>, vector<1x16xf32>,
          %swap3A_326 = vector.shape_cast %swap3A_325 : vector<1x16xf32> to vector<16xf32>
          %swap3A_327 = vector.shape_cast %get3A_322 : vector<16xf32> to vector<1x16xf32>
          tpu.vector_store %arg10[%swap3A_323, %swap3A_324], %swap3A_327 {strides = array<i32>} : memref<64x256xf32, #tpu.memory_space<vmem>>, vector<1x16xf32>,
          %get3A_328 = arith.index_cast %scan3A_230 : i32 to index
          %get3A_329 = arith.constant 176 : index
          %get3A_330 = tpu.vector_load %arg8[%get3A_328, %get3A_329] {strides = array<i32>} : memref<128x256xf32, #tpu.memory_space<vmem>>, vector<1x16xf32>,
          %get3A_331 = vector.shape_cast %get3A_330 : vector<1x16xf32> to vector<16xf32>
          %swap3A_332 = arith.index_cast %scan3A_230 : i32 to index
          %swap3A_333 = arith.constant 176 : index
          %swap3A_334 = tpu.vector_load %arg10[%swap3A_332, %swap3A_333] {strides = array<i32>} : memref<64x256xf32, #tpu.memory_space<vmem>>, vector<1x16xf32>,
          %swap3A_335 = vector.shape_cast %swap3A_334 : vector<1x16xf32> to vector<16xf32>
          %swap3A_336 = vector.shape_cast %get3A_331 : vector<16xf32> to vector<1x16xf32>
          tpu.vector_store %arg10[%swap3A_332, %swap3A_333], %swap3A_336 {strides = array<i32>} : memref<64x256xf32, #tpu.memory_space<vmem>>, vector<1x16xf32>,
          %get3A_337 = arith.index_cast %scan3A_230 : i32 to index
          %get3A_338 = arith.constant 192 : index
          %get3A_339 = tpu.vector_load %arg8[%get3A_337, %get3A_338] {strides = array<i32>} : memref<128x256xf32, #tpu.memory_space<vmem>>, vector<1x16xf32>,
          %get3A_340 = vector.shape_cast %get3A_339 : vector<1x16xf32> to vector<16xf32>
          %swap3A_341 = arith.index_cast %scan3A_230 : i32 to index
          %swap3A_342 = arith.constant 192 : index
          %swap3A_343 = tpu.vector_load %arg10[%swap3A_341, %swap3A_342] {strides = array<i32>} : memref<64x256xf32, #tpu.memory_space<vmem>>, vector<1x16xf32>,
          %swap3A_344 = vector.shape_cast %swap3A_343 : vector<1x16xf32> to vector<16xf32>
          %swap3A_345 = vector.shape_cast %get3A_340 : vector<16xf32> to vector<1x16xf32>
          tpu.vector_store %arg10[%swap3A_341, %swap3A_342], %swap3A_345 {strides = array<i32>} : memref<64x256xf32, #tpu.memory_space<vmem>>, vector<1x16xf32>,
          %get3A_346 = arith.index_cast %scan3A_230 : i32 to index
          %get3A_347 = arith.constant 208 : index
          %get3A_348 = tpu.vector_load %arg8[%get3A_346, %get3A_347] {strides = array<i32>} : memref<128x256xf32, #tpu.memory_space<vmem>>, vector<1x16xf32>,
          %get3A_349 = vector.shape_cast %get3A_348 : vector<1x16xf32> to vector<16xf32>
          %swap3A_350 = arith.index_cast %scan3A_230 : i32 to index
          %swap3A_351 = arith.constant 208 : index
          %swap3A_352 = tpu.vector_load %arg10[%swap3A_350, %swap3A_351] {strides = array<i32>} : memref<64x256xf32, #tpu.memory_space<vmem>>, vector<1x16xf32>,
          %swap3A_353 = vector.shape_cast %swap3A_352 : vector<1x16xf32> to vector<16xf32>
          %swap3A_354 = vector.shape_cast %get3A_349 : vector<16xf32> to vector<1x16xf32>
          tpu.vector_store %arg10[%swap3A_350, %swap3A_351], %swap3A_354 {strides = array<i32>} : memref<64x256xf32, #tpu.memory_space<vmem>>, vector<1x16xf32>,
          %get3A_355 = arith.index_cast %scan3A_230 : i32 to index
          %get3A_356 = arith.constant 224 : index
          %get3A_357 = tpu.vector_load %arg8[%get3A_355, %get3A_356] {strides = array<i32>} : memref<128x256xf32, #tpu.memory_space<vmem>>, vector<1x16xf32>,
          %get3A_358 = vector.shape_cast %get3A_357 : vector<1x16xf32> to vector<16xf32>
          %swap3A_359 = arith.index_cast %scan3A_230 : i32 to index
          %swap3A_360 = arith.constant 224 : index
          %swap3A_361 = tpu.vector_load %arg10[%swap3A_359, %swap3A_360] {strides = array<i32>} : memref<64x256xf32, #tpu.memory_space<vmem>>, vector<1x16xf32>,
          %swap3A_362 = vector.shape_cast %swap3A_361 : vector<1x16xf32> to vector<16xf32>
          %swap3A_363 = vector.shape_cast %get3A_358 : vector<16xf32> to vector<1x16xf32>
          tpu.vector_store %arg10[%swap3A_359, %swap3A_360], %swap3A_363 {strides = array<i32>} : memref<64x256xf32, #tpu.memory_space<vmem>>, vector<1x16xf32>,
          %get3A_364 = arith.index_cast %scan3A_230 : i32 to index
          %get3A_365 = arith.constant 240 : index
          %get3A_366 = tpu.vector_load %arg8[%get3A_364, %get3A_365] {strides = array<i32>} : memref<128x256xf32, #tpu.memory_space<vmem>>, vector<1x16xf32>,
          %get3A_367 = vector.shape_cast %get3A_366 : vector<1x16xf32> to vector<16xf32>
          %swap3A_368 = arith.index_cast %scan3A_230 : i32 to index
          %swap3A_369 = arith.constant 240 : index
          %swap3A_370 = tpu.vector_load %arg10[%swap3A_368, %swap3A_369] {strides = array<i32>} : memref<64x256xf32, #tpu.memory_space<vmem>>, vector<1x16xf32>,
          %swap3A_371 = vector.shape_cast %swap3A_370 : vector<1x16xf32> to vector<16xf32>
          %swap3A_372 = vector.shape_cast %get3A_367 : vector<16xf32> to vector<1x16xf32>
          tpu.vector_store %arg10[%swap3A_368, %swap3A_369], %swap3A_372 {strides = array<i32>} : memref<64x256xf32, #tpu.memory_space<vmem>>, vector<1x16xf32>,
        }
        %scan3A_229 = arith.constant 64 : i32
      } else {
      }
      %not3A_213 = arith.constant true
      %not3A_214 = arith.xori %le3A_209, %not3A_213 : i1
      %convert_element_type3A_215 = arith.extui %not3A_214 : i1 to i32
      %cond3A_216 = arith.constant 0 : i32
      %cond3A_217 = arith.cmpi ne, %convert_element_type3A_215, %cond3A_216 : i32
      scf.if %cond3A_217 {
        %scan3A_224 = arith.constant 0 : i32
        %scan3A_225 = arith.constant 0 : i32
        %scan3A_226 = arith.constant 64 : i32
        %scan3A_227 = arith.addi %scan3A_225, %scan3A_226 : i32
        %scan3A_228 = arith.constant 1 : i32
        scf.for %scan3A_230 = %scan3A_225 to %scan3A_227 step %scan3A_228  : i32 {
          %get3A = arith.index_cast %scan3A_230 : i32 to index
          %get3A_231 = arith.constant 0 : index
          %get3A_232 = tpu.vector_load %arg8[%get3A, %get3A_231] {strides = array<i32>} : memref<128x256xf32, #tpu.memory_space<vmem>>, vector<1x16xf32>,
          %get3A_233 = vector.shape_cast %get3A_232 : vector<1x16xf32> to vector<16xf32>
          %add3A_234 = arith.constant 64 : i32
          %add3A_235 = arith.addi %add3A_234, %scan3A_230 : i32
          %get3A_236 = arith.index_cast %add3A_235 : i32 to index
          %get3A_237 = arith.constant 0 : index
          %get3A_238 = tpu.vector_load %arg8[%get3A_236, %get3A_237] {strides = array<i32>} : memref<128x256xf32, #tpu.memory_space<vmem>>, vector<1x16xf32>,
          %get3A_239 = vector.shape_cast %get3A_238 : vector<1x16xf32> to vector<16xf32>
          %add3A_240 = arith.addf %get3A_233, %get3A_239 : vector<16xf32>
          %mul3A_241 = arith.constant 5.000000e-01 : f32
          %mul3A_242 = vector.broadcast %mul3A_241 : f32 to vector<16xf32>
          %mul3A_243 = arith.mulf %add3A_240, %mul3A_242 : vector<16xf32>
          %swap3A = arith.index_cast %scan3A_230 : i32 to index
          %swap3A_244 = arith.constant 0 : index
          %swap3A_245 = tpu.vector_load %arg10[%swap3A, %swap3A_244] {strides = array<i32>} : memref<64x256xf32, #tpu.memory_space<vmem>>, vector<1x16xf32>,
          %swap3A_246 = vector.shape_cast %swap3A_245 : vector<1x16xf32> to vector<16xf32>
          %swap3A_247 = vector.shape_cast %mul3A_243 : vector<16xf32> to vector<1x16xf32>
          tpu.vector_store %arg10[%swap3A, %swap3A_244], %swap3A_247 {strides = array<i32>} : memref<64x256xf32, #tpu.memory_space<vmem>>, vector<1x16xf32>,
          %get3A_248 = arith.index_cast %scan3A_230 : i32 to index
          %get3A_249 = arith.constant 16 : index
          %get3A_250 = tpu.vector_load %arg8[%get3A_248, %get3A_249] {strides = array<i32>} : memref<128x256xf32, #tpu.memory_space<vmem>>, vector<1x16xf32>,
          %get3A_251 = vector.shape_cast %get3A_250 : vector<1x16xf32> to vector<16xf32>
          %add3A_252 = arith.constant 64 : i32
          %add3A_253 = arith.addi %add3A_252, %scan3A_230 : i32
          %get3A_254 = arith.index_cast %add3A_253 : i32 to index
          %get3A_255 = arith.constant 16 : index
          %get3A_256 = tpu.vector_load %arg8[%get3A_254, %get3A_255] {strides = array<i32>} : memref<128x256xf32, #tpu.memory_space<vmem>>, vector<1x16xf32>,
          %get3A_257 = vector.shape_cast %get3A_256 : vector<1x16xf32> to vector<16xf32>
          %add3A_258 = arith.addf %get3A_251, %get3A_257 : vector<16xf32>
          %mul3A_259 = arith.constant 5.000000e-01 : f32
          %mul3A_260 = vector.broadcast %mul3A_259 : f32 to vector<16xf32>
          %mul3A_261 = arith.mulf %add3A_258, %mul3A_260 : vector<16xf32>
          %swap3A_262 = arith.index_cast %scan3A_230 : i32 to index
          %swap3A_263 = arith.constant 16 : index
          %swap3A_264 = tpu.vector_load %arg10[%swap3A_262, %swap3A_263] {strides = array<i32>} : memref<64x256xf32, #tpu.memory_space<vmem>>, vector<1x16xf32>,
          %swap3A_265 = vector.shape_cast %swap3A_264 : vector<1x16xf32> to vector<16xf32>
          %swap3A_266 = vector.shape_cast %mul3A_261 : vector<16xf32> to vector<1x16xf32>
          tpu.vector_store %arg10[%swap3A_262, %swap3A_263], %swap3A_266 {strides = array<i32>} : memref<64x256xf32, #tpu.memory_space<vmem>>, vector<1x16xf32>,
          %get3A_267 = arith.index_cast %scan3A_230 : i32 to index
          %get3A_268 = arith.constant 32 : index
          %get3A_269 = tpu.vector_load %arg8[%get3A_267, %get3A_268] {strides = array<i32>} : memref<128x256xf32, #tpu.memory_space<vmem>>, vector<1x16xf32>,
          %get3A_270 = vector.shape_cast %get3A_269 : vector<1x16xf32> to vector<16xf32>
          %add3A_271 = arith.constant 64 : i32
          %add3A_272 = arith.addi %add3A_271, %scan3A_230 : i32
          %get3A_273 = arith.index_cast %add3A_272 : i32 to index
          %get3A_274 = arith.constant 32 : index
          %get3A_275 = tpu.vector_load %arg8[%get3A_273, %get3A_274] {strides = array<i32>} : memref<128x256xf32, #tpu.memory_space<vmem>>, vector<1x16xf32>,
          %get3A_276 = vector.shape_cast %get3A_275 : vector<1x16xf32> to vector<16xf32>
          %add3A_277 = arith.addf %get3A_270, %get3A_276 : vector<16xf32>
          %mul3A_278 = arith.constant 5.000000e-01 : f32
          %mul3A_279 = vector.broadcast %mul3A_278 : f32 to vector<16xf32>
          %mul3A_280 = arith.mulf %add3A_277, %mul3A_279 : vector<16xf32>
          %swap3A_281 = arith.index_cast %scan3A_230 : i32 to index
          %swap3A_282 = arith.constant 32 : index
          %swap3A_283 = tpu.vector_load %arg10[%swap3A_281, %swap3A_282] {strides = array<i32>} : memref<64x256xf32, #tpu.memory_space<vmem>>, vector<1x16xf32>,
          %swap3A_284 = vector.shape_cast %swap3A_283 : vector<1x16xf32> to vector<16xf32>
          %swap3A_285 = vector.shape_cast %mul3A_280 : vector<16xf32> to vector<1x16xf32>
          tpu.vector_store %arg10[%swap3A_281, %swap3A_282], %swap3A_285 {strides = array<i32>} : memref<64x256xf32, #tpu.memory_space<vmem>>, vector<1x16xf32>,
          %get3A_286 = arith.index_cast %scan3A_230 : i32 to index
          %get3A_287 = arith.constant 48 : index
          %get3A_288 = tpu.vector_load %arg8[%get3A_286, %get3A_287] {strides = array<i32>} : memref<128x256xf32, #tpu.memory_space<vmem>>, vector<1x16xf32>,
          %get3A_289 = vector.shape_cast %get3A_288 : vector<1x16xf32> to vector<16xf32>
          %add3A_290 = arith.constant 64 : i32
          %add3A_291 = arith.addi %add3A_290, %scan3A_230 : i32
          %get3A_292 = arith.index_cast %add3A_291 : i32 to index
          %get3A_293 = arith.constant 48 : index
          %get3A_294 = tpu.vector_load %arg8[%get3A_292, %get3A_293] {strides = array<i32>} : memref<128x256xf32, #tpu.memory_space<vmem>>, vector<1x16xf32>,
          %get3A_295 = vector.shape_cast %get3A_294 : vector<1x16xf32> to vector<16xf32>
          %add3A_296 = arith.addf %get3A_289, %get3A_295 : vector<16xf32>
          %mul3A_297 = arith.constant 5.000000e-01 : f32
          %mul3A_298 = vector.broadcast %mul3A_297 : f32 to vector<16xf32>
          %mul3A_299 = arith.mulf %add3A_296, %mul3A_298 : vector<16xf32>
          %swap3A_300 = arith.index_cast %scan3A_230 : i32 to index
          %swap3A_301 = arith.constant 48 : index
          %swap3A_302 = tpu.vector_load %arg10[%swap3A_300, %swap3A_301] {strides = array<i32>} : memref<64x256xf32, #tpu.memory_space<vmem>>, vector<1x16xf32>,
          %swap3A_303 = vector.shape_cast %swap3A_302 : vector<1x16xf32> to vector<16xf32>
          %swap3A_304 = vector.shape_cast %mul3A_299 : vector<16xf32> to vector<1x16xf32>
          tpu.vector_store %arg10[%swap3A_300, %swap3A_301], %swap3A_304 {strides = array<i32>} : memref<64x256xf32, #tpu.memory_space<vmem>>, vector<1x16xf32>,
          %get3A_305 = arith.index_cast %scan3A_230 : i32 to index
          %get3A_306 = arith.constant 64 : index
          %get3A_307 = tpu.vector_load %arg8[%get3A_305, %get3A_306] {strides = array<i32>} : memref<128x256xf32, #tpu.memory_space<vmem>>, vector<1x16xf32>,
          %get3A_308 = vector.shape_cast %get3A_307 : vector<1x16xf32> to vector<16xf32>
          %add3A_309 = arith.constant 64 : i32
          %add3A_310 = arith.addi %add3A_309, %scan3A_230 : i32
          %get3A_311 = arith.index_cast %add3A_310 : i32 to index
          %get3A_312 = arith.constant 64 : index
          %get3A_313 = tpu.vector_load %arg8[%get3A_311, %get3A_312] {strides = array<i32>} : memref<128x256xf32, #tpu.memory_space<vmem>>, vector<1x16xf32>,
          %get3A_314 = vector.shape_cast %get3A_313 : vector<1x16xf32> to vector<16xf32>
          %add3A_315 = arith.addf %get3A_308, %get3A_314 : vector<16xf32>
          %mul3A_316 = arith.constant 5.000000e-01 : f32
          %mul3A_317 = vector.broadcast %mul3A_316 : f32 to vector<16xf32>
          %mul3A_318 = arith.mulf %add3A_315, %mul3A_317 : vector<16xf32>
          %swap3A_319 = arith.index_cast %scan3A_230 : i32 to index
          %swap3A_320 = arith.constant 64 : index
          %swap3A_321 = tpu.vector_load %arg10[%swap3A_319, %swap3A_320] {strides = array<i32>} : memref<64x256xf32, #tpu.memory_space<vmem>>, vector<1x16xf32>,
          %swap3A_322 = vector.shape_cast %swap3A_321 : vector<1x16xf32> to vector<16xf32>
          %swap3A_323 = vector.shape_cast %mul3A_318 : vector<16xf32> to vector<1x16xf32>
          tpu.vector_store %arg10[%swap3A_319, %swap3A_320], %swap3A_323 {strides = array<i32>} : memref<64x256xf32, #tpu.memory_space<vmem>>, vector<1x16xf32>,
          %get3A_324 = arith.index_cast %scan3A_230 : i32 to index
          %get3A_325 = arith.constant 80 : index
          %get3A_326 = tpu.vector_load %arg8[%get3A_324, %get3A_325] {strides = array<i32>} : memref<128x256xf32, #tpu.memory_space<vmem>>, vector<1x16xf32>,
          %get3A_327 = vector.shape_cast %get3A_326 : vector<1x16xf32> to vector<16xf32>
          %add3A_328 = arith.constant 64 : i32
          %add3A_329 = arith.addi %add3A_328, %scan3A_230 : i32
          %get3A_330 = arith.index_cast %add3A_329 : i32 to index
          %get3A_331 = arith.constant 80 : index
          %get3A_332 = tpu.vector_load %arg8[%get3A_330, %get3A_331] {strides = array<i32>} : memref<128x256xf32, #tpu.memory_space<vmem>>, vector<1x16xf32>,
          %get3A_333 = vector.shape_cast %get3A_332 : vector<1x16xf32> to vector<16xf32>
          %add3A_334 = arith.addf %get3A_327, %get3A_333 : vector<16xf32>
          %mul3A_335 = arith.constant 5.000000e-01 : f32
          %mul3A_336 = vector.broadcast %mul3A_335 : f32 to vector<16xf32>
          %mul3A_337 = arith.mulf %add3A_334, %mul3A_336 : vector<16xf32>
          %swap3A_338 = arith.index_cast %scan3A_230 : i32 to index
          %swap3A_339 = arith.constant 80 : index
          %swap3A_340 = tpu.vector_load %arg10[%swap3A_338, %swap3A_339] {strides = array<i32>} : memref<64x256xf32, #tpu.memory_space<vmem>>, vector<1x16xf32>,
          %swap3A_341 = vector.shape_cast %swap3A_340 : vector<1x16xf32> to vector<16xf32>
          %swap3A_342 = vector.shape_cast %mul3A_337 : vector<16xf32> to vector<1x16xf32>
          tpu.vector_store %arg10[%swap3A_338, %swap3A_339], %swap3A_342 {strides = array<i32>} : memref<64x256xf32, #tpu.memory_space<vmem>>, vector<1x16xf32>,
          %get3A_343 = arith.index_cast %scan3A_230 : i32 to index
          %get3A_344 = arith.constant 96 : index
          %get3A_345 = tpu.vector_load %arg8[%get3A_343, %get3A_344] {strides = array<i32>} : memref<128x256xf32, #tpu.memory_space<vmem>>, vector<1x16xf32>,
          %get3A_346 = vector.shape_cast %get3A_345 : vector<1x16xf32> to vector<16xf32>
          %add3A_347 = arith.constant 64 : i32
          %add3A_348 = arith.addi %add3A_347, %scan3A_230 : i32
          %get3A_349 = arith.index_cast %add3A_348 : i32 to index
          %get3A_350 = arith.constant 96 : index
          %get3A_351 = tpu.vector_load %arg8[%get3A_349, %get3A_350] {strides = array<i32>} : memref<128x256xf32, #tpu.memory_space<vmem>>, vector<1x16xf32>,
          %get3A_352 = vector.shape_cast %get3A_351 : vector<1x16xf32> to vector<16xf32>
          %add3A_353 = arith.addf %get3A_346, %get3A_352 : vector<16xf32>
          %mul3A_354 = arith.constant 5.000000e-01 : f32
          %mul3A_355 = vector.broadcast %mul3A_354 : f32 to vector<16xf32>
          %mul3A_356 = arith.mulf %add3A_353, %mul3A_355 : vector<16xf32>
          %swap3A_357 = arith.index_cast %scan3A_230 : i32 to index
          %swap3A_358 = arith.constant 96 : index
          %swap3A_359 = tpu.vector_load %arg10[%swap3A_357, %swap3A_358] {strides = array<i32>} : memref<64x256xf32, #tpu.memory_space<vmem>>, vector<1x16xf32>,
          %swap3A_360 = vector.shape_cast %swap3A_359 : vector<1x16xf32> to vector<16xf32>
          %swap3A_361 = vector.shape_cast %mul3A_356 : vector<16xf32> to vector<1x16xf32>
          tpu.vector_store %arg10[%swap3A_357, %swap3A_358], %swap3A_361 {strides = array<i32>} : memref<64x256xf32, #tpu.memory_space<vmem>>, vector<1x16xf32>,
          %get3A_362 = arith.index_cast %scan3A_230 : i32 to index
          %get3A_363 = arith.constant 112 : index
          %get3A_364 = tpu.vector_load %arg8[%get3A_362, %get3A_363] {strides = array<i32>} : memref<128x256xf32, #tpu.memory_space<vmem>>, vector<1x16xf32>,
          %get3A_365 = vector.shape_cast %get3A_364 : vector<1x16xf32> to vector<16xf32>
          %add3A_366 = arith.constant 64 : i32
          %add3A_367 = arith.addi %add3A_366, %scan3A_230 : i32
          %get3A_368 = arith.index_cast %add3A_367 : i32 to index
          %get3A_369 = arith.constant 112 : index
          %get3A_370 = tpu.vector_load %arg8[%get3A_368, %get3A_369] {strides = array<i32>} : memref<128x256xf32, #tpu.memory_space<vmem>>, vector<1x16xf32>,
          %get3A_371 = vector.shape_cast %get3A_370 : vector<1x16xf32> to vector<16xf32>
          %add3A_372 = arith.addf %get3A_365, %get3A_371 : vector<16xf32>
          %mul3A_373 = arith.constant 5.000000e-01 : f32
          %mul3A_374 = vector.broadcast %mul3A_373 : f32 to vector<16xf32>
          %mul3A_375 = arith.mulf %add3A_372, %mul3A_374 : vector<16xf32>
          %swap3A_376 = arith.index_cast %scan3A_230 : i32 to index
          %swap3A_377 = arith.constant 112 : index
          %swap3A_378 = tpu.vector_load %arg10[%swap3A_376, %swap3A_377] {strides = array<i32>} : memref<64x256xf32, #tpu.memory_space<vmem>>, vector<1x16xf32>,
          %swap3A_379 = vector.shape_cast %swap3A_378 : vector<1x16xf32> to vector<16xf32>
          %swap3A_380 = vector.shape_cast %mul3A_375 : vector<16xf32> to vector<1x16xf32>
          tpu.vector_store %arg10[%swap3A_376, %swap3A_377], %swap3A_380 {strides = array<i32>} : memref<64x256xf32, #tpu.memory_space<vmem>>, vector<1x16xf32>,
          %get3A_381 = arith.index_cast %scan3A_230 : i32 to index
          %get3A_382 = arith.constant 128 : index
          %get3A_383 = tpu.vector_load %arg8[%get3A_381, %get3A_382] {strides = array<i32>} : memref<128x256xf32, #tpu.memory_space<vmem>>, vector<1x16xf32>,
          %get3A_384 = vector.shape_cast %get3A_383 : vector<1x16xf32> to vector<16xf32>
          %add3A_385 = arith.constant 64 : i32
          %add3A_386 = arith.addi %add3A_385, %scan3A_230 : i32
          %get3A_387 = arith.index_cast %add3A_386 : i32 to index
          %get3A_388 = arith.constant 128 : index
          %get3A_389 = tpu.vector_load %arg8[%get3A_387, %get3A_388] {strides = array<i32>} : memref<128x256xf32, #tpu.memory_space<vmem>>, vector<1x16xf32>,
          %get3A_390 = vector.shape_cast %get3A_389 : vector<1x16xf32> to vector<16xf32>
          %add3A_391 = arith.addf %get3A_384, %get3A_390 : vector<16xf32>
          %mul3A_392 = arith.constant 5.000000e-01 : f32
          %mul3A_393 = vector.broadcast %mul3A_392 : f32 to vector<16xf32>
          %mul3A_394 = arith.mulf %add3A_391, %mul3A_393 : vector<16xf32>
          %swap3A_395 = arith.index_cast %scan3A_230 : i32 to index
          %swap3A_396 = arith.constant 128 : index
          %swap3A_397 = tpu.vector_load %arg10[%swap3A_395, %swap3A_396] {strides = array<i32>} : memref<64x256xf32, #tpu.memory_space<vmem>>, vector<1x16xf32>,
          %swap3A_398 = vector.shape_cast %swap3A_397 : vector<1x16xf32> to vector<16xf32>
          %swap3A_399 = vector.shape_cast %mul3A_394 : vector<16xf32> to vector<1x16xf32>
          tpu.vector_store %arg10[%swap3A_395, %swap3A_396], %swap3A_399 {strides = array<i32>} : memref<64x256xf32, #tpu.memory_space<vmem>>, vector<1x16xf32>,
          %get3A_400 = arith.index_cast %scan3A_230 : i32 to index
          %get3A_401 = arith.constant 144 : index
          %get3A_402 = tpu.vector_load %arg8[%get3A_400, %get3A_401] {strides = array<i32>} : memref<128x256xf32, #tpu.memory_space<vmem>>, vector<1x16xf32>,
          %get3A_403 = vector.shape_cast %get3A_402 : vector<1x16xf32> to vector<16xf32>
          %add3A_404 = arith.constant 64 : i32
          %add3A_405 = arith.addi %add3A_404, %scan3A_230 : i32
          %get3A_406 = arith.index_cast %add3A_405 : i32 to index
          %get3A_407 = arith.constant 144 : index
          %get3A_408 = tpu.vector_load %arg8[%get3A_406, %get3A_407] {strides = array<i32>} : memref<128x256xf32, #tpu.memory_space<vmem>>, vector<1x16xf32>,
          %get3A_409 = vector.shape_cast %get3A_408 : vector<1x16xf32> to vector<16xf32>
          %add3A_410 = arith.addf %get3A_403, %get3A_409 : vector<16xf32>
          %mul3A_411 = arith.constant 5.000000e-01 : f32
          %mul3A_412 = vector.broadcast %mul3A_411 : f32 to vector<16xf32>
          %mul3A_413 = arith.mulf %add3A_410, %mul3A_412 : vector<16xf32>
          %swap3A_414 = arith.index_cast %scan3A_230 : i32 to index
          %swap3A_415 = arith.constant 144 : index
          %swap3A_416 = tpu.vector_load %arg10[%swap3A_414, %swap3A_415] {strides = array<i32>} : memref<64x256xf32, #tpu.memory_space<vmem>>, vector<1x16xf32>,
          %swap3A_417 = vector.shape_cast %swap3A_416 : vector<1x16xf32> to vector<16xf32>
          %swap3A_418 = vector.shape_cast %mul3A_413 : vector<16xf32> to vector<1x16xf32>
          tpu.vector_store %arg10[%swap3A_414, %swap3A_415], %swap3A_418 {strides = array<i32>} : memref<64x256xf32, #tpu.memory_space<vmem>>, vector<1x16xf32>,
          %get3A_419 = arith.index_cast %scan3A_230 : i32 to index
          %get3A_420 = arith.constant 160 : index
          %get3A_421 = tpu.vector_load %arg8[%get3A_419, %get3A_420] {strides = array<i32>} : memref<128x256xf32, #tpu.memory_space<vmem>>, vector<1x16xf32>,
          %get3A_422 = vector.shape_cast %get3A_421 : vector<1x16xf32> to vector<16xf32>
          %add3A_423 = arith.constant 64 : i32
          %add3A_424 = arith.addi %add3A_423, %scan3A_230 : i32
          %get3A_425 = arith.index_cast %add3A_424 : i32 to index
          %get3A_426 = arith.constant 160 : index
          %get3A_427 = tpu.vector_load %arg8[%get3A_425, %get3A_426] {strides = array<i32>} : memref<128x256xf32, #tpu.memory_space<vmem>>, vector<1x16xf32>,
          %get3A_428 = vector.shape_cast %get3A_427 : vector<1x16xf32> to vector<16xf32>
          %add3A_429 = arith.addf %get3A_422, %get3A_428 : vector<16xf32>
          %mul3A_430 = arith.constant 5.000000e-01 : f32
          %mul3A_431 = vector.broadcast %mul3A_430 : f32 to vector<16xf32>
          %mul3A_432 = arith.mulf %add3A_429, %mul3A_431 : vector<16xf32>
          %swap3A_433 = arith.index_cast %scan3A_230 : i32 to index
          %swap3A_434 = arith.constant 160 : index
          %swap3A_435 = tpu.vector_load %arg10[%swap3A_433, %swap3A_434] {strides = array<i32>} : memref<64x256xf32, #tpu.memory_space<vmem>>, vector<1x16xf32>,
          %swap3A_436 = vector.shape_cast %swap3A_435 : vector<1x16xf32> to vector<16xf32>
          %swap3A_437 = vector.shape_cast %mul3A_432 : vector<16xf32> to vector<1x16xf32>
          tpu.vector_store %arg10[%swap3A_433, %swap3A_434], %swap3A_437 {strides = array<i32>} : memref<64x256xf32, #tpu.memory_space<vmem>>, vector<1x16xf32>,
          %get3A_438 = arith.index_cast %scan3A_230 : i32 to index
          %get3A_439 = arith.constant 176 : index
          %get3A_440 = tpu.vector_load %arg8[%get3A_438, %get3A_439] {strides = array<i32>} : memref<128x256xf32, #tpu.memory_space<vmem>>, vector<1x16xf32>,
          %get3A_441 = vector.shape_cast %get3A_440 : vector<1x16xf32> to vector<16xf32>
          %add3A_442 = arith.constant 64 : i32
          %add3A_443 = arith.addi %add3A_442, %scan3A_230 : i32
          %get3A_444 = arith.index_cast %add3A_443 : i32 to index
          %get3A_445 = arith.constant 176 : index
          %get3A_446 = tpu.vector_load %arg8[%get3A_444, %get3A_445] {strides = array<i32>} : memref<128x256xf32, #tpu.memory_space<vmem>>, vector<1x16xf32>,
          %get3A_447 = vector.shape_cast %get3A_446 : vector<1x16xf32> to vector<16xf32>
          %add3A_448 = arith.addf %get3A_441, %get3A_447 : vector<16xf32>
          %mul3A_449 = arith.constant 5.000000e-01 : f32
          %mul3A_450 = vector.broadcast %mul3A_449 : f32 to vector<16xf32>
          %mul3A_451 = arith.mulf %add3A_448, %mul3A_450 : vector<16xf32>
          %swap3A_452 = arith.index_cast %scan3A_230 : i32 to index
          %swap3A_453 = arith.constant 176 : index
          %swap3A_454 = tpu.vector_load %arg10[%swap3A_452, %swap3A_453] {strides = array<i32>} : memref<64x256xf32, #tpu.memory_space<vmem>>, vector<1x16xf32>,
          %swap3A_455 = vector.shape_cast %swap3A_454 : vector<1x16xf32> to vector<16xf32>
          %swap3A_456 = vector.shape_cast %mul3A_451 : vector<16xf32> to vector<1x16xf32>
          tpu.vector_store %arg10[%swap3A_452, %swap3A_453], %swap3A_456 {strides = array<i32>} : memref<64x256xf32, #tpu.memory_space<vmem>>, vector<1x16xf32>,
          %get3A_457 = arith.index_cast %scan3A_230 : i32 to index
          %get3A_458 = arith.constant 192 : index
          %get3A_459 = tpu.vector_load %arg8[%get3A_457, %get3A_458] {strides = array<i32>} : memref<128x256xf32, #tpu.memory_space<vmem>>, vector<1x16xf32>,
          %get3A_460 = vector.shape_cast %get3A_459 : vector<1x16xf32> to vector<16xf32>
          %add3A_461 = arith.constant 64 : i32
          %add3A_462 = arith.addi %add3A_461, %scan3A_230 : i32
          %get3A_463 = arith.index_cast %add3A_462 : i32 to index
          %get3A_464 = arith.constant 192 : index
          %get3A_465 = tpu.vector_load %arg8[%get3A_463, %get3A_464] {strides = array<i32>} : memref<128x256xf32, #tpu.memory_space<vmem>>, vector<1x16xf32>,
          %get3A_466 = vector.shape_cast %get3A_465 : vector<1x16xf32> to vector<16xf32>
          %add3A_467 = arith.addf %get3A_460, %get3A_466 : vector<16xf32>
          %mul3A_468 = arith.constant 5.000000e-01 : f32
          %mul3A_469 = vector.broadcast %mul3A_468 : f32 to vector<16xf32>
          %mul3A_470 = arith.mulf %add3A_467, %mul3A_469 : vector<16xf32>
          %swap3A_471 = arith.index_cast %scan3A_230 : i32 to index
          %swap3A_472 = arith.constant 192 : index
          %swap3A_473 = tpu.vector_load %arg10[%swap3A_471, %swap3A_472] {strides = array<i32>} : memref<64x256xf32, #tpu.memory_space<vmem>>, vector<1x16xf32>,
          %swap3A_474 = vector.shape_cast %swap3A_473 : vector<1x16xf32> to vector<16xf32>
          %swap3A_475 = vector.shape_cast %mul3A_470 : vector<16xf32> to vector<1x16xf32>
          tpu.vector_store %arg10[%swap3A_471, %swap3A_472], %swap3A_475 {strides = array<i32>} : memref<64x256xf32, #tpu.memory_space<vmem>>, vector<1x16xf32>,
          %get3A_476 = arith.index_cast %scan3A_230 : i32 to index
          %get3A_477 = arith.constant 208 : index
          %get3A_478 = tpu.vector_load %arg8[%get3A_476, %get3A_477] {strides = array<i32>} : memref<128x256xf32, #tpu.memory_space<vmem>>, vector<1x16xf32>,
          %get3A_479 = vector.shape_cast %get3A_478 : vector<1x16xf32> to vector<16xf32>
          %add3A_480 = arith.constant 64 : i32
          %add3A_481 = arith.addi %add3A_480, %scan3A_230 : i32
          %get3A_482 = arith.index_cast %add3A_481 : i32 to index
          %get3A_483 = arith.constant 208 : index
          %get3A_484 = tpu.vector_load %arg8[%get3A_482, %get3A_483] {strides = array<i32>} : memref<128x256xf32, #tpu.memory_space<vmem>>, vector<1x16xf32>,
          %get3A_485 = vector.shape_cast %get3A_484 : vector<1x16xf32> to vector<16xf32>
          %add3A_486 = arith.addf %get3A_479, %get3A_485 : vector<16xf32>
          %mul3A_487 = arith.constant 5.000000e-01 : f32
          %mul3A_488 = vector.broadcast %mul3A_487 : f32 to vector<16xf32>
          %mul3A_489 = arith.mulf %add3A_486, %mul3A_488 : vector<16xf32>
          %swap3A_490 = arith.index_cast %scan3A_230 : i32 to index
          %swap3A_491 = arith.constant 208 : index
          %swap3A_492 = tpu.vector_load %arg10[%swap3A_490, %swap3A_491] {strides = array<i32>} : memref<64x256xf32, #tpu.memory_space<vmem>>, vector<1x16xf32>,
          %swap3A_493 = vector.shape_cast %swap3A_492 : vector<1x16xf32> to vector<16xf32>
          %swap3A_494 = vector.shape_cast %mul3A_489 : vector<16xf32> to vector<1x16xf32>
          tpu.vector_store %arg10[%swap3A_490, %swap3A_491], %swap3A_494 {strides = array<i32>} : memref<64x256xf32, #tpu.memory_space<vmem>>, vector<1x16xf32>,
          %get3A_495 = arith.index_cast %scan3A_230 : i32 to index
          %get3A_496 = arith.constant 224 : index
          %get3A_497 = tpu.vector_load %arg8[%get3A_495, %get3A_496] {strides = array<i32>} : memref<128x256xf32, #tpu.memory_space<vmem>>, vector<1x16xf32>,
          %get3A_498 = vector.shape_cast %get3A_497 : vector<1x16xf32> to vector<16xf32>
          %add3A_499 = arith.constant 64 : i32
          %add3A_500 = arith.addi %add3A_499, %scan3A_230 : i32
          %get3A_501 = arith.index_cast %add3A_500 : i32 to index
          %get3A_502 = arith.constant 224 : index
          %get3A_503 = tpu.vector_load %arg8[%get3A_501, %get3A_502] {strides = array<i32>} : memref<128x256xf32, #tpu.memory_space<vmem>>, vector<1x16xf32>,
          %get3A_504 = vector.shape_cast %get3A_503 : vector<1x16xf32> to vector<16xf32>
          %add3A_505 = arith.addf %get3A_498, %get3A_504 : vector<16xf32>
          %mul3A_506 = arith.constant 5.000000e-01 : f32
          %mul3A_507 = vector.broadcast %mul3A_506 : f32 to vector<16xf32>
          %mul3A_508 = arith.mulf %add3A_505, %mul3A_507 : vector<16xf32>
          %swap3A_509 = arith.index_cast %scan3A_230 : i32 to index
          %swap3A_510 = arith.constant 224 : index
          %swap3A_511 = tpu.vector_load %arg10[%swap3A_509, %swap3A_510] {strides = array<i32>} : memref<64x256xf32, #tpu.memory_space<vmem>>, vector<1x16xf32>,
          %swap3A_512 = vector.shape_cast %swap3A_511 : vector<1x16xf32> to vector<16xf32>
          %swap3A_513 = vector.shape_cast %mul3A_508 : vector<16xf32> to vector<1x16xf32>
          tpu.vector_store %arg10[%swap3A_509, %swap3A_510], %swap3A_513 {strides = array<i32>} : memref<64x256xf32, #tpu.memory_space<vmem>>, vector<1x16xf32>,
          %get3A_514 = arith.index_cast %scan3A_230 : i32 to index
          %get3A_515 = arith.constant 240 : index
          %get3A_516 = tpu.vector_load %arg8[%get3A_514, %get3A_515] {strides = array<i32>} : memref<128x256xf32, #tpu.memory_space<vmem>>, vector<1x16xf32>,
          %get3A_517 = vector.shape_cast %get3A_516 : vector<1x16xf32> to vector<16xf32>
          %add3A_518 = arith.constant 64 : i32
          %add3A_519 = arith.addi %add3A_518, %scan3A_230 : i32
          %get3A_520 = arith.index_cast %add3A_519 : i32 to index
          %get3A_521 = arith.constant 240 : index
          %get3A_522 = tpu.vector_load %arg8[%get3A_520, %get3A_521] {strides = array<i32>} : memref<128x256xf32, #tpu.memory_space<vmem>>, vector<1x16xf32>,
          %get3A_523 = vector.shape_cast %get3A_522 : vector<1x16xf32> to vector<16xf32>
          %add3A_524 = arith.addf %get3A_517, %get3A_523 : vector<16xf32>
          %mul3A_525 = arith.constant 5.000000e-01 : f32
          %mul3A_526 = vector.broadcast %mul3A_525 : f32 to vector<16xf32>
          %mul3A_527 = arith.mulf %add3A_524, %mul3A_526 : vector<16xf32>
          %swap3A_528 = arith.index_cast %scan3A_230 : i32 to index
          %swap3A_529 = arith.constant 240 : index
          %swap3A_530 = tpu.vector_load %arg10[%swap3A_528, %swap3A_529] {strides = array<i32>} : memref<64x256xf32, #tpu.memory_space<vmem>>, vector<1x16xf32>,
          %swap3A_531 = vector.shape_cast %swap3A_530 : vector<1x16xf32> to vector<16xf32>
          %swap3A_532 = vector.shape_cast %mul3A_527 : vector<16xf32> to vector<1x16xf32>
          tpu.vector_store %arg10[%swap3A_528, %swap3A_529], %swap3A_532 {strides = array<i32>} : memref<64x256xf32, #tpu.memory_space<vmem>>, vector<1x16xf32>,
        }
        %scan3A_229 = arith.constant 64 : i32
      } else {
      }
      %mul3A_218 = arith.constant 64 : i32
      %mul3A_219 = arith.muli %add3A_142, %mul3A_218 : i32
      %dma_start3A_220 = arith.constant 0 : i32
      %dma_start3A_221 = tpu.memref_slice %arg4[%mul3A_219, %dma_start3A_220] : memref<327744x256xf32, #tpu.memory_space<hbm>> -> memref<64x256xf32, #tpu.memory_space<hbm>>
      %dma_start3A_222 = arith.constant 0 : i32
      %dma_start3A_223 = tpu.memref_slice %arg4[%mul3A_219, %dma_start3A_222] : memref<327744x256xf32, #tpu.memory_space<hbm>> -> memref<64x256xf32, #tpu.memory_space<hbm>>
      tpu.enqueue_dma source(%arg10 : memref<64x256xf32, #tpu.memory_space<vmem>>) target(%dma_start3A_223 : memref<64x256xf32, #tpu.memory_space<hbm>>) target_semaphore(%arg14 : memref<!tpu.dma_semaphore, #tpu.memory_space<semaphore_mem>>)
    }
    %scan3A_33 = arith.constant 80 : i32
    %dma_wait3A = arith.constant 0 : i32
    %dma_wait3A_34 = arith.constant 0 : i32
    %dma_wait3A_35 = tpu.memref_slice %arg4[%dma_wait3A, %dma_wait3A_34] : memref<327744x256xf32, #tpu.memory_space<hbm>> -> memref<64x256xf32, #tpu.memory_space<hbm>>
    %dma_wait3A_36 = arith.constant 0 : i32
    %dma_wait3A_37 = arith.constant 0 : i32
    %dma_wait3A_38 = tpu.memref_slice %arg4[%dma_wait3A_36, %dma_wait3A_37] : memref<327744x256xf32, #tpu.memory_space<hbm>> -> memref<64x256xf32, #tpu.memory_space<hbm>>
    tpu.wait_dma2 semaphore(%arg13 : memref<!tpu.dma_semaphore, #tpu.memory_space<semaphore_mem>>) src(%arg9 : memref<64x256xf32, #tpu.memory_space<vmem>>) dst(%dma_wait3A_38 : memref<64x256xf32, #tpu.memory_space<hbm>>)
    %dma_wait3A_39 = arith.constant 0 : i32
    %dma_wait3A_40 = arith.constant 0 : i32
    %dma_wait3A_41 = tpu.memref_slice %arg4[%dma_wait3A_39, %dma_wait3A_40] : memref<327744x256xf32, #tpu.memory_space<hbm>> -> memref<64x256xf32, #tpu.memory_space<hbm>>
    %dma_wait3A_42 = arith.constant 0 : i32
    %dma_wait3A_43 = arith.constant 0 : i32
    %dma_wait3A_44 = tpu.memref_slice %arg4[%dma_wait3A_42, %dma_wait3A_43] : memref<327744x256xf32, #tpu.memory_space<hbm>> -> memref<64x256xf32, #tpu.memory_space<hbm>>
    tpu.wait_dma2 semaphore(%arg14 : memref<!tpu.dma_semaphore, #tpu.memory_space<semaphore_mem>>) src(%arg10 : memref<64x256xf32, #tpu.memory_space<vmem>>) dst(%dma_wait3A_44 : memref<64x256xf32, #tpu.memory_space<hbm>>)
    %eq3A_45 = arith.constant 0 : i32
    %eq3A_46 = arith.cmpi eq, %add3A, %eq3A_45 : i32
    %convert_element_type3A_47 = arith.extui %eq3A_46 : i1 to i32
    %cond3A_48 = arith.constant 0 : i32
    %cond3A_49 = arith.cmpi ne, %convert_element_type3A_47, %cond3A_48 : i32
    scf.if %cond3A_49 {
      "tpu.region"() ({
        %run_scoped3A = tpu.sem_alloc : memref<!tpu.dma_semaphore, #tpu.memory_space<semaphore_mem>>
        %dma_start3A_68 = arith.constant 655360 : i32
        %dma_start3A_69 = tpu.memref_slice %arg3[%dma_start3A_68] : memref<655488xi32, #tpu.memory_space<hbm>> -> memref<128xi32, #tpu.memory_space<hbm>>
        %dma_start3A_70 = arith.constant 655360 : i32
        %dma_start3A_71 = tpu.memref_slice %arg3[%dma_start3A_70] : memref<655488xi32, #tpu.memory_space<hbm>> -> memref<128xi32, #tpu.memory_space<hbm>>
        tpu.enqueue_dma source(%dma_start3A_71 : memref<128xi32, #tpu.memory_space<hbm>>) target(%arg5 : memref<128xi32, #tpu.memory_space<vmem>>) target_semaphore(%run_scoped3A : memref<!tpu.dma_semaphore, #tpu.memory_space<semaphore_mem>>)
        %dma_wait3A_72 = arith.constant 655360 : i32
        %dma_wait3A_73 = tpu.memref_slice %arg3[%dma_wait3A_72] : memref<655488xi32, #tpu.memory_space<hbm>> -> memref<128xi32, #tpu.memory_space<hbm>>
        %dma_wait3A_74 = arith.constant 655360 : i32
        %dma_wait3A_75 = tpu.memref_slice %arg3[%dma_wait3A_74] : memref<655488xi32, #tpu.memory_space<hbm>> -> memref<128xi32, #tpu.memory_space<hbm>>
        tpu.wait_dma2 semaphore(%run_scoped3A : memref<!tpu.dma_semaphore, #tpu.memory_space<semaphore_mem>>) src(%dma_wait3A_75 : memref<128xi32, #tpu.memory_space<hbm>>) dst(%arg5 : memref<128xi32, #tpu.memory_space<vmem>>)
        tpu.yield
      }) : () -> ()
      %not3A_50 = arith.constant false
      %not3A_51 = arith.constant true
      %not3A_52 = arith.xori %not3A_50, %not3A_51 : i1
      %convert_element_type3A_53 = arith.extui %not3A_52 : i1 to i32
      %cond3A_54 = arith.constant 0 : i32
      %cond3A_55 = arith.cmpi ne, %convert_element_type3A_53, %cond3A_54 : i32
      scf.if %cond3A_55 {
        %dma_start3A_68 = arith.constant 0 : i32
        %dma_start3A_69 = arith.constant 0 : i32
        %dma_start3A_70 = tpu.memref_slice %arg7[%dma_start3A_68, %dma_start3A_69] : memref<128x256xf32, #tpu.memory_space<vmem>> -> memref<64x256xf32, #tpu.memory_space<vmem>>
        %dma_start3A_71 = arith.constant 0 : i32
        %dma_start3A_72 = tpu.memref_slice %arg5[%dma_start3A_71] : memref<128xi32, #tpu.memory_space<vmem>> -> memref<64xi32, #tpu.memory_space<vmem>>
        %dma_start3A_73 = arith.constant 0 : i32
        %dma_start3A_74 = arith.constant 0 : i32
        %dma_start3A_75 = tpu.memref_slice %arg2[%dma_start3A_73, %dma_start3A_74] : memref<81984x256xf32, #tpu.memory_space<hbm>> -> memref<81984x256xf32, #tpu.memory_space<hbm>>
        tpu.enqueue_indirect_dma source(%dma_start3A_75 : memref<81984x256xf32, #tpu.memory_space<hbm>>) target(%dma_start3A_70 : memref<64x256xf32, #tpu.memory_space<vmem>>) offsets(%dma_start3A_72 : memref<64xi32, #tpu.memory_space<vmem>>) semaphore(%arg11 : memref<!tpu.dma_semaphore, #tpu.memory_space<semaphore_mem>>)
        %dma_start3A_76 = arith.constant 64 : i32
        %dma_start3A_77 = arith.constant 0 : i32
        %dma_start3A_78 = tpu.memref_slice %arg7[%dma_start3A_76, %dma_start3A_77] : memref<128x256xf32, #tpu.memory_space<vmem>> -> memref<64x256xf32, #tpu.memory_space<vmem>>
        %dma_start3A_79 = arith.constant 64 : i32
        %dma_start3A_80 = tpu.memref_slice %arg5[%dma_start3A_79] : memref<128xi32, #tpu.memory_space<vmem>> -> memref<64xi32, #tpu.memory_space<vmem>>
        %dma_start3A_81 = arith.constant 0 : i32
        %dma_start3A_82 = arith.constant 0 : i32
        %dma_start3A_83 = tpu.memref_slice %arg2[%dma_start3A_81, %dma_start3A_82] : memref<81984x256xf32, #tpu.memory_space<hbm>> -> memref<81984x256xf32, #tpu.memory_space<hbm>>
        tpu.enqueue_indirect_dma source(%dma_start3A_83 : memref<81984x256xf32, #tpu.memory_space<hbm>>) target(%dma_start3A_78 : memref<64x256xf32, #tpu.memory_space<vmem>>) offsets(%dma_start3A_80 : memref<64xi32, #tpu.memory_space<vmem>>) semaphore(%arg17 : memref<!tpu.dma_semaphore, #tpu.memory_space<semaphore_mem>>)
      } else {
      }
      %not3A_56 = arith.constant false
      %not3A_57 = arith.constant true
      %not3A_58 = arith.xori %not3A_56, %not3A_57 : i1
      %convert_element_type3A_59 = arith.extui %not3A_58 : i1 to i32
      %cond3A_60 = arith.constant 0 : i32
      %cond3A_61 = arith.cmpi ne, %convert_element_type3A_59, %cond3A_60 : i32
      scf.if %cond3A_61 {
        %dma_wait3A_68 = arith.constant 0 : i32
        %dma_wait3A_69 = arith.constant 0 : i32
        %dma_wait3A_70 = tpu.memref_slice %arg7[%dma_wait3A_68, %dma_wait3A_69] : memref<128x256xf32, #tpu.memory_space<vmem>> -> memref<64x256xf32, #tpu.memory_space<vmem>>
        %dma_wait3A_71 = arith.constant 0 : i32
        %dma_wait3A_72 = tpu.memref_slice %arg5[%dma_wait3A_71] : memref<128xi32, #tpu.memory_space<vmem>> -> memref<64xi32, #tpu.memory_space<vmem>>
        %dma_wait3A_73 = arith.constant 0 : i32
        %dma_wait3A_74 = arith.constant 0 : i32
        %dma_wait3A_75 = tpu.memref_slice %arg2[%dma_wait3A_73, %dma_wait3A_74] : memref<81984x256xf32, #tpu.memory_space<hbm>> -> memref<81984x256xf32, #tpu.memory_space<hbm>>
        tpu.wait_indirect_dma semaphore(%arg11 : memref<!tpu.dma_semaphore, #tpu.memory_space<semaphore_mem>>) src(%dma_wait3A_75 : memref<81984x256xf32, #tpu.memory_space<hbm>>) dst(%dma_wait3A_70 : memref<64x256xf32, #tpu.memory_space<vmem>>)
        %dma_wait3A_76 = arith.constant 64 : i32
        %dma_wait3A_77 = arith.constant 0 : i32
        %dma_wait3A_78 = tpu.memref_slice %arg7[%dma_wait3A_76, %dma_wait3A_77] : memref<128x256xf32, #tpu.memory_space<vmem>> -> memref<64x256xf32, #tpu.memory_space<vmem>>
        %dma_wait3A_79 = arith.constant 64 : i32
        %dma_wait3A_80 = tpu.memref_slice %arg5[%dma_wait3A_79] : memref<128xi32, #tpu.memory_space<vmem>> -> memref<64xi32, #tpu.memory_space<vmem>>
        %dma_wait3A_81 = arith.constant 0 : i32
        %dma_wait3A_82 = arith.constant 0 : i32
        %dma_wait3A_83 = tpu.memref_slice %arg2[%dma_wait3A_81, %dma_wait3A_82] : memref<81984x256xf32, #tpu.memory_space<hbm>> -> memref<81984x256xf32, #tpu.memory_space<hbm>>
        tpu.wait_indirect_dma semaphore(%arg17 : memref<!tpu.dma_semaphore, #tpu.memory_space<semaphore_mem>>) src(%dma_wait3A_83 : memref<81984x256xf32, #tpu.memory_space<hbm>>) dst(%dma_wait3A_78 : memref<64x256xf32, #tpu.memory_space<vmem>>)
      } else {
      }
      %not3A_62 = arith.constant false
      %not3A_63 = arith.constant true
      %not3A_64 = arith.xori %not3A_62, %not3A_63 : i1
      %convert_element_type3A_65 = arith.extui %not3A_64 : i1 to i32
      %cond3A_66 = arith.constant 0 : i32
      %cond3A_67 = arith.cmpi ne, %convert_element_type3A_65, %cond3A_66 : i32
      scf.if %cond3A_67 {
        %scan3A_68 = arith.constant 0 : i32
        %scan3A_69 = arith.constant 0 : i32
        %scan3A_70 = arith.constant 64 : i32
        %scan3A_71 = arith.addi %scan3A_69, %scan3A_70 : i32
        %scan3A_72 = arith.constant 1 : i32
        scf.for %scan3A_74 = %scan3A_69 to %scan3A_71 step %scan3A_72  : i32 {
          %get3A = arith.index_cast %scan3A_74 : i32 to index
          %get3A_75 = arith.constant 0 : index
          %get3A_76 = tpu.vector_load %arg7[%get3A, %get3A_75] {strides = array<i32>} : memref<128x256xf32, #tpu.memory_space<vmem>>, vector<1x16xf32>,
          %get3A_77 = vector.shape_cast %get3A_76 : vector<1x16xf32> to vector<16xf32>
          %add3A_78 = arith.constant 64 : i32
          %add3A_79 = arith.addi %add3A_78, %scan3A_74 : i32
          %get3A_80 = arith.index_cast %add3A_79 : i32 to index
          %get3A_81 = arith.constant 0 : index
          %get3A_82 = tpu.vector_load %arg7[%get3A_80, %get3A_81] {strides = array<i32>} : memref<128x256xf32, #tpu.memory_space<vmem>>, vector<1x16xf32>,
          %get3A_83 = vector.shape_cast %get3A_82 : vector<1x16xf32> to vector<16xf32>
          %add3A_84 = arith.addf %get3A_77, %get3A_83 : vector<16xf32>
          %mul3A_85 = arith.constant 5.000000e-01 : f32
          %mul3A_86 = vector.broadcast %mul3A_85 : f32 to vector<16xf32>
          %mul3A_87 = arith.mulf %add3A_84, %mul3A_86 : vector<16xf32>
          %swap3A = arith.index_cast %scan3A_74 : i32 to index
          %swap3A_88 = arith.constant 0 : index
          %swap3A_89 = tpu.vector_load %arg9[%swap3A, %swap3A_88] {strides = array<i32>} : memref<64x256xf32, #tpu.memory_space<vmem>>, vector<1x16xf32>,
          %swap3A_90 = vector.shape_cast %swap3A_89 : vector<1x16xf32> to vector<16xf32>
          %swap3A_91 = vector.shape_cast %mul3A_87 : vector<16xf32> to vector<1x16xf32>
          tpu.vector_store %arg9[%swap3A, %swap3A_88], %swap3A_91 {strides = array<i32>} : memref<64x256xf32, #tpu.memory_space<vmem>>, vector<1x16xf32>,
          %get3A_92 = arith.index_cast %scan3A_74 : i32 to index
          %get3A_93 = arith.constant 16 : index
          %get3A_94 = tpu.vector_load %arg7[%get3A_92, %get3A_93] {strides = array<i32>} : memref<128x256xf32, #tpu.memory_space<vmem>>, vector<1x16xf32>,
          %get3A_95 = vector.shape_cast %get3A_94 : vector<1x16xf32> to vector<16xf32>
          %add3A_96 = arith.constant 64 : i32
          %add3A_97 = arith.addi %add3A_96, %scan3A_74 : i32
          %get3A_98 = arith.index_cast %add3A_97 : i32 to index
          %get3A_99 = arith.constant 16 : index
          %get3A_100 = tpu.vector_load %arg7[%get3A_98, %get3A_99] {strides = array<i32>} : memref<128x256xf32, #tpu.memory_space<vmem>>, vector<1x16xf32>,
          %get3A_101 = vector.shape_cast %get3A_100 : vector<1x16xf32> to vector<16xf32>
          %add3A_102 = arith.addf %get3A_95, %get3A_101 : vector<16xf32>
          %mul3A_103 = arith.constant 5.000000e-01 : f32
          %mul3A_104 = vector.broadcast %mul3A_103 : f32 to vector<16xf32>
          %mul3A_105 = arith.mulf %add3A_102, %mul3A_104 : vector<16xf32>
          %swap3A_106 = arith.index_cast %scan3A_74 : i32 to index
          %swap3A_107 = arith.constant 16 : index
          %swap3A_108 = tpu.vector_load %arg9[%swap3A_106, %swap3A_107] {strides = array<i32>} : memref<64x256xf32, #tpu.memory_space<vmem>>, vector<1x16xf32>,
          %swap3A_109 = vector.shape_cast %swap3A_108 : vector<1x16xf32> to vector<16xf32>
          %swap3A_110 = vector.shape_cast %mul3A_105 : vector<16xf32> to vector<1x16xf32>
          tpu.vector_store %arg9[%swap3A_106, %swap3A_107], %swap3A_110 {strides = array<i32>} : memref<64x256xf32, #tpu.memory_space<vmem>>, vector<1x16xf32>,
          %get3A_111 = arith.index_cast %scan3A_74 : i32 to index
          %get3A_112 = arith.constant 32 : index
          %get3A_113 = tpu.vector_load %arg7[%get3A_111, %get3A_112] {strides = array<i32>} : memref<128x256xf32, #tpu.memory_space<vmem>>, vector<1x16xf32>,
          %get3A_114 = vector.shape_cast %get3A_113 : vector<1x16xf32> to vector<16xf32>
          %add3A_115 = arith.constant 64 : i32
          %add3A_116 = arith.addi %add3A_115, %scan3A_74 : i32
          %get3A_117 = arith.index_cast %add3A_116 : i32 to index
          %get3A_118 = arith.constant 32 : index
          %get3A_119 = tpu.vector_load %arg7[%get3A_117, %get3A_118] {strides = array<i32>} : memref<128x256xf32, #tpu.memory_space<vmem>>, vector<1x16xf32>,
          %get3A_120 = vector.shape_cast %get3A_119 : vector<1x16xf32> to vector<16xf32>
          %add3A_121 = arith.addf %get3A_114, %get3A_120 : vector<16xf32>
          %mul3A_122 = arith.constant 5.000000e-01 : f32
          %mul3A_123 = vector.broadcast %mul3A_122 : f32 to vector<16xf32>
          %mul3A_124 = arith.mulf %add3A_121, %mul3A_123 : vector<16xf32>
          %swap3A_125 = arith.index_cast %scan3A_74 : i32 to index
          %swap3A_126 = arith.constant 32 : index
          %swap3A_127 = tpu.vector_load %arg9[%swap3A_125, %swap3A_126] {strides = array<i32>} : memref<64x256xf32, #tpu.memory_space<vmem>>, vector<1x16xf32>,
          %swap3A_128 = vector.shape_cast %swap3A_127 : vector<1x16xf32> to vector<16xf32>
          %swap3A_129 = vector.shape_cast %mul3A_124 : vector<16xf32> to vector<1x16xf32>
          tpu.vector_store %arg9[%swap3A_125, %swap3A_126], %swap3A_129 {strides = array<i32>} : memref<64x256xf32, #tpu.memory_space<vmem>>, vector<1x16xf32>,
          %get3A_130 = arith.index_cast %scan3A_74 : i32 to index
          %get3A_131 = arith.constant 48 : index
          %get3A_132 = tpu.vector_load %arg7[%get3A_130, %get3A_131] {strides = array<i32>} : memref<128x256xf32, #tpu.memory_space<vmem>>, vector<1x16xf32>,
          %get3A_133 = vector.shape_cast %get3A_132 : vector<1x16xf32> to vector<16xf32>
          %add3A_134 = arith.constant 64 : i32
          %add3A_135 = arith.addi %add3A_134, %scan3A_74 : i32
          %get3A_136 = arith.index_cast %add3A_135 : i32 to index
          %get3A_137 = arith.constant 48 : index
          %get3A_138 = tpu.vector_load %arg7[%get3A_136, %get3A_137] {strides = array<i32>} : memref<128x256xf32, #tpu.memory_space<vmem>>, vector<1x16xf32>,
          %get3A_139 = vector.shape_cast %get3A_138 : vector<1x16xf32> to vector<16xf32>
          %add3A_140 = arith.addf %get3A_133, %get3A_139 : vector<16xf32>
          %mul3A_141 = arith.constant 5.000000e-01 : f32
          %mul3A_142 = vector.broadcast %mul3A_141 : f32 to vector<16xf32>
          %mul3A_143 = arith.mulf %add3A_140, %mul3A_142 : vector<16xf32>
          %swap3A_144 = arith.index_cast %scan3A_74 : i32 to index
          %swap3A_145 = arith.constant 48 : index
          %swap3A_146 = tpu.vector_load %arg9[%swap3A_144, %swap3A_145] {strides = array<i32>} : memref<64x256xf32, #tpu.memory_space<vmem>>, vector<1x16xf32>,
          %swap3A_147 = vector.shape_cast %swap3A_146 : vector<1x16xf32> to vector<16xf32>
          %swap3A_148 = vector.shape_cast %mul3A_143 : vector<16xf32> to vector<1x16xf32>
          tpu.vector_store %arg9[%swap3A_144, %swap3A_145], %swap3A_148 {strides = array<i32>} : memref<64x256xf32, #tpu.memory_space<vmem>>, vector<1x16xf32>,
          %get3A_149 = arith.index_cast %scan3A_74 : i32 to index
          %get3A_150 = arith.constant 64 : index
          %get3A_151 = tpu.vector_load %arg7[%get3A_149, %get3A_150] {strides = array<i32>} : memref<128x256xf32, #tpu.memory_space<vmem>>, vector<1x16xf32>,
          %get3A_152 = vector.shape_cast %get3A_151 : vector<1x16xf32> to vector<16xf32>
          %add3A_153 = arith.constant 64 : i32
          %add3A_154 = arith.addi %add3A_153, %scan3A_74 : i32
          %get3A_155 = arith.index_cast %add3A_154 : i32 to index
          %get3A_156 = arith.constant 64 : index
          %get3A_157 = tpu.vector_load %arg7[%get3A_155, %get3A_156] {strides = array<i32>} : memref<128x256xf32, #tpu.memory_space<vmem>>, vector<1x16xf32>,
          %get3A_158 = vector.shape_cast %get3A_157 : vector<1x16xf32> to vector<16xf32>
          %add3A_159 = arith.addf %get3A_152, %get3A_158 : vector<16xf32>
          %mul3A_160 = arith.constant 5.000000e-01 : f32
          %mul3A_161 = vector.broadcast %mul3A_160 : f32 to vector<16xf32>
          %mul3A_162 = arith.mulf %add3A_159, %mul3A_161 : vector<16xf32>
          %swap3A_163 = arith.index_cast %scan3A_74 : i32 to index
          %swap3A_164 = arith.constant 64 : index
          %swap3A_165 = tpu.vector_load %arg9[%swap3A_163, %swap3A_164] {strides = array<i32>} : memref<64x256xf32, #tpu.memory_space<vmem>>, vector<1x16xf32>,
          %swap3A_166 = vector.shape_cast %swap3A_165 : vector<1x16xf32> to vector<16xf32>
          %swap3A_167 = vector.shape_cast %mul3A_162 : vector<16xf32> to vector<1x16xf32>
          tpu.vector_store %arg9[%swap3A_163, %swap3A_164], %swap3A_167 {strides = array<i32>} : memref<64x256xf32, #tpu.memory_space<vmem>>, vector<1x16xf32>,
          %get3A_168 = arith.index_cast %scan3A_74 : i32 to index
          %get3A_169 = arith.constant 80 : index
          %get3A_170 = tpu.vector_load %arg7[%get3A_168, %get3A_169] {strides = array<i32>} : memref<128x256xf32, #tpu.memory_space<vmem>>, vector<1x16xf32>,
          %get3A_171 = vector.shape_cast %get3A_170 : vector<1x16xf32> to vector<16xf32>
          %add3A_172 = arith.constant 64 : i32
          %add3A_173 = arith.addi %add3A_172, %scan3A_74 : i32
          %get3A_174 = arith.index_cast %add3A_173 : i32 to index
          %get3A_175 = arith.constant 80 : index
          %get3A_176 = tpu.vector_load %arg7[%get3A_174, %get3A_175] {strides = array<i32>} : memref<128x256xf32, #tpu.memory_space<vmem>>, vector<1x16xf32>,
          %get3A_177 = vector.shape_cast %get3A_176 : vector<1x16xf32> to vector<16xf32>
          %add3A_178 = arith.addf %get3A_171, %get3A_177 : vector<16xf32>
          %mul3A_179 = arith.constant 5.000000e-01 : f32
          %mul3A_180 = vector.broadcast %mul3A_179 : f32 to vector<16xf32>
          %mul3A_181 = arith.mulf %add3A_178, %mul3A_180 : vector<16xf32>
          %swap3A_182 = arith.index_cast %scan3A_74 : i32 to index
          %swap3A_183 = arith.constant 80 : index
          %swap3A_184 = tpu.vector_load %arg9[%swap3A_182, %swap3A_183] {strides = array<i32>} : memref<64x256xf32, #tpu.memory_space<vmem>>, vector<1x16xf32>,
          %swap3A_185 = vector.shape_cast %swap3A_184 : vector<1x16xf32> to vector<16xf32>
          %swap3A_186 = vector.shape_cast %mul3A_181 : vector<16xf32> to vector<1x16xf32>
          tpu.vector_store %arg9[%swap3A_182, %swap3A_183], %swap3A_186 {strides = array<i32>} : memref<64x256xf32, #tpu.memory_space<vmem>>, vector<1x16xf32>,
          %get3A_187 = arith.index_cast %scan3A_74 : i32 to index
          %get3A_188 = arith.constant 96 : index
          %get3A_189 = tpu.vector_load %arg7[%get3A_187, %get3A_188] {strides = array<i32>} : memref<128x256xf32, #tpu.memory_space<vmem>>, vector<1x16xf32>,
          %get3A_190 = vector.shape_cast %get3A_189 : vector<1x16xf32> to vector<16xf32>
          %add3A_191 = arith.constant 64 : i32
          %add3A_192 = arith.addi %add3A_191, %scan3A_74 : i32
          %get3A_193 = arith.index_cast %add3A_192 : i32 to index
          %get3A_194 = arith.constant 96 : index
          %get3A_195 = tpu.vector_load %arg7[%get3A_193, %get3A_194] {strides = array<i32>} : memref<128x256xf32, #tpu.memory_space<vmem>>, vector<1x16xf32>,
          %get3A_196 = vector.shape_cast %get3A_195 : vector<1x16xf32> to vector<16xf32>
          %add3A_197 = arith.addf %get3A_190, %get3A_196 : vector<16xf32>
          %mul3A_198 = arith.constant 5.000000e-01 : f32
          %mul3A_199 = vector.broadcast %mul3A_198 : f32 to vector<16xf32>
          %mul3A_200 = arith.mulf %add3A_197, %mul3A_199 : vector<16xf32>
          %swap3A_201 = arith.index_cast %scan3A_74 : i32 to index
          %swap3A_202 = arith.constant 96 : index
          %swap3A_203 = tpu.vector_load %arg9[%swap3A_201, %swap3A_202] {strides = array<i32>} : memref<64x256xf32, #tpu.memory_space<vmem>>, vector<1x16xf32>,
          %swap3A_204 = vector.shape_cast %swap3A_203 : vector<1x16xf32> to vector<16xf32>
          %swap3A_205 = vector.shape_cast %mul3A_200 : vector<16xf32> to vector<1x16xf32>
          tpu.vector_store %arg9[%swap3A_201, %swap3A_202], %swap3A_205 {strides = array<i32>} : memref<64x256xf32, #tpu.memory_space<vmem>>, vector<1x16xf32>,
          %get3A_206 = arith.index_cast %scan3A_74 : i32 to index
          %get3A_207 = arith.constant 112 : index
          %get3A_208 = tpu.vector_load %arg7[%get3A_206, %get3A_207] {strides = array<i32>} : memref<128x256xf32, #tpu.memory_space<vmem>>, vector<1x16xf32>,
          %get3A_209 = vector.shape_cast %get3A_208 : vector<1x16xf32> to vector<16xf32>
          %add3A_210 = arith.constant 64 : i32
          %add3A_211 = arith.addi %add3A_210, %scan3A_74 : i32
          %get3A_212 = arith.index_cast %add3A_211 : i32 to index
          %get3A_213 = arith.constant 112 : index
          %get3A_214 = tpu.vector_load %arg7[%get3A_212, %get3A_213] {strides = array<i32>} : memref<128x256xf32, #tpu.memory_space<vmem>>, vector<1x16xf32>,
          %get3A_215 = vector.shape_cast %get3A_214 : vector<1x16xf32> to vector<16xf32>
          %add3A_216 = arith.addf %get3A_209, %get3A_215 : vector<16xf32>
          %mul3A_217 = arith.constant 5.000000e-01 : f32
          %mul3A_218 = vector.broadcast %mul3A_217 : f32 to vector<16xf32>
          %mul3A_219 = arith.mulf %add3A_216, %mul3A_218 : vector<16xf32>
          %swap3A_220 = arith.index_cast %scan3A_74 : i32 to index
          %swap3A_221 = arith.constant 112 : index
          %swap3A_222 = tpu.vector_load %arg9[%swap3A_220, %swap3A_221] {strides = array<i32>} : memref<64x256xf32, #tpu.memory_space<vmem>>, vector<1x16xf32>,
          %swap3A_223 = vector.shape_cast %swap3A_222 : vector<1x16xf32> to vector<16xf32>
          %swap3A_224 = vector.shape_cast %mul3A_219 : vector<16xf32> to vector<1x16xf32>
          tpu.vector_store %arg9[%swap3A_220, %swap3A_221], %swap3A_224 {strides = array<i32>} : memref<64x256xf32, #tpu.memory_space<vmem>>, vector<1x16xf32>,
          %get3A_225 = arith.index_cast %scan3A_74 : i32 to index
          %get3A_226 = arith.constant 128 : index
          %get3A_227 = tpu.vector_load %arg7[%get3A_225, %get3A_226] {strides = array<i32>} : memref<128x256xf32, #tpu.memory_space<vmem>>, vector<1x16xf32>,
          %get3A_228 = vector.shape_cast %get3A_227 : vector<1x16xf32> to vector<16xf32>
          %add3A_229 = arith.constant 64 : i32
          %add3A_230 = arith.addi %add3A_229, %scan3A_74 : i32
          %get3A_231 = arith.index_cast %add3A_230 : i32 to index
          %get3A_232 = arith.constant 128 : index
          %get3A_233 = tpu.vector_load %arg7[%get3A_231, %get3A_232] {strides = array<i32>} : memref<128x256xf32, #tpu.memory_space<vmem>>, vector<1x16xf32>,
          %get3A_234 = vector.shape_cast %get3A_233 : vector<1x16xf32> to vector<16xf32>
          %add3A_235 = arith.addf %get3A_228, %get3A_234 : vector<16xf32>
          %mul3A_236 = arith.constant 5.000000e-01 : f32
          %mul3A_237 = vector.broadcast %mul3A_236 : f32 to vector<16xf32>
          %mul3A_238 = arith.mulf %add3A_235, %mul3A_237 : vector<16xf32>
          %swap3A_239 = arith.index_cast %scan3A_74 : i32 to index
          %swap3A_240 = arith.constant 128 : index
          %swap3A_241 = tpu.vector_load %arg9[%swap3A_239, %swap3A_240] {strides = array<i32>} : memref<64x256xf32, #tpu.memory_space<vmem>>, vector<1x16xf32>,
          %swap3A_242 = vector.shape_cast %swap3A_241 : vector<1x16xf32> to vector<16xf32>
          %swap3A_243 = vector.shape_cast %mul3A_238 : vector<16xf32> to vector<1x16xf32>
          tpu.vector_store %arg9[%swap3A_239, %swap3A_240], %swap3A_243 {strides = array<i32>} : memref<64x256xf32, #tpu.memory_space<vmem>>, vector<1x16xf32>,
          %get3A_244 = arith.index_cast %scan3A_74 : i32 to index
          %get3A_245 = arith.constant 144 : index
          %get3A_246 = tpu.vector_load %arg7[%get3A_244, %get3A_245] {strides = array<i32>} : memref<128x256xf32, #tpu.memory_space<vmem>>, vector<1x16xf32>,
          %get3A_247 = vector.shape_cast %get3A_246 : vector<1x16xf32> to vector<16xf32>
          %add3A_248 = arith.constant 64 : i32
          %add3A_249 = arith.addi %add3A_248, %scan3A_74 : i32
          %get3A_250 = arith.index_cast %add3A_249 : i32 to index
          %get3A_251 = arith.constant 144 : index
          %get3A_252 = tpu.vector_load %arg7[%get3A_250, %get3A_251] {strides = array<i32>} : memref<128x256xf32, #tpu.memory_space<vmem>>, vector<1x16xf32>,
          %get3A_253 = vector.shape_cast %get3A_252 : vector<1x16xf32> to vector<16xf32>
          %add3A_254 = arith.addf %get3A_247, %get3A_253 : vector<16xf32>
          %mul3A_255 = arith.constant 5.000000e-01 : f32
          %mul3A_256 = vector.broadcast %mul3A_255 : f32 to vector<16xf32>
          %mul3A_257 = arith.mulf %add3A_254, %mul3A_256 : vector<16xf32>
          %swap3A_258 = arith.index_cast %scan3A_74 : i32 to index
          %swap3A_259 = arith.constant 144 : index
          %swap3A_260 = tpu.vector_load %arg9[%swap3A_258, %swap3A_259] {strides = array<i32>} : memref<64x256xf32, #tpu.memory_space<vmem>>, vector<1x16xf32>,
          %swap3A_261 = vector.shape_cast %swap3A_260 : vector<1x16xf32> to vector<16xf32>
          %swap3A_262 = vector.shape_cast %mul3A_257 : vector<16xf32> to vector<1x16xf32>
          tpu.vector_store %arg9[%swap3A_258, %swap3A_259], %swap3A_262 {strides = array<i32>} : memref<64x256xf32, #tpu.memory_space<vmem>>, vector<1x16xf32>,
          %get3A_263 = arith.index_cast %scan3A_74 : i32 to index
          %get3A_264 = arith.constant 160 : index
          %get3A_265 = tpu.vector_load %arg7[%get3A_263, %get3A_264] {strides = array<i32>} : memref<128x256xf32, #tpu.memory_space<vmem>>, vector<1x16xf32>,
          %get3A_266 = vector.shape_cast %get3A_265 : vector<1x16xf32> to vector<16xf32>
          %add3A_267 = arith.constant 64 : i32
          %add3A_268 = arith.addi %add3A_267, %scan3A_74 : i32
          %get3A_269 = arith.index_cast %add3A_268 : i32 to index
          %get3A_270 = arith.constant 160 : index
          %get3A_271 = tpu.vector_load %arg7[%get3A_269, %get3A_270] {strides = array<i32>} : memref<128x256xf32, #tpu.memory_space<vmem>>, vector<1x16xf32>,
          %get3A_272 = vector.shape_cast %get3A_271 : vector<1x16xf32> to vector<16xf32>
          %add3A_273 = arith.addf %get3A_266, %get3A_272 : vector<16xf32>
          %mul3A_274 = arith.constant 5.000000e-01 : f32
          %mul3A_275 = vector.broadcast %mul3A_274 : f32 to vector<16xf32>
          %mul3A_276 = arith.mulf %add3A_273, %mul3A_275 : vector<16xf32>
          %swap3A_277 = arith.index_cast %scan3A_74 : i32 to index
          %swap3A_278 = arith.constant 160 : index
          %swap3A_279 = tpu.vector_load %arg9[%swap3A_277, %swap3A_278] {strides = array<i32>} : memref<64x256xf32, #tpu.memory_space<vmem>>, vector<1x16xf32>,
          %swap3A_280 = vector.shape_cast %swap3A_279 : vector<1x16xf32> to vector<16xf32>
          %swap3A_281 = vector.shape_cast %mul3A_276 : vector<16xf32> to vector<1x16xf32>
          tpu.vector_store %arg9[%swap3A_277, %swap3A_278], %swap3A_281 {strides = array<i32>} : memref<64x256xf32, #tpu.memory_space<vmem>>, vector<1x16xf32>,
          %get3A_282 = arith.index_cast %scan3A_74 : i32 to index
          %get3A_283 = arith.constant 176 : index
          %get3A_284 = tpu.vector_load %arg7[%get3A_282, %get3A_283] {strides = array<i32>} : memref<128x256xf32, #tpu.memory_space<vmem>>, vector<1x16xf32>,
          %get3A_285 = vector.shape_cast %get3A_284 : vector<1x16xf32> to vector<16xf32>
          %add3A_286 = arith.constant 64 : i32
          %add3A_287 = arith.addi %add3A_286, %scan3A_74 : i32
          %get3A_288 = arith.index_cast %add3A_287 : i32 to index
          %get3A_289 = arith.constant 176 : index
          %get3A_290 = tpu.vector_load %arg7[%get3A_288, %get3A_289] {strides = array<i32>} : memref<128x256xf32, #tpu.memory_space<vmem>>, vector<1x16xf32>,
          %get3A_291 = vector.shape_cast %get3A_290 : vector<1x16xf32> to vector<16xf32>
          %add3A_292 = arith.addf %get3A_285, %get3A_291 : vector<16xf32>
          %mul3A_293 = arith.constant 5.000000e-01 : f32
          %mul3A_294 = vector.broadcast %mul3A_293 : f32 to vector<16xf32>
          %mul3A_295 = arith.mulf %add3A_292, %mul3A_294 : vector<16xf32>
          %swap3A_296 = arith.index_cast %scan3A_74 : i32 to index
          %swap3A_297 = arith.constant 176 : index
          %swap3A_298 = tpu.vector_load %arg9[%swap3A_296, %swap3A_297] {strides = array<i32>} : memref<64x256xf32, #tpu.memory_space<vmem>>, vector<1x16xf32>,
          %swap3A_299 = vector.shape_cast %swap3A_298 : vector<1x16xf32> to vector<16xf32>
          %swap3A_300 = vector.shape_cast %mul3A_295 : vector<16xf32> to vector<1x16xf32>
          tpu.vector_store %arg9[%swap3A_296, %swap3A_297], %swap3A_300 {strides = array<i32>} : memref<64x256xf32, #tpu.memory_space<vmem>>, vector<1x16xf32>,
          %get3A_301 = arith.index_cast %scan3A_74 : i32 to index
          %get3A_302 = arith.constant 192 : index
          %get3A_303 = tpu.vector_load %arg7[%get3A_301, %get3A_302] {strides = array<i32>} : memref<128x256xf32, #tpu.memory_space<vmem>>, vector<1x16xf32>,
          %get3A_304 = vector.shape_cast %get3A_303 : vector<1x16xf32> to vector<16xf32>
          %add3A_305 = arith.constant 64 : i32
          %add3A_306 = arith.addi %add3A_305, %scan3A_74 : i32
          %get3A_307 = arith.index_cast %add3A_306 : i32 to index
          %get3A_308 = arith.constant 192 : index
          %get3A_309 = tpu.vector_load %arg7[%get3A_307, %get3A_308] {strides = array<i32>} : memref<128x256xf32, #tpu.memory_space<vmem>>, vector<1x16xf32>,
          %get3A_310 = vector.shape_cast %get3A_309 : vector<1x16xf32> to vector<16xf32>
          %add3A_311 = arith.addf %get3A_304, %get3A_310 : vector<16xf32>
          %mul3A_312 = arith.constant 5.000000e-01 : f32
          %mul3A_313 = vector.broadcast %mul3A_312 : f32 to vector<16xf32>
          %mul3A_314 = arith.mulf %add3A_311, %mul3A_313 : vector<16xf32>
          %swap3A_315 = arith.index_cast %scan3A_74 : i32 to index
          %swap3A_316 = arith.constant 192 : index
          %swap3A_317 = tpu.vector_load %arg9[%swap3A_315, %swap3A_316] {strides = array<i32>} : memref<64x256xf32, #tpu.memory_space<vmem>>, vector<1x16xf32>,
          %swap3A_318 = vector.shape_cast %swap3A_317 : vector<1x16xf32> to vector<16xf32>
          %swap3A_319 = vector.shape_cast %mul3A_314 : vector<16xf32> to vector<1x16xf32>
          tpu.vector_store %arg9[%swap3A_315, %swap3A_316], %swap3A_319 {strides = array<i32>} : memref<64x256xf32, #tpu.memory_space<vmem>>, vector<1x16xf32>,
          %get3A_320 = arith.index_cast %scan3A_74 : i32 to index
          %get3A_321 = arith.constant 208 : index
          %get3A_322 = tpu.vector_load %arg7[%get3A_320, %get3A_321] {strides = array<i32>} : memref<128x256xf32, #tpu.memory_space<vmem>>, vector<1x16xf32>,
          %get3A_323 = vector.shape_cast %get3A_322 : vector<1x16xf32> to vector<16xf32>
          %add3A_324 = arith.constant 64 : i32
          %add3A_325 = arith.addi %add3A_324, %scan3A_74 : i32
          %get3A_326 = arith.index_cast %add3A_325 : i32 to index
          %get3A_327 = arith.constant 208 : index
          %get3A_328 = tpu.vector_load %arg7[%get3A_326, %get3A_327] {strides = array<i32>} : memref<128x256xf32, #tpu.memory_space<vmem>>, vector<1x16xf32>,
          %get3A_329 = vector.shape_cast %get3A_328 : vector<1x16xf32> to vector<16xf32>
          %add3A_330 = arith.addf %get3A_323, %get3A_329 : vector<16xf32>
          %mul3A_331 = arith.constant 5.000000e-01 : f32
          %mul3A_332 = vector.broadcast %mul3A_331 : f32 to vector<16xf32>
          %mul3A_333 = arith.mulf %add3A_330, %mul3A_332 : vector<16xf32>
          %swap3A_334 = arith.index_cast %scan3A_74 : i32 to index
          %swap3A_335 = arith.constant 208 : index
          %swap3A_336 = tpu.vector_load %arg9[%swap3A_334, %swap3A_335] {strides = array<i32>} : memref<64x256xf32, #tpu.memory_space<vmem>>, vector<1x16xf32>,
          %swap3A_337 = vector.shape_cast %swap3A_336 : vector<1x16xf32> to vector<16xf32>
          %swap3A_338 = vector.shape_cast %mul3A_333 : vector<16xf32> to vector<1x16xf32>
          tpu.vector_store %arg9[%swap3A_334, %swap3A_335], %swap3A_338 {strides = array<i32>} : memref<64x256xf32, #tpu.memory_space<vmem>>, vector<1x16xf32>,
          %get3A_339 = arith.index_cast %scan3A_74 : i32 to index
          %get3A_340 = arith.constant 224 : index
          %get3A_341 = tpu.vector_load %arg7[%get3A_339, %get3A_340] {strides = array<i32>} : memref<128x256xf32, #tpu.memory_space<vmem>>, vector<1x16xf32>,
          %get3A_342 = vector.shape_cast %get3A_341 : vector<1x16xf32> to vector<16xf32>
          %add3A_343 = arith.constant 64 : i32
          %add3A_344 = arith.addi %add3A_343, %scan3A_74 : i32
          %get3A_345 = arith.index_cast %add3A_344 : i32 to index
          %get3A_346 = arith.constant 224 : index
          %get3A_347 = tpu.vector_load %arg7[%get3A_345, %get3A_346] {strides = array<i32>} : memref<128x256xf32, #tpu.memory_space<vmem>>, vector<1x16xf32>,
          %get3A_348 = vector.shape_cast %get3A_347 : vector<1x16xf32> to vector<16xf32>
          %add3A_349 = arith.addf %get3A_342, %get3A_348 : vector<16xf32>
          %mul3A_350 = arith.constant 5.000000e-01 : f32
          %mul3A_351 = vector.broadcast %mul3A_350 : f32 to vector<16xf32>
          %mul3A_352 = arith.mulf %add3A_349, %mul3A_351 : vector<16xf32>
          %swap3A_353 = arith.index_cast %scan3A_74 : i32 to index
          %swap3A_354 = arith.constant 224 : index
          %swap3A_355 = tpu.vector_load %arg9[%swap3A_353, %swap3A_354] {strides = array<i32>} : memref<64x256xf32, #tpu.memory_space<vmem>>, vector<1x16xf32>,
          %swap3A_356 = vector.shape_cast %swap3A_355 : vector<1x16xf32> to vector<16xf32>
          %swap3A_357 = vector.shape_cast %mul3A_352 : vector<16xf32> to vector<1x16xf32>
          tpu.vector_store %arg9[%swap3A_353, %swap3A_354], %swap3A_357 {strides = array<i32>} : memref<64x256xf32, #tpu.memory_space<vmem>>, vector<1x16xf32>,
          %get3A_358 = arith.index_cast %scan3A_74 : i32 to index
          %get3A_359 = arith.constant 240 : index
          %get3A_360 = tpu.vector_load %arg7[%get3A_358, %get3A_359] {strides = array<i32>} : memref<128x256xf32, #tpu.memory_space<vmem>>, vector<1x16xf32>,
          %get3A_361 = vector.shape_cast %get3A_360 : vector<1x16xf32> to vector<16xf32>
          %add3A_362 = arith.constant 64 : i32
          %add3A_363 = arith.addi %add3A_362, %scan3A_74 : i32
          %get3A_364 = arith.index_cast %add3A_363 : i32 to index
          %get3A_365 = arith.constant 240 : index
          %get3A_366 = tpu.vector_load %arg7[%get3A_364, %get3A_365] {strides = array<i32>} : memref<128x256xf32, #tpu.memory_space<vmem>>, vector<1x16xf32>,
          %get3A_367 = vector.shape_cast %get3A_366 : vector<1x16xf32> to vector<16xf32>
          %add3A_368 = arith.addf %get3A_361, %get3A_367 : vector<16xf32>
          %mul3A_369 = arith.constant 5.000000e-01 : f32
          %mul3A_370 = vector.broadcast %mul3A_369 : f32 to vector<16xf32>
          %mul3A_371 = arith.mulf %add3A_368, %mul3A_370 : vector<16xf32>
          %swap3A_372 = arith.index_cast %scan3A_74 : i32 to index
          %swap3A_373 = arith.constant 240 : index
          %swap3A_374 = tpu.vector_load %arg9[%swap3A_372, %swap3A_373] {strides = array<i32>} : memref<64x256xf32, #tpu.memory_space<vmem>>, vector<1x16xf32>,
          %swap3A_375 = vector.shape_cast %swap3A_374 : vector<1x16xf32> to vector<16xf32>
          %swap3A_376 = vector.shape_cast %mul3A_371 : vector<16xf32> to vector<1x16xf32>
          tpu.vector_store %arg9[%swap3A_372, %swap3A_373], %swap3A_376 {strides = array<i32>} : memref<64x256xf32, #tpu.memory_space<vmem>>, vector<1x16xf32>,
        }
        %scan3A_73 = arith.constant 64 : i32
      } else {
      }
      "tpu.region"() ({
        %run_scoped3A = tpu.sem_alloc : memref<!tpu.dma_semaphore, #tpu.memory_space<semaphore_mem>>
        %dma_start3A_68 = arith.constant 327680 : i32
        %dma_start3A_69 = arith.constant 0 : i32
        %dma_start3A_70 = tpu.memref_slice %arg4[%dma_start3A_68, %dma_start3A_69] : memref<327744x256xf32, #tpu.memory_space<hbm>> -> memref<64x256xf32, #tpu.memory_space<hbm>>
        %dma_start3A_71 = arith.constant 327680 : i32
        %dma_start3A_72 = arith.constant 0 : i32
        %dma_start3A_73 = tpu.memref_slice %arg4[%dma_start3A_71, %dma_start3A_72] : memref<327744x256xf32, #tpu.memory_space<hbm>> -> memref<64x256xf32, #tpu.memory_space<hbm>>
        tpu.enqueue_dma source(%arg9 : memref<64x256xf32, #tpu.memory_space<vmem>>) target(%dma_start3A_73 : memref<64x256xf32, #tpu.memory_space<hbm>>) target_semaphore(%run_scoped3A : memref<!tpu.dma_semaphore, #tpu.memory_space<semaphore_mem>>)
        %dma_wait3A_74 = arith.constant 327680 : i32
        %dma_wait3A_75 = arith.constant 0 : i32
        %dma_wait3A_76 = tpu.memref_slice %arg4[%dma_wait3A_74, %dma_wait3A_75] : memref<327744x256xf32, #tpu.memory_space<hbm>> -> memref<64x256xf32, #tpu.memory_space<hbm>>
        %dma_wait3A_77 = arith.constant 327680 : i32
        %dma_wait3A_78 = arith.constant 0 : i32
        %dma_wait3A_79 = tpu.memref_slice %arg4[%dma_wait3A_77, %dma_wait3A_78] : memref<327744x256xf32, #tpu.memory_space<hbm>> -> memref<64x256xf32, #tpu.memory_space<hbm>>
        tpu.wait_dma2 semaphore(%run_scoped3A : memref<!tpu.dma_semaphore, #tpu.memory_space<semaphore_mem>>) src(%arg9 : memref<64x256xf32, #tpu.memory_space<vmem>>) dst(%dma_wait3A_79 : memref<64x256xf32, #tpu.memory_space<hbm>>)
        tpu.yield
      }) : () -> ()
    } else {
    }
    return
  }
}

</mosaic_0001>

<sc_bundles>
// kernel: kernel.3.cloned.1.call-start
scs
__scs_entry_jumppad:
0x0: {  	(pc) =	sbr.rel $0x88, $3  }
0x1: {  	(tag) =	ssettag $0x0;
	lr =	simm.s32 $0x1  }
0x2: {  	[smem:$0x3F9F] =	sst lr;
	_ =	strace $0xD0000000  }
0x3: {  	_ = 	snop  }
0x4: {  	_ = 	snop  }
0x5: {  	_ = 	snop  }
0x6: {  	_ = 	snop  }
0x7: {  	_ = 	snop  }
__scs_overlays_trampoline_lowered:
0x8: {  	[smem:$0x3FAE] =	sst s0  }
0x9: {  	[smem:$0x3FAF] =	sst s1  }
0xa: {  	[smem:$0x3FB0] =	sst s2  }
0xb: {  	[smem:$0x3FB1] =	sst s3  }
0xc: {  	[smem:$0x3FB2] =	sst s4  }
0xd: {  	[smem:$0x3FB3] =	sst s5  }
0xe: {  	[smem:$0x3FB4] =	sst s6  }
0xf: {  	[smem:$0x3FB5] =	sst s7  }
0x10: {  	[smem:$0x3FB6] =	sst s8  }
0x11: {  	[smem:$0x3FB7] =	sst s9;
	s0 =	simm.s32 @!p0 $0x0  }
0x12: {  	s1 =	sld [smem:$0x3F9D];
	s0 =	simm.s32 @p0 $0x1  }
0x13: {  	[smem:$0x3FB8] =	sst s0;
	s0 =	simm.s32 @!p1 $0x0  }
0x14: {  	s2 =	sld [smem:$0x3F9C];
	s0 =	simm.s32 @p1 $0x1  }
0x15: {  	[smem:$0x3FB9] =	sst s0;
	s0 =	simm.s32 @!p2 $0x0  }
0x16: {  	s3 =	sld [smem:$0x3FDB];
	s0 =	simm.s32 @p2 $0x1  }
0x17: {  	s4 =	simm.s32 $0x1BF5;
	[smem:$0x3FBB] =	sst s0  }
0x18: {  	s0 =	sld [smem:$0x3F9E];
	_ =	swait.ge [sflag:s4], $0x0  }
0x19: {  	s7 =	sld [smem:$0x3F9F]  }
0x1a: {  	s8 =	sadd.s32 $0xFFFFE003, lr  }
0x1b: {  	s9 =	sadd.s32 $0xFFFFFEF7, lr;
	s5 =	simm.s32 $0xFFFFFFFF;
	p2 =	slt.u32 s8, $0xFFFFF086  }
0x1c: {  	p1 =	slt.u32 s9, $0xF7A;
	s5 =	simm.s32 @!p2 $0x0  }
0x1d: {  	s5 =	simm.s32 @p1 $0x1;
	p0 =	seq.s32 s7, s2  }
0x1e: {  	s7 =	smul.u32 @!p0 $0xF7A, s2;
	p2 =	seq.s32 @!p0 s5, $0x0  }
0x1f: {  	s9 =	smul.u32 $0xF7A, s1;
	s8 =	simm.s32 @!p0 $0x1BF5;
	p2 =	por !p2, p0  }
0x20: {  	[sflag:s8] =	ssyncset.s32 @!p0 $0xFFFFF086;
	s6 =	sadd.s32 @!p0 s3, s7;
	s7 =	simm.s32 @!p0 $0x108  }
0x21: {  	s3 =	sadd.s32 s3, s9;
	s6 =	sadd.s32 @!p0 $0x88, s6;
	s7 =	simm.s32 @p2 $0x1082  }
0x22: {  	[simem:s7], [sflag:s8] =	dma.local @!p0 [hbm:s6], $0xF7A  }
0x23: {  	s9 =	sor.u32 $0xD0000000, s2;
	s6 =	simm.s32 $0x108;
	_ =	swait.ge @!p0 [sflag:s8], $0x0  }
0x24: {  	s3 =	sadd.s32 $0x88, s3;
	s6 =	simm.s32 @!p1 $0x1082;
	[sflag:s4] =	ssyncset.s32 $0xFFFFF086  }
0x25: {  	[simem:s6], [sflag:s4] =	dma.local [hbm:s3], $0xF7A  }
0x26: {  	[smem:$0x3F9F] =	sst s1;
	(tag) =	ssettag s2;
	_ =	strace s9  }
0x27: {  	s1 =	sld [smem:$0x3FAF]  }
0x28: {  	s2 =	sld [smem:$0x3FB0]  }
0x29: {  	s4 =	sld [smem:$0x3FB2]  }
0x2a: {  	p0 =	seq.s32 s5, $0x0;
	s5 =	sld [smem:$0x3FB3]  }
0x2b: {  	s6 =	sld [smem:$0x3FB4]  }
0x2c: {  	s7 =	sld [smem:$0x3FB5]  }
0x2d: {  	s3 =	simm.s32 $0x108;
	s8 =	sld [smem:$0x3FB6]  }
0x2e: {  	s3 =	simm.s32 @!p0 $0x1082;
	s9 =	sld [smem:$0x3FB7]  }
0x2f: {  	lr =	sadd.s32 s0, s3;
	s0 =	sld [smem:$0x3FAE]  }
0x30: {  	s3 =	sld [smem:$0x3FB1]  }
0x31: {  	[smem:$0x3FBA] =	sst s10  }
0x32: {  	s10 =	sld [smem:$0x3FB8];
	_ =	sdelay $0x3  }
0x33: {  	p0 =	seq.s32 s10, $0x1;
	s10 =	sld [smem:$0x3FBA];
	_ =	sdelay $0x3  }
0x34: {  	[smem:$0x3FBA] =	sst s10  }
0x35: {  	s10 =	sld [smem:$0x3FB9];
	_ =	sdelay $0x3  }
0x36: {  	p1 =	seq.s32 s10, $0x1;
	s10 =	sld [smem:$0x3FBA];
	_ =	sdelay $0x3  }
0x37: {  	[smem:$0x3FBA] =	sst s10  }
0x38: {  	s10 =	sld [smem:$0x3FBB]  }
0x39: {  	_ = 	snop;
	(pc) =	sbr.ind lr, $3  }
0x3a: {  	_ = 	snop  }
0x3b: {  	_ = 	snop  }
0x3c: {  	p2 =	seq.s32 s10, $0x1;
	s10 =	sld [smem:$0x3FBA]  }
0x3d: {  	_ =	shalt  }
0x3e: {  	_ =	shalt  }
0x3f: {  	_ =	shalt  }
0x40: {  	_ =	shalt  }
0x41: {  	_ =	shalt  }
0x42: {  	_ =	shalt  }
0x43: {  	_ =	shalt  }
0x44: {  	_ =	shalt  }
0x45: {  	_ =	shalt  }
0x46: {  	_ =	shalt  }
0x47: {  	_ =	shalt  }
0x48: {  	_ =	shalt  }
0x49: {  	_ =	shalt  }
0x4a: {  	_ =	shalt  }
0x4b: {  	_ =	shalt  }
0x4c: {  	_ =	shalt  }
0x4d: {  	_ =	shalt  }
0x4e: {  	_ =	shalt  }
0x4f: {  	_ =	shalt  }
0x50: {  	_ =	shalt  }
0x51: {  	_ =	shalt  }
0x52: {  	_ =	shalt  }
0x53: {  	_ =	shalt  }
0x54: {  	_ =	shalt  }
0x55: {  	_ =	shalt  }
0x56: {  	_ =	shalt  }
0x57: {  	_ =	shalt  }
0x58: {  	_ =	shalt  }
0x59: {  	_ =	shalt  }
0x5a: {  	_ =	shalt  }
0x5b: {  	_ =	shalt  }
0x5c: {  	_ =	shalt  }
0x5d: {  	_ =	shalt  }
0x5e: {  	_ =	shalt  }
0x5f: {  	_ =	shalt  }
0x60: {  	_ =	shalt  }
0x61: {  	_ =	shalt  }
0x62: {  	_ =	shalt  }
0x63: {  	_ =	shalt  }
0x64: {  	_ =	shalt  }
0x65: {  	_ =	shalt  }
0x66: {  	_ =	shalt  }
0x67: {  	_ =	shalt  }
0x68: {  	_ =	shalt  }
0x69: {  	_ =	shalt  }
0x6a: {  	_ =	shalt  }
0x6b: {  	_ =	shalt  }
0x6c: {  	_ =	shalt  }
0x6d: {  	_ =	shalt  }
0x6e: {  	_ =	shalt  }
0x6f: {  	_ =	shalt  }
0x70: {  	_ =	shalt  }
0x71: {  	_ =	shalt  }
0x72: {  	_ =	shalt  }
0x73: {  	_ =	shalt  }
0x74: {  	_ =	shalt  }
0x75: {  	_ =	shalt  }
0x76: {  	_ =	shalt  }
0x77: {  	_ =	shalt  }
0x78: {  	_ =	shalt  }
0x79: {  	_ =	shalt  }
0x7a: {  	_ =	shalt  }
0x7b: {  	_ =	shalt  }
0x7c: {  	_ =	shalt  }
0x7d: {  	_ =	shalt  }
0x7e: {  	_ =	shalt  }
0x7f: {  	_ =	shalt  }
0x80: {  	_ =	shalt  }
0x81: {  	_ =	shalt  }
0x82: {  	_ =	shalt  }
0x83: {  	_ =	shalt  }
0x84: {  	_ =	shalt  }
0x85: {  	_ =	shalt  }
0x86: {  	_ =	shalt  }
0x87: {  	_ =	shalt  }
.Lfunc_end0:
.L_simem_size_0:
called_computation_lowered:
.L_overlay_start_0:
0x88: {  	s2 =	sld [smem:$0x3FD9]  }
0x89: {  	s3 =	sld [smem:$0x3FFE];
	_ =	sdelay $0x1  }
0x8a: {  	s1 =	srdreg.scid  }
0x8b: {  	s0 =	sand.u32 $0x1, s1  }
0x8c: {  	s17 =	sshll.u32 s0, $0xA;
	s2 =	sadd.s32 s3, s2  }
0x8d: {  	s2 =	sadd.s32 s2, s17  }
0x8e: {  	[smem:$0x3FC6] =	sst s2  }
0x8f: {  	_ = 	snop  }
0x90: {  	s2 =	sld [smem:$0x3FC9]  }
0x91: {  	s18 =	sld [smem:$0x3FD0];
	(tm) =	ssettm $0x1  }
0x92: {  	s4 =	sld [smem:$0x3FFB];
	_ =	sdelay $0x3  }
0x93: {  	_ =	strace s4  }
0x94: {  	s4 =	sld [smem:$0x3FFC];
	_ =	sdelay $0x3  }
0x95: {  	_ =	strace s4  }
0x96: {  	s4 =	sld [smem:$0x3FFD];
	_ =	sdelay $0x3  }
0x97: {  	_ =	strace s4  }
0x98: {  	_ =	strace $0x8FFFFFFF  }
0x99: {  	s19 =	sld [smem:$0x3FDB];
	_ =	sdelay $0x1  }
0x9a: {  	s5 =	simm.s32 $_scs_section_size  }
0x9b: {  	s6 =	simm.s32 $_size__tile_overlayer_lowered;
	s7 =	simm.s32 $_tile_overlayer_lowered  }
0x9c: {  	s22 =	simm.s32 $0x1BFF;
	s21 =	sshll.u32 s7, $0x1;
	s4 =	sadd.s32 s5, s19  }
0x9d: {  	s8 =	simm.s32 $0x0;
	s20 =	sshll.u32 s6, $0x1;
	s6 =	sadd.s32 s21, s4  }
0x9e: {  	[timem:s8], [sflag:s22] =	dma.local [hbm:s6], s20  }
0x9f: {  	_ =	swait.ge [sflag:s22], s20  }
0xa0: {  	s5 =	ssub.s32 $0x0, s20;
	[sflag:s22] =	ssyncset.done $0x0  }
0xa1: {  	[sflag:s22] =	ssyncadd.s32 s5;
	_ =	sdelay $0x1  }
0xa2: {  	s23 =	simm.s32 $0x1B8B  }
0xa3: {  	_ =	swait.ge [sflag:s23], $0x1  }
0xa4: {  	[sflag:s23] =	ssyncset.done $0x0  }
0xa5: {  	s25 =	simm.s32 $0x1B8E;
	s24 =	sld [smem:$0x3FFE];
	[sflag:s23] =	ssyncadd.s32 $0xFFFFFFFF  }
0xa6: {  	s26 =	simm.s32 $execute0_lowered;
	[smem:$0x3FD2] =	sst s25  }
0xa7: {  	s6 =	sshll.u32 s26, $0x1;
	_ =	strace $0x80000046;
	[dreg:$0x1] =	wrdreg $0xFFFFFFFF  }
0xa8: {  	s28 =	simm.s32 $_size_execute0_lowered;
	s4 =	sadd.s32 s4, s6;
	[dreg:$0x0] =	wrdreg $0x0  }
0xa9: {  	s6 =	sshll.u32 s28, $0x1;
	[dreg:$0x2] =	wrdreg s4  }
0xaa: {  	[dreg:$0x3] =	wrdreg s6  }
0xab: {  	[dreg:$0x4] =	wrdreg $0xC0  }
0xac: {  	_ =	task [dreg:s8], $0x5FFFF  }
0xad: {  	[dreg:$0x1] =	wrdreg $0xFFFFFFFF  }
0xae: {  	[dreg:$0x0] =	wrdreg $0x60  }
0xaf: {  	[dreg:$0x2] =	wrdreg s2  }
0xb0: {  	[dreg:$0x3] =	wrdreg s24  }
0xb1: {  	[dreg:$0x4] =	wrdreg s18  }
0xb2: {  	[dreg:$0x5] =	wrdreg $0x9  }
0xb3: {  	_ =	task.clear_ibuf [dreg:s8], $0x6FFFF;
	_ =	strace $0x90000046  }
0xb4: {  	s29 =	simm.s32 $0x9;
	_ =	strace $0x80000048  }
0xb5: {  	_ =	swait.ge [sflag:s29], $0x1  }
0xb6: {  	[sflag:s29] =	ssyncadd.s32 $0xFFFFFFFF  }
0xb7: {  	_ =	strace $0x90000048  }
0xb8: {  	_ =	sfence  }
0xb9: {  	s30 =	sld [smem:$0x0];
	_ =	sdelay $0x2  }
0xba: {  	s31 =	sshll.u32 s1, $0xD;
	s1 =	sshrl.u32 s1, $0x2  }
0xbb: {  	s3 =	sand.u32 $0x4000, s31;
	s1 =	sadd.s32 s1, s30  }
0xbc: {  	s0 =	sor.u32 s3, s0;
	s1 =	sshll.u32 s1, $0x11  }
0xbd: {  	s0 =	sor.u32 s1, s0  }
0xbe: {  	s0 =	sadd.s32 $0x8F2B, s0  }
0xbf: {  	[sflag:s0] =	ssyncadd.remote.s32 $0x1  }
0xc0: {  	_ =	sfence.sel $0xFFFF  }
0xc1: {  	[dreg:$0x0] =	wrdreg $0xFFFFFFFF;
	(pc) =	sbr.abs _section_cstart, $3  }
0xc2: {  	[dreg:$0x1] =	wrdreg $0xFFFFFFFF  }
0xc3: {  	_ =	task.clear_ibuf [dreg:s8], $0x2FFFF;
	_ =	strace $0x9FFFFFFF  }
0xc4: {  	(tm) =	ssettm $0x7FFFFFFF  }
0xc5: {  	_ =	shalt  }
tec
execute0_lowered:
.L_overlay_start_1:
0x0: {  	(tag) =	ssettag $0x1  }
0x1: {  	s2 =	rddreg [dreg:$0x0]  }
0x2: {  	s0 =	rddreg [dreg:$0x1]  }
0x3: {  	s3 =	rddreg [dreg:$0x2]  }
0x4: {  	s1 =	srdreg.scid;
	s4 =	stileid.u32;
	s23 =	simm.s32 $0x6  }
0x5: {  	s28 =	simm.s32 $0x9900;
	s29 =	simm.s32 $0xA100;
	s30 =	simm.s32 $0xA900  }
0x6: {  	s31 =	simm.s32 $0xB100;
	s10 =	simm.s32 $0x10100;
	s11 =	simm.s32 $0x2  }
0x7: {  	s22 =	simm.s32 $0x14100;
	s12 =	simm.s32 $0x4;
	s13 =	simm.s32 $0x5  }
0x8: {  	s15 =	simm.s32 $0x0;
	s1 =	sand.u32 $0x1, s1;
	s5 =	sshll.u32 s4, $0x1  }
0x9: {  	s4 =	simm.s32 $0x0;
	s25 =	sadd.s32 $0xA00000, s3;
	s6 =	sor.u32 s1, s5  }
0xa: {  	s1 =	ssub.s32 $0x2, s1;
	[smem:$0x7FF] =	sst s4;
	s5 =	sshll.u32 s6, $0x4  }
0xb: {  	s7 =	sshrl.u32 s1, $0x1;
	_ =	strace $0x80000047;
	[dreg:$0x6] =	wrdreg s25  }
0xc: {  	p0 =	sne.s32 s6, $0x0;
	s9 =	sadd.s32 s5, s0;
	s1 =	ssub.s32 s1, s7  }
.Ltmp0:
0xd: {  	s7 =	sshll.u32 s6, $0x6;
	s0 =	sadd.s32 $0x14600, s0;
	(pc) =	sbr.rel .LBB2_1-.Ltmp0, $4  }
0xe: {  	s6 =	simm.s32 $0x3;
	s5 =	sadd.s32 $0x600, s9;
	s24 =	sadd.s32 $0x800, s9  }
0xf: {  	v2 =	vlaneseq.u32;
	s8 =	sor.u32 $0x800, s7;
	s9 =	sadd.s32 $0xC00, s9;
	[dreg:$0x5] =	wrdreg s0  }
0x10: {  	vm0 =	vmmov $0xffff;
	v1 =	vshrl.u32 v2, $0x3;
	s26 =	smax.u32 s1, $0x1;
	s0 =	simm.s32 $0xB900;
	[dreg:$0x4] =	wrdreg s24  }
0x11: {  	v0 =	vand.u32 $0x7, v2;
	v2 =	vor.u32 $0x8, v2;
	v1 =	vmul.u32 $0x8, v1;
	s1 =	simm.s32 $0x1;
	[dreg:$0x7] =	wrdreg s26;
	s26 =	simm.s32 $0x9100  }
.LBB2_22:
0x12: {  	_ =	swait.ge [sflag:s6], $0x4000  }
.Ltmp1:
0x13: {  	[sflag:s6] =	ssyncset.done $0x0;
	(pc) =	sbr.rel @!p0 .LBB2_23-.Ltmp1, $4  }
0x14: {  	[sflag:s6] =	ssyncadd.s32 $0xFFFFC000  }
0x15: {  	_ =	swait.ge [sflag:s12], $0x4000  }
0x16: {  	[sflag:s12] =	ssyncset.done $0x0  }
0x17: {  	s15 =	rddreg [dreg:$0x8];
	[sflag:s12] =	ssyncadd.s32 $0xFFFFC000  }
.LBB2_26:
0x18: {  	s15 =	sadd.s32 $0x1, s15;
	s14 =	rddreg [dreg:$0x7]  }
0x19: {  	p1 =	sne.s32 s15, s14  }
.Ltmp2:
0x1a: {  	_ = 	snop;
	(pc) =	sbr.rel @!p1 .LBB2_27-.Ltmp2, $1  }
0x1b: {  	_ =	sdelay $0x3  }
.LBB2_1:
0x1c: {  	[tilespmem:s4], [sflag:$0x9] =	stream.linear.gather [hbm4b:s5+s4], $0x80, $0x38;
	[tilespmem:$0x18100] =	vst v63  }
0x1d: {  	[dreg:$0x8] =	wrdreg s15;
	s14 =	simm.s32 $0x9  }
0x1e: {  	_ =	swait.ge [sflag:s14], $0x80  }
0x1f: {  	[sflag:s14] =	ssyncset.done $0x0  }
0x20: {  	[sflag:s14] =	ssyncadd.s32 $0xFFFFFF80  }
0x21: {  	v3 =	vld [tilespmem:$0x0];
	_ =	sdelay $0x4  }
0x22: {  	v4 =	vshll.u32 v3, $0x1  }
0x23: {  	v3 =	vand.u32 $0x7, v3;
	v4 =	vand.u32 $0xFFFFFFF0, v4  }
0x24: {  	v3 =	vor.u32 v3, v4  }
0x25: {  	v4 =	vperm.xlane v3, v0;
	_ =	sdelay $0x1  }
0x26: {  	v3 =	vperm.xlane v3, v2;
	v4 =	vadd.s32 v1, v4;
	_ =	sdelay $0x1  }
0x27: {  	v3 =	vadd.s32 v1, v3;
	_ =	sdelay $0x1  }
0x28: {  	s25 =	simm.s32 $0x100  }
0x29: {  	[tilespmem:s25], [sflag:$0x1] =	stream.indirect_vreg.gather [hbm4b:s2+s4], $0x80, v4, vm0, $0xb8;
	[tilespmem:$0x18100] =	vst v63  }
0x2a: {  	s15 =	simm.s32 $0x900  }
0x2b: {  	[tilespmem:s15], [sflag:$0x1] =	stream.indirect_vreg.gather [hbm4b:s2+s4], $0x80, v3, vm0, $0xb8;
	[tilespmem:$0x18100] =	vst v63  }
0x2c: {  	v3 =	vld [tilespmem:$0x10];
	_ =	sdelay $0x4  }
0x2d: {  	v61 =	vshll.u32 v3, $0x1  }
0x2e: {  	v3 =	vand.u32 $0x7, v3;
	v4 =	vand.u32 $0xFFFFFFF0, v61  }
0x2f: {  	v3 =	vor.u32 v3, v4  }
0x30: {  	v4 =	vperm.xlane v3, v0;
	_ =	sdelay $0x1  }
0x31: {  	v3 =	vperm.xlane v3, v2;
	v4 =	vadd.s32 v1, v4;
	_ =	sdelay $0x1  }
0x32: {  	v3 =	vadd.s32 v1, v3;
	_ =	sdelay $0x1  }
0x33: {  	s16 =	simm.s32 $0x1100  }
0x34: {  	[tilespmem:s16], [sflag:$0x1] =	stream.indirect_vreg.gather [hbm4b:s2+s4], $0x80, v4, vm0, $0xb8;
	[tilespmem:$0x18100] =	vst v63  }
0x35: {  	s17 =	simm.s32 $0x1900  }
0x36: {  	[tilespmem:s17], [sflag:$0x1] =	stream.indirect_vreg.gather [hbm4b:s2+s4], $0x80, v3, vm0, $0xb8;
	[tilespmem:$0x18100] =	vst v63  }
0x37: {  	v3 =	vld [tilespmem:$0x20];
	_ =	sdelay $0x4  }
0x38: {  	v62 =	vshll.u32 v3, $0x1  }
0x39: {  	v3 =	vand.u32 $0x7, v3;
	v4 =	vand.u32 $0xFFFFFFF0, v62  }
0x3a: {  	v3 =	vor.u32 v3, v4  }
0x3b: {  	v4 =	vperm.xlane v3, v0;
	_ =	sdelay $0x1  }
0x3c: {  	v3 =	vperm.xlane v3, v2;
	v4 =	vadd.s32 v1, v4;
	_ =	sdelay $0x1  }
0x3d: {  	v3 =	vadd.s32 v1, v3;
	_ =	sdelay $0x1  }
0x3e: {  	s18 =	simm.s32 $0x2100  }
0x3f: {  	[tilespmem:s18], [sflag:$0x1] =	stream.indirect_vreg.gather [hbm4b:s2+s4], $0x80, v4, vm0, $0xb8;
	[tilespmem:$0x18100] =	vst v63  }
0x40: {  	s19 =	simm.s32 $0x2900  }
0x41: {  	[tilespmem:s19], [sflag:$0x1] =	stream.indirect_vreg.gather [hbm4b:s2+s4], $0x80, v3, vm0, $0xb8;
	[tilespmem:$0x18100] =	vst v63  }
0x42: {  	v3 =	vld [tilespmem:$0x30];
	_ =	sdelay $0x4  }
0x43: {  	v63 =	vshll.u32 v3, $0x1  }
0x44: {  	v3 =	vand.u32 $0x7, v3;
	v4 =	vand.u32 $0xFFFFFFF0, v63  }
0x45: {  	v3 =	vor.u32 v3, v4  }
0x46: {  	v4 =	vperm.xlane v3, v0;
	_ =	sdelay $0x1  }
0x47: {  	v4 =	vadd.s32 v1, v4  }
0x48: {  	v3 =	vperm.xlane v3, v2;
	_ =	sdelay $0x1  }
0x49: {  	v3 =	vadd.s32 v1, v3  }
0x4a: {  	s20 =	simm.s32 $0x3100  }
0x4b: {  	[tilespmem:s20], [sflag:$0x1] =	stream.indirect_vreg.gather [hbm4b:s2+s4], $0x80, v4, vm0, $0xb8;
	[tilespmem:$0x18100] =	vst v63  }
.Ltmp3:
0x4c: {  	_ = 	snop;
	(pc) =	sbr.rel .LBB2_2-.Ltmp3, $4  }
0x4d: {  	s21 =	simm.s32 $0x3900  }
0x4e: {  	[tilespmem:s21], [sflag:$0x1] =	stream.indirect_vreg.gather [hbm4b:s2+s4], $0x80, v3, vm0, $0xb8;
	[tilespmem:$0x18100] =	vst v63  }
0x4f: {  	s24 =	rddreg [dreg:$0x4];
	s14 =	simm.s32 $0x0;
	s25 =	simm.s32 $0x80  }
0x50: {  	[tilespmem:s25], [sflag:$0x6] =	stream.linear.gather [hbm4b:s24+s4], $0x80, $0x38;
	[tilespmem:$0x18100] =	vst v63  }
.LBB2_17:
0x51: {  	[tilespmem:s16+$0x14510] =	vst v6;
	s17 =	sor.u32 s20, s19;
	v55 =	vld [tilespmem:s16+$0x8560]  }
0x52: {  	v8 =	vld [tilespmem:s17+$0x8570];
	[tilespmem:s16+$0x14520] =	vst v3  }
0x53: {  	v3 =	vld [tilespmem:s17+$0x8100];
	[tilespmem:s16+$0x14530] =	vst v4  }
0x54: {  	v4 =	vld [tilespmem:s17+$0x8110];
	[tilespmem:s16+$0x14540] =	vst v5  }
0x55: {  	v5 =	vld [tilespmem:s17+$0x8120];
	[tilespmem:s16+$0x14550] =	vst v7  }
0x56: {  	v7 =	vld [tilespmem:s17+$0x8130];
	[tilespmem:s16+$0x14560] =	vst v55  }
0x57: {  	v6 =	vld [tilespmem:s17+$0x8140];
	[tilespmem:s17+$0x14570] =	vst v8  }
0x58: {  	v56 =	vld [tilespmem:s17+$0x8160];
	[tilespmem:s17+$0x14100] =	vst v3  }
0x59: {  	v57 =	vld [tilespmem:s17+$0x8170];
	[tilespmem:s17+$0x14110] =	vst v4  }
0x5a: {  	v58 =	vld [tilespmem:s17+$0x8500];
	[tilespmem:s17+$0x14120] =	vst v5  }
0x5b: {  	v59 =	vld [tilespmem:s17+$0x8510];
	[tilespmem:s17+$0x14130] =	vst v7  }
0x5c: {  	v3 =	vld [tilespmem:s17+$0x8150];
	[tilespmem:s17+$0x14140] =	vst v6  }
0x5d: {  	v60 =	vld [tilespmem:s17+$0x8530];
	[tilespmem:s17+$0x14160] =	vst v56  }
0x5e: {  	v61 =	vld [tilespmem:s17+$0x8540];
	[tilespmem:s17+$0x14170] =	vst v57  }
0x5f: {  	v62 =	vld [tilespmem:s17+$0x8550];
	[tilespmem:s17+$0x14500] =	vst v58  }
0x60: {  	v63 =	vld [tilespmem:s17+$0x8560];
	[tilespmem:s17+$0x14510] =	vst v59  }
0x61: {  	[tilespmem:s17+$0x14150] =	vst v3;
	v3 =	vld [tilespmem:s17+$0x8520]  }
0x62: {  	[tilespmem:s17+$0x14530] =	vst v60  }
0x63: {  	[tilespmem:s17+$0x14540] =	vst v61  }
0x64: {  	[tilespmem:s17+$0x14550] =	vst v62  }
0x65: {  	[tilespmem:s17+$0x14560] =	vst v63  }
0x66: {  	[tilespmem:s17+$0x14520] =	vst v3  }
.LBB2_21:
0x67: {  	s14 =	sadd.s32 $0x1, s14  }
0x68: {  	p1 =	sne.s32 s14, $0x50  }
.Ltmp4:
0x69: {  	_ = 	snop;
	(pc) =	sbr.rel @!p1 .LBB2_22-.Ltmp4, $4  }
0x6a: {  	_ = 	snop  }
0x6b: {  	s15 =	sshll.u32 s15, $0x5  }
0x6c: {  	s15 =	sadd.s32 s3, s15  }
0x6d: {  	[hbm4b:s15+s4] =	stream.linear.scatter [tilespmem:s22], [sflag:$0x4], $0x4000, $0x38;
	[tilespmem:$0x18100] =	vst v63  }
.LBB2_2:
0x6e: {  	_ =	swait.ge [sflag:s23], $0x80  }
0x6f: {  	[sflag:s23] =	ssyncset.done $0x0  }
0x70: {  	[sflag:s23] =	ssyncadd.s32 $0xFFFFFF80  }
0x71: {  	v3 =	vld [tilespmem:$0x80];
	_ =	sdelay $0x4  }
0x72: {  	v4 =	vshll.u32 v3, $0x1  }
0x73: {  	v3 =	vand.u32 $0x7, v3;
	v4 =	vand.u32 $0xFFFFFFF0, v4  }
0x74: {  	v3 =	vor.u32 v3, v4  }
0x75: {  	v4 =	vperm.xlane v3, v0;
	_ =	sdelay $0x1  }
0x76: {  	v3 =	vperm.xlane v3, v2;
	v4 =	vadd.s32 v1, v4;
	_ =	sdelay $0x1  }
0x77: {  	v3 =	vadd.s32 v1, v3;
	_ =	sdelay $0x1  }
0x78: {  	s15 =	simm.s32 $0x8100  }
0x79: {  	[tilespmem:s15], [sflag:$0x2] =	stream.indirect_vreg.gather [hbm4b:s2+s4], $0x80, v4, vm0, $0xb8;
	[tilespmem:$0x18100] =	vst v63  }
0x7a: {  	s21 =	simm.s32 $0x8900  }
0x7b: {  	[tilespmem:s21], [sflag:$0x2] =	stream.indirect_vreg.gather [hbm4b:s2+s4], $0x80, v3, vm0, $0xb8;
	[tilespmem:$0x18100] =	vst v63  }
0x7c: {  	v3 =	vld [tilespmem:$0x90];
	_ =	sdelay $0x4  }
0x7d: {  	v61 =	vshll.u32 v3, $0x1  }
0x7e: {  	v3 =	vand.u32 $0x7, v3;
	v4 =	vand.u32 $0xFFFFFFF0, v61  }
0x7f: {  	v3 =	vor.u32 v3, v4  }
0x80: {  	v4 =	vperm.xlane v3, v0;
	_ =	sdelay $0x1  }
0x81: {  	v3 =	vperm.xlane v3, v2;
	v4 =	vadd.s32 v1, v4;
	_ =	sdelay $0x1  }
0x82: {  	v3 =	vadd.s32 v1, v3;
	_ =	sdelay $0x2  }
0x83: {  	[tilespmem:s26], [sflag:$0x2] =	stream.indirect_vreg.gather [hbm4b:s2+s4], $0x80, v4, vm0, $0xb8;
	[tilespmem:$0x18100] =	vst v63  }
0x84: {  	_ = 	snop  }
0x85: {  	[tilespmem:s28], [sflag:$0x2] =	stream.indirect_vreg.gather [hbm4b:s2+s4], $0x80, v3, vm0, $0xb8;
	[tilespmem:$0x18100] =	vst v63  }
0x86: {  	v3 =	vld [tilespmem:$0xA0];
	_ =	sdelay $0x4  }
0x87: {  	v62 =	vshll.u32 v3, $0x1  }
0x88: {  	v3 =	vand.u32 $0x7, v3;
	v4 =	vand.u32 $0xFFFFFFF0, v62  }
0x89: {  	v3 =	vor.u32 v3, v4  }
0x8a: {  	v4 =	vperm.xlane v3, v0;
	_ =	sdelay $0x1  }
0x8b: {  	v3 =	vperm.xlane v3, v2;
	v4 =	vadd.s32 v1, v4;
	_ =	sdelay $0x1  }
0x8c: {  	v3 =	vadd.s32 v1, v3;
	_ =	sdelay $0x2  }
0x8d: {  	[tilespmem:s29], [sflag:$0x2] =	stream.indirect_vreg.gather [hbm4b:s2+s4], $0x80, v4, vm0, $0xb8;
	[tilespmem:$0x18100] =	vst v63  }
0x8e: {  	_ = 	snop  }
0x8f: {  	[tilespmem:s30], [sflag:$0x2] =	stream.indirect_vreg.gather [hbm4b:s2+s4], $0x80, v3, vm0, $0xb8;
	[tilespmem:$0x18100] =	vst v63  }
0x90: {  	v3 =	vld [tilespmem:$0xB0];
	_ =	sdelay $0x4  }
0x91: {  	v63 =	vshll.u32 v3, $0x1  }
0x92: {  	v3 =	vand.u32 $0x7, v3;
	v4 =	vand.u32 $0xFFFFFFF0, v63  }
0x93: {  	s17 =	sshll.u32 s14, $0xC;
	v3 =	vor.u32 v3, v4  }
0x94: {  	s15 =	sor.u32 s8, s17;
	v4 =	vperm.xlane v3, v0  }
0x95: {  	s16 =	smulhi.u32 $0x666147F, s15  }
0x96: {  	v3 =	vperm.xlane v3, v2;
	v4 =	vadd.s32 v1, v4  }
0x97: {  	s16 =	sshrl.u32 s16, $0x8  }
0x98: {  	s16 =	smul.u32 $0x2802, s16;
	v3 =	vadd.s32 v1, v3;
	_ =	sdelay $0x1  }
0x99: {  	s16 =	ssub.s32 s15, s16  }
0x9a: {  	[tilespmem:s31], [sflag:$0x2] =	stream.indirect_vreg.gather [hbm4b:s2+s4], $0x80, v4, vm0, $0xb8;
	[tilespmem:$0x18100] =	vst v63  }
0x9b: {  	p1 =	slt.u32 s16, $0x9C3  }
0x9c: {  	[tilespmem:s0], [sflag:$0x2] =	stream.indirect_vreg.gather [hbm4b:s2+s4], $0x80, v3, vm0, $0xb8;
	[tilespmem:$0x18100] =	vst v63  }
0x9d: {  	v3 =	vld @!p1 [tilespmem:$0xC0];
	_ =	sdelay $0x4  }
0x9e: {  	v4 =	vshll.u32 @!p1 v3, $0x1  }
0x9f: {  	v5 =	vlaneseq.u32 @!p1;
	v3 =	vand.u32 @!p1 $0x7, v3;
	v4 =	vand.u32 @!p1 $0xFFFFFFF0, v4  }
0xa0: {  	v6 =	vshrl.u32 @!p1 v5, $0x3;
	v3 =	vor.u32 @!p1 v3, v4;
	v4 =	vand.u32 @!p1 $0x7, v5  }
0xa1: {  	v6 =	vmul.u32 @!p1 $0x8, v6;
	v7 =	vperm.xlane @!p1 v3, v4  }
0xa2: {  	v5 =	vor.u32 @!p1 $0x8, v5  }
0xa3: {  	v3 =	vperm.xlane @!p1 v3, v5;
	v7 =	vadd.s32 @!p1 v6, v7;
	_ =	sdelay $0x1  }
0xa4: {  	v3 =	vadd.s32 @!p1 v6, v3;
	_ =	sdelay $0x1  }
0xa5: {  	vm1 =	vmmov @!p1 $0xffff;
	s19 =	simm.s32 @!p1 $0x0;
	s18 =	simm.s32 @!p1 $0xC100  }
0xa6: {  	[tilespmem:s18], [sflag:$0x8] =	stream.indirect_vreg.gather @!p1 [hbm4b:s2+s19], $0x80, v7, vm1, $0xb8;
	[tilespmem:$0x18100] =	vst v63  }
0xa7: {  	s18 =	simm.s32 @!p1 $0xC900  }
0xa8: {  	[tilespmem:s18], [sflag:$0x8] =	stream.indirect_vreg.gather @!p1 [hbm4b:s2+s19], $0x80, v3, vm1, $0xb8;
	[tilespmem:$0x18100] =	vst v63  }
0xa9: {  	v3 =	vld @!p1 [tilespmem:$0xD0];
	_ =	sdelay $0x4  }
0xaa: {  	v7 =	vshll.u32 @!p1 v3, $0x1  }
0xab: {  	v3 =	vand.u32 @!p1 $0x7, v3;
	v7 =	vand.u32 @!p1 $0xFFFFFFF0, v7  }
0xac: {  	v3 =	vor.u32 @!p1 v3, v7  }
0xad: {  	v7 =	vperm.xlane @!p1 v3, v4;
	_ =	sdelay $0x1  }
0xae: {  	v3 =	vperm.xlane @!p1 v3, v5;
	v7 =	vadd.s32 @!p1 v6, v7;
	_ =	sdelay $0x1  }
0xaf: {  	v3 =	vadd.s32 @!p1 v6, v3;
	_ =	sdelay $0x1  }
0xb0: {  	s18 =	simm.s32 @!p1 $0xD100  }
0xb1: {  	[tilespmem:s18], [sflag:$0x8] =	stream.indirect_vreg.gather @!p1 [hbm4b:s2+s19], $0x80, v7, vm1, $0xb8;
	[tilespmem:$0x18100] =	vst v63  }
0xb2: {  	s18 =	simm.s32 @!p1 $0xD900  }
0xb3: {  	[tilespmem:s18], [sflag:$0x8] =	stream.indirect_vreg.gather @!p1 [hbm4b:s2+s19], $0x80, v3, vm1, $0xb8;
	[tilespmem:$0x18100] =	vst v63  }
0xb4: {  	v3 =	vld @!p1 [tilespmem:$0xE0];
	_ =	sdelay $0x4  }
0xb5: {  	v7 =	vshll.u32 @!p1 v3, $0x1  }
0xb6: {  	v3 =	vand.u32 @!p1 $0x7, v3;
	v7 =	vand.u32 @!p1 $0xFFFFFFF0, v7  }
0xb7: {  	v3 =	vor.u32 @!p1 v3, v7  }
0xb8: {  	v7 =	vperm.xlane @!p1 v3, v4;
	_ =	sdelay $0x1  }
0xb9: {  	v3 =	vperm.xlane @!p1 v3, v5;
	v7 =	vadd.s32 @!p1 v6, v7;
	_ =	sdelay $0x1  }
0xba: {  	v3 =	vadd.s32 @!p1 v6, v3;
	_ =	sdelay $0x1  }
0xbb: {  	s18 =	simm.s32 @!p1 $0xE100  }
0xbc: {  	[tilespmem:s18], [sflag:$0x8] =	stream.indirect_vreg.gather @!p1 [hbm4b:s2+s19], $0x80, v7, vm1, $0xb8;
	[tilespmem:$0x18100] =	vst v63  }
0xbd: {  	s18 =	simm.s32 @!p1 $0xE900  }
0xbe: {  	[tilespmem:s18], [sflag:$0x8] =	stream.indirect_vreg.gather @!p1 [hbm4b:s2+s19], $0x80, v3, vm1, $0xb8;
	[tilespmem:$0x18100] =	vst v63  }
0xbf: {  	v3 =	vld @!p1 [tilespmem:$0xF0];
	_ =	sdelay $0x4  }
0xc0: {  	v7 =	vshll.u32 @!p1 v3, $0x1  }
0xc1: {  	v3 =	vand.u32 @!p1 $0x7, v3;
	v7 =	vand.u32 @!p1 $0xFFFFFFF0, v7  }
0xc2: {  	v3 =	vor.u32 @!p1 v3, v7  }
0xc3: {  	v4 =	vperm.xlane @!p1 v3, v4;
	_ =	sdelay $0x1  }
0xc4: {  	v3 =	vperm.xlane @!p1 v3, v5;
	v4 =	vadd.s32 @!p1 v6, v4  }
0xc5: {  	s18 =	sor.u32 s7, s17  }
0xc6: {  	s20 =	smulhi.u32 $0x666147F, s18;
	v3 =	vadd.s32 @!p1 v6, v3;
	_ =	sdelay $0x1  }
0xc7: {  	s17 =	simm.s32 @!p1 $0xF100;
	s24 =	sshrl.u32 s20, $0x8  }
0xc8: {  	[tilespmem:s17], [sflag:$0x8] =	stream.indirect_vreg.gather @!p1 [hbm4b:s2+s19], $0x80, v4, vm1, $0xb8;
	[tilespmem:$0x18100] =	vst v63  }
0xc9: {  	s20 =	simm.s32 @!p1 $0xF900;
	s17 =	smul.u32 $0x2802, s24  }
0xca: {  	[tilespmem:s20], [sflag:$0x8] =	stream.indirect_vreg.gather @!p1 [hbm4b:s2+s19], $0x80, v3, vm1, $0xb8;
	[tilespmem:$0x18100] =	vst v63  }
0xcb: {  	s19 =	ssub.s32 s18, s17;
	_ =	swait.ge [sflag:s1], $0x4000  }
0xcc: {  	p3 =	slt.u32 s19, $0x9C3;
	[sflag:s1] =	ssyncset.done $0x0  }
0xcd: {  	s20 =	simm.s32 @!p3 $0x7;
	[sflag:s1] =	ssyncadd.s32 $0xFFFFC000  }
0xce: {  	_ =	swait.ge @!p3 [sflag:s20], $0x4000  }
0xcf: {  	p2 =	seq.s32 s14, $0x4F;
	[sflag:s20] =	ssyncset.done @!p3 $0x0  }
0xd0: {  	[sflag:s20] =	ssyncadd.s32 @!p3 $0xFFFFC000;
	p3 =	seq.s32 @!p2 s14, $0x0  }
0xd1: {  	p3 =	por p2, !p3  }
.Ltmp5:
0xd2: {  	s25 =	sshll.u32 s14, $0x1;
	(pc) =	sbr.rel @!p3 .LBB2_3-.Ltmp5, $4  }
0xd3: {  	s17 =	sadd.s32 $0x2, s25  }
0xd4: {  	s21 =	sshll.u32 @!p2 s17, $0x9  }
0xd5: {  	s20 =	sadd.s32 @!p2 s21, s5;
	s21 =	simm.s32 @!p2 $0x0  }
0xd6: {  	[tilespmem:s21], [sflag:$0x5] =	stream.linear.gather @!p2 [hbm4b:s20+s21], $0x80, $0x38;
	[tilespmem:$0x18100] =	vst v63  }
.Ltmp6:
0xd7: {  	(pc) =	sbr.rel .LBB2_5-.Ltmp6, $4  }
0xd8: {  	_ = 	snop  }
0xd9: {  	_ =	swait.ge [sflag:s6], $0x4000  }
0xda: {  	[sflag:s6] =	ssyncset.done $0x0  }
0xdb: {  	p3 =	por $0x0, $0x0;
	[sflag:s6] =	ssyncadd.s32 $0xFFFFC000  }
.LBB2_3:
0xdc: {  	p3 =	por @!p2 $0x1, $0x1  }
.LBB2_5:
0xdd: {  	p4 =	sgt.u32 s19, $0x9C2  }
.Ltmp7:
0xde: {  	_ = 	snop;
	(pc) =	sbr.rel @!p4 .LBB2_6-.Ltmp7, $4  }
0xdf: {  	_ = 	snop  }
0xe0: {  	s25 =	simm.s32 $0x0  }
0xe1: {  	s20 =	sand.u32 $0x3800, s25;
	s19 =	sand.u32 $0x380, s25  }
0xe2: {  	s19 =	sor.u32 s19, s20  }
0xe3: {  	v3 =	vld [tilespmem:s19+$0x570]  }
0xe4: {  	v4 =	vld [tilespmem:s19+$0x4570]  }
0xe5: {  	v5 =	vld [tilespmem:s19+$0x100]  }
0xe6: {  	v6 =	vld [tilespmem:s19+$0x4100]  }
0xe7: {  	v7 =	vld [tilespmem:s19+$0x110]  }
0xe8: {  	v8 =	vld [tilespmem:s19+$0x4110]  }
0xe9: {  	v9 =	vld [tilespmem:s19+$0x120]  }
0xea: {  	v10 =	vld [tilespmem:s19+$0x130];
	v3 =	vadd.f32 v4, v3  }
0xeb: {  	v11 =	vld [tilespmem:s19+$0x140];
	v5 =	vadd.f32 v6, v5  }
0xec: {  	v4 =	vld [tilespmem:s19+$0x4120];
	v3 =	vmul.f32 $5.000000000e-01, v3  }
0xed: {  	v6 =	vld [tilespmem:s19+$0x4130];
	v5 =	vmul.f32 $5.000000000e-01, v5  }
0xee: {  	[tilespmem:s19+$0x10570] =	vst v3;
	v3 =	vadd.f32 v8, v7;
	v7 =	vld [tilespmem:s19+$0x4140]  }
0xef: {  	[tilespmem:s19+$0x10100] =	vst v5;
	v5 =	vld [tilespmem:s19+$0x150]  }
0xf0: {  	v8 =	vld [tilespmem:s19+$0x4150]  }
0xf1: {  	v4 =	vadd.f32 v4, v9;
	v3 =	vmul.f32 $5.000000000e-01, v3  }
0xf2: {  	v9 =	vld [tilespmem:s19+$0x4160]  }
0xf3: {  	v6 =	vadd.f32 v6, v10;
	[tilespmem:s19+$0x10110] =	vst v3;
	v3 =	vmul.f32 $5.000000000e-01, v4;
	v4 =	vld [tilespmem:s19+$0x160]  }
0xf4: {  	v10 =	vld [tilespmem:s19+$0x4170]  }
0xf5: {  	v7 =	vadd.f32 v7, v11;
	v5 =	vadd.f32 v8, v5;
	v8 =	vld [tilespmem:s19+$0x4500];
	[tilespmem:s19+$0x10120] =	vst v3;
	v3 =	vmul.f32 $5.000000000e-01, v6  }
0xf6: {  	v6 =	vld [tilespmem:s19+$0x170]  }
0xf7: {  	[tilespmem:s19+$0x10130] =	vst v3;
	v3 =	vmul.f32 $5.000000000e-01, v7;
	v7 =	vld [tilespmem:s19+$0x500]  }
0xf8: {  	v4 =	vadd.f32 v9, v4;
	v9 =	vld [tilespmem:s19+$0x4510]  }
0xf9: {  	[tilespmem:s19+$0x10140] =	vst v3;
	v3 =	vmul.f32 $5.000000000e-01, v5;
	v5 =	vld [tilespmem:s19+$0x510]  }
0xfa: {  	v11 =	vld [tilespmem:s19+$0x520]  }
0xfb: {  	[tilespmem:s19+$0x10150] =	vst v3;
	v3 =	vmul.f32 $5.000000000e-01, v4;
	v4 =	vadd.f32 v10, v6;
	v10 =	vld [tilespmem:s19+$0x4520]  }
0xfc: {  	v12 =	vld [tilespmem:s19+$0x530]  }
0xfd: {  	[tilespmem:s19+$0x10160] =	vst v3;
	v3 =	vmul.f32 $5.000000000e-01, v4;
	v4 =	vadd.f32 v8, v7;
	v8 =	vld [tilespmem:s19+$0x4530]  }
0xfe: {  	v6 =	vld [tilespmem:s19+$0x4540];
	v5 =	vadd.f32 v9, v5  }
0xff: {  	[tilespmem:s19+$0x10170] =	vst v3;
	v4 =	vmul.f32 $5.000000000e-01, v4;
	v3 =	vld [tilespmem:s19+$0x540]  }
0x100: {  	v7 =	vmul.f32 $5.000000000e-01, v5;
	v5 =	vld [tilespmem:s19+$0x4550];
	v9 =	vadd.f32 v10, v11  }
0x101: {  	s20 =	simm.s32 $0x100;
	s21 =	simm.s32 $0x80;
	[tilespmem:s19+$0x10500] =	vst v4;
	v4 =	vld [tilespmem:s19+$0x550]  }
0x102: {  	s20 =	sand.u32 $0x3800, s20;
	s24 =	sand.u32 $0x380, s21;
	[tilespmem:s19+$0x10510] =	vst v7;
	v7 =	vld [tilespmem:s19+$0x560];
	v9 =	vmul.f32 $5.000000000e-01, v9;
	v10 =	vadd.f32 v8, v12  }
0x103: {  	s20 =	sor.u32 s24, s20;
	s24 =	simm.s32 $0x200;
	v8 =	vld [tilespmem:s19+$0x4560]  }
.LBB2_10:
0x104: {  	p4 =	sne.s32 s24, $0x3F00;
	v11 =	vld [tilespmem:s20+$0x570];
	[tilespmem:s19+$0x10520] =	vst v9;
	v9 =	vmul.f32 $5.000000000e-01, v10;
	v3 =	vadd.f32 v6, v3  }
0x105: {  	v6 =	vld [tilespmem:s20+$0x4570]  }
0x106: {  	v10 =	vld [tilespmem:s20+$0x100];
	[tilespmem:s19+$0x10530] =	vst v9;
	v3 =	vmul.f32 $5.000000000e-01, v3;
	v4 =	vadd.f32 v5, v4  }
0x107: {  	v5 =	vld [tilespmem:s20+$0x4100]  }
0x108: {  	v9 =	vld [tilespmem:s20+$0x110];
	[tilespmem:s19+$0x10540] =	vst v3;
	v3 =	vmul.f32 $5.000000000e-01, v4;
	v4 =	vadd.f32 v8, v7  }
0x109: {  	v7 =	vld [tilespmem:s20+$0x4110]  }
0x10a: {  	v8 =	vld [tilespmem:s20+$0x120];
	v6 =	vadd.f32 v6, v11;
	[tilespmem:s19+$0x10550] =	vst v3;
	v3 =	vmul.f32 $5.000000000e-01, v4  }
0x10b: {  	v4 =	vld [tilespmem:s20+$0x4120]  }
0x10c: {  	v5 =	vadd.f32 v5, v10;
	v10 =	vld [tilespmem:s20+$0x130];
	v6 =	vmul.f32 $5.000000000e-01, v6;
	[tilespmem:s19+$0x10560] =	vst v3;
	s19 =	smov.u32 s20  }
0x10d: {  	v3 =	vld [tilespmem:s19+$0x4130]  }
0x10e: {  	v5 =	vmul.f32 $5.000000000e-01, v5;
	v7 =	vadd.f32 v7, v9;
	v9 =	vld [tilespmem:s19+$0x140];
	[tilespmem:s19+$0x10570] =	vst v6  }
0x10f: {  	v6 =	vld [tilespmem:s19+$0x4140]  }
0x110: {  	[tilespmem:s19+$0x10100] =	vst v5;
	v5 =	vmul.f32 $5.000000000e-01, v7;
	v4 =	vadd.f32 v4, v8;
	v7 =	vld [tilespmem:s19+$0x150]  }
0x111: {  	v8 =	vld [tilespmem:s19+$0x4150]  }
0x112: {  	[tilespmem:s19+$0x10110] =	vst v5;
	v4 =	vmul.f32 $5.000000000e-01, v4;
	v3 =	vadd.f32 v3, v10;
	v5 =	vld [tilespmem:s19+$0x160]  }
0x113: {  	v10 =	vld [tilespmem:s19+$0x4160]  }
0x114: {  	[tilespmem:s19+$0x10120] =	vst v4;
	v3 =	vmul.f32 $5.000000000e-01, v3;
	v4 =	vadd.f32 v6, v9;
	v6 =	vld [tilespmem:s19+$0x170]  }
0x115: {  	v9 =	vld [tilespmem:s19+$0x4170]  }
0x116: {  	[tilespmem:s19+$0x10130] =	vst v3;
	v3 =	vmul.f32 $5.000000000e-01, v4;
	v4 =	vadd.f32 v8, v7;
	v7 =	vld [tilespmem:s19+$0x500]  }
0x117: {  	v8 =	vld [tilespmem:s19+$0x4500]  }
0x118: {  	[tilespmem:s19+$0x10140] =	vst v3;
	v3 =	vmul.f32 $5.000000000e-01, v4;
	v4 =	vadd.f32 v10, v5;
	v5 =	vld [tilespmem:s19+$0x510]  }
0x119: {  	v10 =	vld [tilespmem:s19+$0x4510]  }
0x11a: {  	[tilespmem:s19+$0x10150] =	vst v3;
	v3 =	vmul.f32 $5.000000000e-01, v4;
	v4 =	vadd.f32 v9, v6;
	v9 =	vld [tilespmem:s19+$0x520]  }
0x11b: {  	v11 =	vld [tilespmem:s19+$0x4520]  }
0x11c: {  	[tilespmem:s19+$0x10160] =	vst v3;
	v3 =	vmul.f32 $5.000000000e-01, v4;
	v4 =	vadd.f32 v8, v7;
	v7 =	vld [tilespmem:s19+$0x530]  }
0x11d: {  	v8 =	vld [tilespmem:s19+$0x4530]  }
0x11e: {  	[tilespmem:s19+$0x10170] =	vst v3;
	v4 =	vmul.f32 $5.000000000e-01, v4;
	v5 =	vadd.f32 v10, v5;
	v3 =	vld [tilespmem:s19+$0x540]  }
.Ltmp8:
0x11f: {  	v6 =	vld [tilespmem:s19+$0x4540];
	(pc) =	sbr.rel @p4 .LBB2_10-.Ltmp8, $4  }
0x120: {  	[tilespmem:s19+$0x10500] =	vst v4;
	v10 =	vmul.f32 $5.000000000e-01, v5;
	v9 =	vadd.f32 v11, v9;
	v4 =	vld [tilespmem:s19+$0x550]  }
0x121: {  	s21 =	sadd.s32 $0x80, s21;
	v5 =	vld [tilespmem:s19+$0x4550]  }
0x122: {  	s25 =	sand.u32 $0x380, s21;
	s20 =	sand.u32 $0x3800, s24;
	[tilespmem:s19+$0x10510] =	vst v10;
	v9 =	vmul.f32 $5.000000000e-01, v9;
	v10 =	vadd.f32 v8, v7;
	v7 =	vld [tilespmem:s19+$0x560]  }
0x123: {  	s24 =	sadd.s32 $0x100, s24;
	s20 =	sor.u32 s25, s20;
	v8 =	vld [tilespmem:s19+$0x4560]  }
0x124: {  	v11 =	vld [tilespmem:s20+$0x570];
	[tilespmem:s19+$0x10520] =	vst v9;
	v32 =	vmul.f32 $5.000000000e-01, v10;
	v3 =	vadd.f32 v6, v3  }
0x125: {  	v33 =	vld [tilespmem:s20+$0x4570]  }
0x126: {  	v34 =	vld [tilespmem:s20+$0x100];
	[tilespmem:s19+$0x10530] =	vst v32;
	v3 =	vmul.f32 $5.000000000e-01, v3;
	v4 =	vadd.f32 v5, v4  }
0x127: {  	v9 =	vld [tilespmem:s20+$0x4100]  }
0x128: {  	v35 =	vld [tilespmem:s20+$0x110];
	[tilespmem:s19+$0x10540] =	vst v3;
	v3 =	vmul.f32 $5.000000000e-01, v4;
	v7 =	vadd.f32 v8, v7  }
0x129: {  	v36 =	vld [tilespmem:s20+$0x4110]  }
0x12a: {  	v37 =	vld [tilespmem:s20+$0x120];
	[tilespmem:s19+$0x10550] =	vst v3;
	v3 =	vmul.f32 $5.000000000e-01, v7  }
0x12b: {  	v38 =	vld [tilespmem:s20+$0x4120]  }
0x12c: {  	v39 =	vld [tilespmem:s20+$0x130];
	[tilespmem:s19+$0x10560] =	vst v3  }
0x12d: {  	v3 =	vadd.f32 v9, v34;
	v41 =	vld [tilespmem:s20+$0x4130]  }
0x12e: {  	v42 =	vld [tilespmem:s20+$0x140]  }
0x12f: {  	v43 =	vld [tilespmem:s20+$0x4140];
	v3 =	vmul.f32 $5.000000000e-01, v3;
	v4 =	vadd.f32 v36, v35  }
0x130: {  	v44 =	vld [tilespmem:s20+$0x150]  }
0x131: {  	v46 =	vld [tilespmem:s20+$0x4150];
	[tilespmem:s20+$0x10100] =	vst v3;
	v3 =	vmul.f32 $5.000000000e-01, v4;
	v45 =	vadd.f32 v38, v37  }
0x132: {  	v47 =	vld [tilespmem:s20+$0x160]  }
0x133: {  	v49 =	vld [tilespmem:s20+$0x4160];
	[tilespmem:s20+$0x10110] =	vst v3;
	v3 =	vmul.f32 $5.000000000e-01, v45;
	v48 =	vadd.f32 v41, v39  }
0x134: {  	v50 =	vld [tilespmem:s20+$0x170]  }
0x135: {  	v51 =	vld [tilespmem:s20+$0x4170];
	v5 =	vadd.f32 v43, v42;
	[tilespmem:s20+$0x10120] =	vst v3;
	v3 =	vmul.f32 $5.000000000e-01, v48  }
0x136: {  	v52 =	vld [tilespmem:s20+$0x500]  }
0x137: {  	v53 =	vld [tilespmem:s20+$0x4500];
	v4 =	vadd.f32 v46, v44;
	[tilespmem:s20+$0x10130] =	vst v3;
	v3 =	vmul.f32 $5.000000000e-01, v5  }
0x138: {  	v54 =	vld [tilespmem:s20+$0x510]  }
0x139: {  	v55 =	vld [tilespmem:s20+$0x4510];
	v6 =	vadd.f32 v49, v47;
	[tilespmem:s20+$0x10140] =	vst v3;
	v3 =	vmul.f32 $5.000000000e-01, v4  }
0x13a: {  	v56 =	vld [tilespmem:s20+$0x520]  }
0x13b: {  	v57 =	vld [tilespmem:s20+$0x4520];
	v8 =	vadd.f32 v51, v50;
	[tilespmem:s20+$0x10150] =	vst v3;
	v3 =	vmul.f32 $5.000000000e-01, v6  }
0x13c: {  	v58 =	vld [tilespmem:s20+$0x530]  }
0x13d: {  	v59 =	vld [tilespmem:s20+$0x4530];
	v5 =	vadd.f32 v53, v52;
	[tilespmem:s20+$0x10160] =	vst v3;
	v3 =	vmul.f32 $5.000000000e-01, v8  }
0x13e: {  	v60 =	vld [tilespmem:s20+$0x540]  }
0x13f: {  	v61 =	vld [tilespmem:s20+$0x4540];
	v4 =	vadd.f32 v55, v54;
	[tilespmem:s20+$0x10170] =	vst v3;
	v3 =	vmul.f32 $5.000000000e-01, v5  }
0x140: {  	v62 =	vld [tilespmem:s20+$0x550]  }
0x141: {  	v63 =	vld [tilespmem:s20+$0x4550];
	[tilespmem:s20+$0x10500] =	vst v3;
	v3 =	vmul.f32 $5.000000000e-01, v4  }
0x142: {  	v12 =	vld [tilespmem:s20+$0x4560]  }
0x143: {  	v10 =	vadd.f32 v33, v11;
	[tilespmem:s20+$0x10510] =	vst v3;
	v3 =	vld [tilespmem:s20+$0x560]  }
0x144: {  	v7 =	vadd.f32 v59, v58  }
0x145: {  	v40 =	vmul.f32 $5.000000000e-01, v10;
	v6 =	vadd.f32 v57, v56  }
0x146: {  	v7 =	vmul.f32 $5.000000000e-01, v7;
	v5 =	vadd.f32 v61, v60  }
0x147: {  	[tilespmem:s20+$0x10570] =	vst v40;
	v6 =	vmul.f32 $5.000000000e-01, v6;
	v4 =	vadd.f32 v63, v62  }
.Ltmp9:
0x148: {  	[tilespmem:s20+$0x10530] =	vst v7;
	v5 =	vmul.f32 $5.000000000e-01, v5;
	v3 =	vadd.f32 v12, v3;
	(pc) =	sbr.rel .LBB2_12-.Ltmp9, $4  }
0x149: {  	[tilespmem:s20+$0x10520] =	vst v6;
	v4 =	vmul.f32 $5.000000000e-01, v4  }
0x14a: {  	[tilespmem:s20+$0x10540] =	vst v5;
	v3 =	vmul.f32 $5.000000000e-01, v3  }
0x14b: {  	[tilespmem:s20+$0x10550] =	vst v4  }
0x14c: {  	[tilespmem:s20+$0x10560] =	vst v3  }
.LBB2_6:
0x14d: {  	v3 =	vld [tilespmem:s19+$0x570]  }
0x14e: {  	v4 =	vld [tilespmem:s19+$0x100]  }
0x14f: {  	v5 =	vld [tilespmem:s19+$0x110]  }
0x150: {  	v6 =	vld [tilespmem:s19+$0x120]  }
0x151: {  	v7 =	vld [tilespmem:s19+$0x130]  }
0x152: {  	v8 =	vld [tilespmem:s19+$0x140];
	[tilespmem:s19+$0x10570] =	vst v3  }
0x153: {  	[tilespmem:s19+$0x10100] =	vst v4;
	v3 =	vld [tilespmem:s19+$0x150]  }
0x154: {  	[tilespmem:s19+$0x10110] =	vst v5;
	v4 =	vld [tilespmem:s19+$0x160]  }
0x155: {  	[tilespmem:s19+$0x10120] =	vst v6;
	v5 =	vld [tilespmem:s19+$0x170]  }
0x156: {  	[tilespmem:s19+$0x10130] =	vst v7;
	v7 =	vld [tilespmem:s19+$0x500]  }
0x157: {  	[tilespmem:s19+$0x10140] =	vst v8;
	v6 =	vld [tilespmem:s19+$0x510]  }
0x158: {  	[tilespmem:s19+$0x10150] =	vst v3;
	v3 =	vld [tilespmem:s19+$0x520]  }
0x159: {  	[tilespmem:s19+$0x10160] =	vst v4;
	v4 =	vld [tilespmem:s19+$0x530]  }
0x15a: {  	s21 =	simm.s32 $0x100;
	s20 =	simm.s32 $0x80;
	[tilespmem:s19+$0x10170] =	vst v5;
	v5 =	vld [tilespmem:s19+$0x540]  }
0x15b: {  	s24 =	sand.u32 $0x3800, s21;
	s25 =	sand.u32 $0x380, s20;
	s21 =	simm.s32 $0x200;
	[tilespmem:s19+$0x10500] =	vst v7;
	v7 =	vld [tilespmem:s19+$0x550]  }
.LBB2_7:
0x15c: {  	p4 =	seq.s32 s21, $0x3F00;
	s24 =	sor.u32 s25, s24;
	[tilespmem:s19+$0x10510] =	vst v6;
	v6 =	vld [tilespmem:s19+$0x560]  }
0x15d: {  	v8 =	vld [tilespmem:s24+$0x570];
	[tilespmem:s19+$0x10520] =	vst v3  }
0x15e: {  	v3 =	vld [tilespmem:s24+$0x100];
	[tilespmem:s19+$0x10530] =	vst v4  }
0x15f: {  	v4 =	vld [tilespmem:s24+$0x110];
	[tilespmem:s19+$0x10540] =	vst v5  }
0x160: {  	v5 =	vld [tilespmem:s24+$0x120];
	[tilespmem:s19+$0x10550] =	vst v7  }
0x161: {  	v7 =	vld [tilespmem:s24+$0x130];
	[tilespmem:s19+$0x10560] =	vst v6;
	s19 =	smov.u32 s24  }
0x162: {  	v6 =	vld [tilespmem:s19+$0x140];
	[tilespmem:s19+$0x10570] =	vst v8  }
0x163: {  	[tilespmem:s19+$0x10100] =	vst v3;
	v3 =	vld [tilespmem:s19+$0x150]  }
0x164: {  	[tilespmem:s19+$0x10110] =	vst v4;
	v4 =	vld [tilespmem:s19+$0x160]  }
0x165: {  	[tilespmem:s19+$0x10120] =	vst v5;
	v5 =	vld [tilespmem:s19+$0x170]  }
0x166: {  	[tilespmem:s19+$0x10130] =	vst v7;
	v7 =	vld [tilespmem:s19+$0x500]  }
.Ltmp10:
0x167: {  	[tilespmem:s19+$0x10140] =	vst v6;
	v6 =	vld [tilespmem:s19+$0x510];
	(pc) =	sbr.rel @!p4 .LBB2_7-.Ltmp10, $4  }
0x168: {  	[tilespmem:s19+$0x10150] =	vst v3;
	v3 =	vld [tilespmem:s19+$0x520]  }
0x169: {  	[tilespmem:s19+$0x10160] =	vst v4;
	v4 =	vld [tilespmem:s19+$0x530]  }
0x16a: {  	s20 =	sadd.s32 $0x80, s20;
	[tilespmem:s19+$0x10170] =	vst v5;
	v5 =	vld [tilespmem:s19+$0x540]  }
0x16b: {  	s25 =	sand.u32 $0x380, s20;
	s24 =	sand.u32 $0x3800, s21;
	s21 =	sadd.s32 $0x100, s21;
	[tilespmem:s19+$0x10500] =	vst v7;
	v7 =	vld [tilespmem:s19+$0x550]  }
0x16c: {  	[tilespmem:s19+$0x10510] =	vst v6;
	s20 =	sor.u32 s25, s24;
	v55 =	vld [tilespmem:s19+$0x560]  }
0x16d: {  	v8 =	vld [tilespmem:s20+$0x570];
	[tilespmem:s19+$0x10520] =	vst v3  }
0x16e: {  	v3 =	vld [tilespmem:s20+$0x100];
	[tilespmem:s19+$0x10530] =	vst v4  }
0x16f: {  	v4 =	vld [tilespmem:s20+$0x110];
	[tilespmem:s19+$0x10540] =	vst v5  }
0x170: {  	v5 =	vld [tilespmem:s20+$0x120];
	[tilespmem:s19+$0x10550] =	vst v7  }
0x171: {  	v7 =	vld [tilespmem:s20+$0x130];
	[tilespmem:s19+$0x10560] =	vst v55  }
0x172: {  	v6 =	vld [tilespmem:s20+$0x140];
	[tilespmem:s20+$0x10570] =	vst v8  }
0x173: {  	v56 =	vld [tilespmem:s20+$0x160];
	[tilespmem:s20+$0x10100] =	vst v3  }
0x174: {  	v57 =	vld [tilespmem:s20+$0x170];
	[tilespmem:s20+$0x10110] =	vst v4  }
0x175: {  	v58 =	vld [tilespmem:s20+$0x500];
	[tilespmem:s20+$0x10120] =	vst v5  }
0x176: {  	v59 =	vld [tilespmem:s20+$0x510];
	[tilespmem:s20+$0x10130] =	vst v7  }
0x177: {  	v3 =	vld [tilespmem:s20+$0x150];
	[tilespmem:s20+$0x10140] =	vst v6  }
0x178: {  	v60 =	vld [tilespmem:s20+$0x530];
	[tilespmem:s20+$0x10160] =	vst v56  }
0x179: {  	v61 =	vld [tilespmem:s20+$0x540];
	[tilespmem:s20+$0x10170] =	vst v57  }
0x17a: {  	v62 =	vld [tilespmem:s20+$0x550];
	[tilespmem:s20+$0x10500] =	vst v58  }
0x17b: {  	v63 =	vld [tilespmem:s20+$0x560];
	[tilespmem:s20+$0x10510] =	vst v59  }
0x17c: {  	[tilespmem:s20+$0x10150] =	vst v3;
	v3 =	vld [tilespmem:s20+$0x520]  }
0x17d: {  	[tilespmem:s20+$0x10530] =	vst v60  }
0x17e: {  	[tilespmem:s20+$0x10540] =	vst v61  }
0x17f: {  	[tilespmem:s20+$0x10550] =	vst v62  }
0x180: {  	[tilespmem:s20+$0x10560] =	vst v63  }
0x181: {  	[tilespmem:s20+$0x10520] =	vst v3  }
.LBB2_12:
.Ltmp11:
0x182: {  	(pc) =	sbr.rel @p2 .LBB2_14-.Ltmp11, $4  }
0x183: {  	_ = 	snop  }
0x184: {  	s18 =	sshll.u32 s18, $0x5  }
0x185: {  	s18 =	sadd.s32 s3, s18  }
0x186: {  	[hbm4b:s18+s4] =	stream.linear.scatter [tilespmem:s10], [sflag:$0x3], $0x4000, $0x38;
	[tilespmem:$0x18100] =	vst v63  }
0x187: {  	_ =	swait.ge [sflag:s13], $0x80  }
0x188: {  	[sflag:s13] =	ssyncset.done $0x0  }
0x189: {  	[sflag:s13] =	ssyncadd.s32 $0xFFFFFF80  }
0x18a: {  	v3 =	vld [tilespmem:$0x0];
	_ =	sdelay $0x4  }
0x18b: {  	v4 =	vshll.u32 v3, $0x1  }
0x18c: {  	v3 =	vand.u32 $0x7, v3;
	v4 =	vand.u32 $0xFFFFFFF0, v4  }
0x18d: {  	v3 =	vor.u32 v3, v4  }
0x18e: {  	v4 =	vperm.xlane v3, v0;
	_ =	sdelay $0x1  }
0x18f: {  	v3 =	vperm.xlane v3, v2;
	v4 =	vadd.s32 v1, v4;
	_ =	sdelay $0x1  }
0x190: {  	v3 =	vadd.s32 v1, v3;
	_ =	sdelay $0x1  }
0x191: {  	s18 =	simm.s32 $0x100  }
0x192: {  	[tilespmem:s18], [sflag:$0x1] =	stream.indirect_vreg.gather [hbm4b:s2+s4], $0x80, v4, vm0, $0xb8;
	[tilespmem:$0x18100] =	vst v63  }
0x193: {  	s21 =	simm.s32 $0x900  }
0x194: {  	[tilespmem:s21], [sflag:$0x1] =	stream.indirect_vreg.gather [hbm4b:s2+s4], $0x80, v3, vm0, $0xb8;
	[tilespmem:$0x18100] =	vst v63  }
0x195: {  	v3 =	vld [tilespmem:$0x10];
	_ =	sdelay $0x4  }
0x196: {  	v61 =	vshll.u32 v3, $0x1  }
0x197: {  	v3 =	vand.u32 $0x7, v3;
	v4 =	vand.u32 $0xFFFFFFF0, v61  }
0x198: {  	v3 =	vor.u32 v3, v4  }
0x199: {  	v4 =	vperm.xlane v3, v0;
	_ =	sdelay $0x1  }
0x19a: {  	v3 =	vperm.xlane v3, v2;
	v4 =	vadd.s32 v1, v4;
	_ =	sdelay $0x1  }
0x19b: {  	v3 =	vadd.s32 v1, v3;
	_ =	sdelay $0x1  }
0x19c: {  	s24 =	simm.s32 $0x1100  }
0x19d: {  	[tilespmem:s24], [sflag:$0x1] =	stream.indirect_vreg.gather [hbm4b:s2+s4], $0x80, v4, vm0, $0xb8;
	[tilespmem:$0x18100] =	vst v63  }
0x19e: {  	s25 =	simm.s32 $0x1900  }
0x19f: {  	[tilespmem:s25], [sflag:$0x1] =	stream.indirect_vreg.gather [hbm4b:s2+s4], $0x80, v3, vm0, $0xb8;
	[tilespmem:$0x18100] =	vst v63  }
0x1a0: {  	v3 =	vld [tilespmem:$0x20];
	_ =	sdelay $0x4  }
0x1a1: {  	v62 =	vshll.u32 v3, $0x1  }
0x1a2: {  	v3 =	vand.u32 $0x7, v3;
	v4 =	vand.u32 $0xFFFFFFF0, v62  }
0x1a3: {  	v3 =	vor.u32 v3, v4  }
0x1a4: {  	v4 =	vperm.xlane v3, v0;
	_ =	sdelay $0x1  }
0x1a5: {  	v3 =	vperm.xlane v3, v2;
	v4 =	vadd.s32 v1, v4;
	_ =	sdelay $0x1  }
0x1a6: {  	v3 =	vadd.s32 v1, v3;
	_ =	sdelay $0x1  }
0x1a7: {  	s19 =	simm.s32 $0x2100  }
0x1a8: {  	[tilespmem:s19], [sflag:$0x1] =	stream.indirect_vreg.gather [hbm4b:s2+s4], $0x80, v4, vm0, $0xb8;
	[tilespmem:$0x18100] =	vst v63  }
0x1a9: {  	s20 =	simm.s32 $0x2900  }
0x1aa: {  	[tilespmem:s20], [sflag:$0x1] =	stream.indirect_vreg.gather [hbm4b:s2+s4], $0x80, v3, vm0, $0xb8;
	[tilespmem:$0x18100] =	vst v63  }
0x1ab: {  	v3 =	vld [tilespmem:$0x30];
	_ =	sdelay $0x4  }
0x1ac: {  	v63 =	vshll.u32 v3, $0x1  }
0x1ad: {  	v3 =	vand.u32 $0x7, v3;
	v4 =	vand.u32 $0xFFFFFFF0, v63  }
0x1ae: {  	s17 =	sshll.u32 s17, $0xB;
	v3 =	vor.u32 v3, v4  }
0x1af: {  	s17 =	sor.u32 s7, s17;
	v4 =	vperm.xlane v3, v0  }
0x1b0: {  	s21 =	smulhi.u32 $0x666147F, s17  }
0x1b1: {  	v3 =	vperm.xlane v3, v2;
	v4 =	vadd.s32 v1, v4  }
0x1b2: {  	s18 =	sshrl.u32 s21, $0x8  }
0x1b3: {  	s18 =	smul.u32 $0x2802, s18;
	v3 =	vadd.s32 v1, v3;
	_ =	sdelay $0x1  }
0x1b4: {  	s17 =	ssub.s32 s17, s18;
	s24 =	simm.s32 $0x3100  }
0x1b5: {  	[tilespmem:s24], [sflag:$0x1] =	stream.indirect_vreg.gather [hbm4b:s2+s4], $0x80, v4, vm0, $0xb8;
	[tilespmem:$0x18100] =	vst v63  }
0x1b6: {  	p4 =	slt.u32 s17, $0x9C3;
	s25 =	simm.s32 $0x3900  }
0x1b7: {  	[tilespmem:s25], [sflag:$0x1] =	stream.indirect_vreg.gather [hbm4b:s2+s4], $0x80, v3, vm0, $0xb8;
	[tilespmem:$0x18100] =	vst v63  }
0x1b8: {  	v3 =	vld @!p4 [tilespmem:$0x40];
	_ =	sdelay $0x4  }
0x1b9: {  	v4 =	vshll.u32 @!p4 v3, $0x1  }
0x1ba: {  	v5 =	vlaneseq.u32 @!p4;
	v3 =	vand.u32 @!p4 $0x7, v3;
	v4 =	vand.u32 @!p4 $0xFFFFFFF0, v4  }
0x1bb: {  	v6 =	vshrl.u32 @!p4 v5, $0x3;
	v3 =	vor.u32 @!p4 v3, v4;
	v4 =	vand.u32 @!p4 $0x7, v5  }
0x1bc: {  	v6 =	vmul.u32 @!p4 $0x8, v6;
	v7 =	vperm.xlane @!p4 v3, v4  }
0x1bd: {  	v5 =	vor.u32 @!p4 $0x8, v5  }
0x1be: {  	v3 =	vperm.xlane @!p4 v3, v5;
	v7 =	vadd.s32 @!p4 v6, v7;
	_ =	sdelay $0x1  }
0x1bf: {  	v3 =	vadd.s32 @!p4 v6, v3;
	_ =	sdelay $0x1  }
0x1c0: {  	vm1 =	vmmov @!p4 $0xffff;
	s17 =	simm.s32 @!p4 $0x0;
	s18 =	simm.s32 @!p4 $0x4100  }
0x1c1: {  	[tilespmem:s18], [sflag:$0x7] =	stream.indirect_vreg.gather @!p4 [hbm4b:s2+s17], $0x80, v7, vm1, $0xb8;
	[tilespmem:$0x18100] =	vst v63  }
0x1c2: {  	s18 =	simm.s32 @!p4 $0x4900  }
0x1c3: {  	[tilespmem:s18], [sflag:$0x7] =	stream.indirect_vreg.gather @!p4 [hbm4b:s2+s17], $0x80, v3, vm1, $0xb8;
	[tilespmem:$0x18100] =	vst v63  }
0x1c4: {  	v3 =	vld @!p4 [tilespmem:$0x50];
	_ =	sdelay $0x4  }
0x1c5: {  	v7 =	vshll.u32 @!p4 v3, $0x1  }
0x1c6: {  	v3 =	vand.u32 @!p4 $0x7, v3;
	v7 =	vand.u32 @!p4 $0xFFFFFFF0, v7  }
0x1c7: {  	v3 =	vor.u32 @!p4 v3, v7  }
0x1c8: {  	v7 =	vperm.xlane @!p4 v3, v4;
	_ =	sdelay $0x1  }
0x1c9: {  	v3 =	vperm.xlane @!p4 v3, v5;
	v7 =	vadd.s32 @!p4 v6, v7;
	_ =	sdelay $0x1  }
0x1ca: {  	v3 =	vadd.s32 @!p4 v6, v3;
	_ =	sdelay $0x1  }
0x1cb: {  	s18 =	simm.s32 @!p4 $0x5100  }
0x1cc: {  	[tilespmem:s18], [sflag:$0x7] =	stream.indirect_vreg.gather @!p4 [hbm4b:s2+s17], $0x80, v7, vm1, $0xb8;
	[tilespmem:$0x18100] =	vst v63  }
0x1cd: {  	s18 =	simm.s32 @!p4 $0x5900  }
0x1ce: {  	[tilespmem:s18], [sflag:$0x7] =	stream.indirect_vreg.gather @!p4 [hbm4b:s2+s17], $0x80, v3, vm1, $0xb8;
	[tilespmem:$0x18100] =	vst v63  }
0x1cf: {  	v3 =	vld @!p4 [tilespmem:$0x60];
	_ =	sdelay $0x4  }
0x1d0: {  	v7 =	vshll.u32 @!p4 v3, $0x1  }
0x1d1: {  	v3 =	vand.u32 @!p4 $0x7, v3;
	v7 =	vand.u32 @!p4 $0xFFFFFFF0, v7  }
0x1d2: {  	v3 =	vor.u32 @!p4 v3, v7  }
0x1d3: {  	v7 =	vperm.xlane @!p4 v3, v4;
	_ =	sdelay $0x1  }
0x1d4: {  	v3 =	vperm.xlane @!p4 v3, v5;
	v7 =	vadd.s32 @!p4 v6, v7;
	_ =	sdelay $0x1  }
0x1d5: {  	v3 =	vadd.s32 @!p4 v6, v3;
	_ =	sdelay $0x1  }
0x1d6: {  	s18 =	simm.s32 @!p4 $0x6100  }
0x1d7: {  	[tilespmem:s18], [sflag:$0x7] =	stream.indirect_vreg.gather @!p4 [hbm4b:s2+s17], $0x80, v7, vm1, $0xb8;
	[tilespmem:$0x18100] =	vst v63  }
0x1d8: {  	s18 =	simm.s32 @!p4 $0x6900  }
0x1d9: {  	[tilespmem:s18], [sflag:$0x7] =	stream.indirect_vreg.gather @!p4 [hbm4b:s2+s17], $0x80, v3, vm1, $0xb8;
	[tilespmem:$0x18100] =	vst v63  }
0x1da: {  	v3 =	vld @!p4 [tilespmem:$0x70];
	_ =	sdelay $0x4  }
0x1db: {  	v7 =	vshll.u32 @!p4 v3, $0x1  }
0x1dc: {  	v3 =	vand.u32 @!p4 $0x7, v3;
	v7 =	vand.u32 @!p4 $0xFFFFFFF0, v7  }
0x1dd: {  	v3 =	vor.u32 @!p4 v3, v7  }
0x1de: {  	v4 =	vperm.xlane @!p4 v3, v4;
	_ =	sdelay $0x1  }
0x1df: {  	v3 =	vperm.xlane @!p4 v3, v5;
	v4 =	vadd.s32 @!p4 v6, v4;
	_ =	sdelay $0x1  }
0x1e0: {  	v3 =	vadd.s32 @!p4 v6, v3;
	_ =	sdelay $0x1  }
0x1e1: {  	s18 =	simm.s32 @!p4 $0x7100  }
0x1e2: {  	[tilespmem:s18], [sflag:$0x7] =	stream.indirect_vreg.gather @!p4 [hbm4b:s2+s17], $0x80, v4, vm1, $0xb8;
	[tilespmem:$0x18100] =	vst v63  }
0x1e3: {  	s18 =	simm.s32 @!p4 $0x7900  }
0x1e4: {  	[tilespmem:s18], [sflag:$0x7] =	stream.indirect_vreg.gather @!p4 [hbm4b:s2+s17], $0x80, v3, vm1, $0xb8;
	[tilespmem:$0x18100] =	vst v63  }
.LBB2_14:
0x1e5: {  	_ =	swait.ge [sflag:s11], $0x4000  }
0x1e6: {  	[sflag:s11] =	ssyncset.done $0x0  }
0x1e7: {  	s17 =	simm.s32 @!p1 $0x8;
	[sflag:s11] =	ssyncadd.s32 $0xFFFFC000  }
0x1e8: {  	_ =	swait.ge @!p1 [sflag:s17], $0x4000  }
0x1e9: {  	[sflag:s17] =	ssyncset.done @!p1 $0x0  }
0x1ea: {  	s18 =	simm.s32 @!p2 $0x0;
	[sflag:s17] =	ssyncadd.s32 @!p1 $0xFFFFC000;
	s17 =	sshll.u32 @!p2 s14, $0xA  }
0x1eb: {  	s19 =	simm.s32 @!p2 $0x80;
	p1 =	por p2, !p3;
	s17 =	sadd.s32 @!p2 s17, s9  }
0x1ec: {  	[tilespmem:s19], [sflag:$0x6] =	stream.linear.gather @!p2 [hbm4b:s17+s18], $0x80, $0x38;
	[tilespmem:$0x18100] =	vst v63  }
0x1ed: {  	_ =	swait.ge @p1 [sflag:s12], $0x4000  }
0x1ee: {  	[sflag:s12] =	ssyncset.done @p1 $0x0  }
0x1ef: {  	[sflag:s12] =	ssyncadd.s32 @p1 $0xFFFFC000;
	p1 =	sgt.u32 s16, $0x9C2  }
.Ltmp12:
0x1f0: {  	_ = 	snop;
	(pc) =	sbr.rel @!p1 .LBB2_15-.Ltmp12, $4  }
0x1f1: {  	_ = 	snop  }
0x1f2: {  	s24 =	simm.s32 $0x0  }
0x1f3: {  	s25 =	sand.u32 $0x3800, s24;
	s16 =	sand.u32 $0x380, s24  }
0x1f4: {  	s16 =	sor.u32 s16, s25  }
0x1f5: {  	v3 =	vld [tilespmem:s16+$0x8570]  }
0x1f6: {  	v4 =	vld [tilespmem:s16+$0xC570]  }
0x1f7: {  	v5 =	vld [tilespmem:s16+$0x8100]  }
0x1f8: {  	v6 =	vld [tilespmem:s16+$0xC100]  }
0x1f9: {  	v7 =	vld [tilespmem:s16+$0x8110]  }
0x1fa: {  	v8 =	vld [tilespmem:s16+$0xC110]  }
0x1fb: {  	v9 =	vld [tilespmem:s16+$0x8120]  }
0x1fc: {  	v10 =	vld [tilespmem:s16+$0x8130];
	v3 =	vadd.f32 v4, v3  }
0x1fd: {  	v11 =	vld [tilespmem:s16+$0x8140];
	v5 =	vadd.f32 v6, v5  }
0x1fe: {  	v4 =	vld [tilespmem:s16+$0xC120];
	v3 =	vmul.f32 $5.000000000e-01, v3  }
0x1ff: {  	v6 =	vld [tilespmem:s16+$0xC130];
	v5 =	vmul.f32 $5.000000000e-01, v5  }
0x200: {  	[tilespmem:s16+$0x14570] =	vst v3;
	v3 =	vadd.f32 v8, v7;
	v7 =	vld [tilespmem:s16+$0xC140]  }
0x201: {  	[tilespmem:s16+$0x14100] =	vst v5;
	v5 =	vld [tilespmem:s16+$0x8150]  }
0x202: {  	v8 =	vld [tilespmem:s16+$0xC150]  }
0x203: {  	v4 =	vadd.f32 v4, v9;
	v3 =	vmul.f32 $5.000000000e-01, v3  }
0x204: {  	v9 =	vld [tilespmem:s16+$0xC160]  }
0x205: {  	v6 =	vadd.f32 v6, v10;
	[tilespmem:s16+$0x14110] =	vst v3;
	v3 =	vmul.f32 $5.000000000e-01, v4;
	v4 =	vld [tilespmem:s16+$0x8160]  }
0x206: {  	v10 =	vld [tilespmem:s16+$0xC170]  }
0x207: {  	v7 =	vadd.f32 v7, v11;
	v5 =	vadd.f32 v8, v5;
	v8 =	vld [tilespmem:s16+$0xC500];
	[tilespmem:s16+$0x14120] =	vst v3;
	v3 =	vmul.f32 $5.000000000e-01, v6  }
0x208: {  	v6 =	vld [tilespmem:s16+$0x8170]  }
0x209: {  	[tilespmem:s16+$0x14130] =	vst v3;
	v3 =	vmul.f32 $5.000000000e-01, v7;
	v7 =	vld [tilespmem:s16+$0x8500]  }
0x20a: {  	v4 =	vadd.f32 v9, v4;
	v9 =	vld [tilespmem:s16+$0xC510]  }
0x20b: {  	[tilespmem:s16+$0x14140] =	vst v3;
	v3 =	vmul.f32 $5.000000000e-01, v5;
	v5 =	vld [tilespmem:s16+$0x8510]  }
0x20c: {  	v11 =	vld [tilespmem:s16+$0x8520]  }
0x20d: {  	[tilespmem:s16+$0x14150] =	vst v3;
	v3 =	vmul.f32 $5.000000000e-01, v4;
	v4 =	vadd.f32 v10, v6;
	v10 =	vld [tilespmem:s16+$0xC520]  }
0x20e: {  	v12 =	vld [tilespmem:s16+$0x8530]  }
0x20f: {  	[tilespmem:s16+$0x14160] =	vst v3;
	v3 =	vmul.f32 $5.000000000e-01, v4;
	v4 =	vadd.f32 v8, v7;
	v8 =	vld [tilespmem:s16+$0xC530]  }
0x210: {  	v6 =	vld [tilespmem:s16+$0xC540];
	v5 =	vadd.f32 v9, v5  }
0x211: {  	[tilespmem:s16+$0x14170] =	vst v3;
	v4 =	vmul.f32 $5.000000000e-01, v4;
	v3 =	vld [tilespmem:s16+$0x8540]  }
0x212: {  	v7 =	vmul.f32 $5.000000000e-01, v5;
	v5 =	vld [tilespmem:s16+$0xC550];
	v9 =	vadd.f32 v10, v11  }
0x213: {  	s17 =	simm.s32 $0x100;
	s18 =	simm.s32 $0x80;
	[tilespmem:s16+$0x14500] =	vst v4;
	v4 =	vld [tilespmem:s16+$0x8550]  }
0x214: {  	s17 =	sand.u32 $0x3800, s17;
	s19 =	sand.u32 $0x380, s18;
	[tilespmem:s16+$0x14510] =	vst v7;
	v7 =	vld [tilespmem:s16+$0x8560];
	v9 =	vmul.f32 $5.000000000e-01, v9;
	v10 =	vadd.f32 v8, v12  }
0x215: {  	s17 =	sor.u32 s19, s17;
	s19 =	simm.s32 $0x200;
	v8 =	vld [tilespmem:s16+$0xC560]  }
.LBB2_19:
0x216: {  	p1 =	sne.s32 s19, $0x3F00;
	v11 =	vld [tilespmem:s17+$0x8570];
	[tilespmem:s16+$0x14520] =	vst v9;
	v9 =	vmul.f32 $5.000000000e-01, v10;
	v3 =	vadd.f32 v6, v3  }
0x217: {  	v6 =	vld [tilespmem:s17+$0xC570]  }
0x218: {  	v10 =	vld [tilespmem:s17+$0x8100];
	[tilespmem:s16+$0x14530] =	vst v9;
	v3 =	vmul.f32 $5.000000000e-01, v3;
	v4 =	vadd.f32 v5, v4  }
0x219: {  	v5 =	vld [tilespmem:s17+$0xC100]  }
0x21a: {  	v9 =	vld [tilespmem:s17+$0x8110];
	[tilespmem:s16+$0x14540] =	vst v3;
	v3 =	vmul.f32 $5.000000000e-01, v4;
	v4 =	vadd.f32 v8, v7  }
0x21b: {  	v7 =	vld [tilespmem:s17+$0xC110]  }
0x21c: {  	v8 =	vld [tilespmem:s17+$0x8120];
	v6 =	vadd.f32 v6, v11;
	[tilespmem:s16+$0x14550] =	vst v3;
	v3 =	vmul.f32 $5.000000000e-01, v4  }
0x21d: {  	v4 =	vld [tilespmem:s17+$0xC120]  }
0x21e: {  	v5 =	vadd.f32 v5, v10;
	v10 =	vld [tilespmem:s17+$0x8130];
	v6 =	vmul.f32 $5.000000000e-01, v6;
	[tilespmem:s16+$0x14560] =	vst v3;
	s16 =	smov.u32 s17  }
0x21f: {  	v3 =	vld [tilespmem:s16+$0xC130]  }
0x220: {  	v5 =	vmul.f32 $5.000000000e-01, v5;
	v7 =	vadd.f32 v7, v9;
	v9 =	vld [tilespmem:s16+$0x8140];
	[tilespmem:s16+$0x14570] =	vst v6  }
0x221: {  	v6 =	vld [tilespmem:s16+$0xC140]  }
0x222: {  	[tilespmem:s16+$0x14100] =	vst v5;
	v5 =	vmul.f32 $5.000000000e-01, v7;
	v4 =	vadd.f32 v4, v8;
	v7 =	vld [tilespmem:s16+$0x8150]  }
0x223: {  	v8 =	vld [tilespmem:s16+$0xC150]  }
0x224: {  	[tilespmem:s16+$0x14110] =	vst v5;
	v4 =	vmul.f32 $5.000000000e-01, v4;
	v3 =	vadd.f32 v3, v10;
	v5 =	vld [tilespmem:s16+$0x8160]  }
0x225: {  	v10 =	vld [tilespmem:s16+$0xC160]  }
0x226: {  	[tilespmem:s16+$0x14120] =	vst v4;
	v3 =	vmul.f32 $5.000000000e-01, v3;
	v4 =	vadd.f32 v6, v9;
	v6 =	vld [tilespmem:s16+$0x8170]  }
0x227: {  	v9 =	vld [tilespmem:s16+$0xC170]  }
0x228: {  	[tilespmem:s16+$0x14130] =	vst v3;
	v3 =	vmul.f32 $5.000000000e-01, v4;
	v4 =	vadd.f32 v8, v7;
	v7 =	vld [tilespmem:s16+$0x8500]  }
0x229: {  	v8 =	vld [tilespmem:s16+$0xC500]  }
0x22a: {  	[tilespmem:s16+$0x14140] =	vst v3;
	v3 =	vmul.f32 $5.000000000e-01, v4;
	v4 =	vadd.f32 v10, v5;
	v5 =	vld [tilespmem:s16+$0x8510]  }
0x22b: {  	v10 =	vld [tilespmem:s16+$0xC510]  }
0x22c: {  	[tilespmem:s16+$0x14150] =	vst v3;
	v3 =	vmul.f32 $5.000000000e-01, v4;
	v4 =	vadd.f32 v9, v6;
	v9 =	vld [tilespmem:s16+$0x8520]  }
0x22d: {  	v11 =	vld [tilespmem:s16+$0xC520]  }
0x22e: {  	[tilespmem:s16+$0x14160] =	vst v3;
	v3 =	vmul.f32 $5.000000000e-01, v4;
	v4 =	vadd.f32 v8, v7;
	v7 =	vld [tilespmem:s16+$0x8530]  }
0x22f: {  	v8 =	vld [tilespmem:s16+$0xC530]  }
0x230: {  	[tilespmem:s16+$0x14170] =	vst v3;
	v4 =	vmul.f32 $5.000000000e-01, v4;
	v5 =	vadd.f32 v10, v5;
	v3 =	vld [tilespmem:s16+$0x8540]  }
.Ltmp13:
0x231: {  	v6 =	vld [tilespmem:s16+$0xC540];
	(pc) =	sbr.rel @p1 .LBB2_19-.Ltmp13, $4  }
0x232: {  	[tilespmem:s16+$0x14500] =	vst v4;
	v10 =	vmul.f32 $5.000000000e-01, v5;
	v9 =	vadd.f32 v11, v9;
	v4 =	vld [tilespmem:s16+$0x8550]  }
0x233: {  	s18 =	sadd.s32 $0x80, s18;
	v5 =	vld [tilespmem:s16+$0xC550]  }
0x234: {  	s20 =	sand.u32 $0x380, s18;
	s17 =	sand.u32 $0x3800, s19;
	[tilespmem:s16+$0x14510] =	vst v10;
	v9 =	vmul.f32 $5.000000000e-01, v9;
	v10 =	vadd.f32 v8, v7;
	v7 =	vld [tilespmem:s16+$0x8560]  }
0x235: {  	s19 =	sadd.s32 $0x100, s19;
	s17 =	sor.u32 s20, s17;
	v8 =	vld [tilespmem:s16+$0xC560]  }
0x236: {  	v11 =	vld [tilespmem:s17+$0x8570];
	[tilespmem:s16+$0x14520] =	vst v9;
	v32 =	vmul.f32 $5.000000000e-01, v10;
	v3 =	vadd.f32 v6, v3  }
0x237: {  	v33 =	vld [tilespmem:s17+$0xC570]  }
0x238: {  	v34 =	vld [tilespmem:s17+$0x8100];
	[tilespmem:s16+$0x14530] =	vst v32;
	v3 =	vmul.f32 $5.000000000e-01, v3;
	v4 =	vadd.f32 v5, v4  }
0x239: {  	v9 =	vld [tilespmem:s17+$0xC100]  }
0x23a: {  	v35 =	vld [tilespmem:s17+$0x8110];
	[tilespmem:s16+$0x14540] =	vst v3;
	v3 =	vmul.f32 $5.000000000e-01, v4;
	v7 =	vadd.f32 v8, v7  }
0x23b: {  	v36 =	vld [tilespmem:s17+$0xC110]  }
0x23c: {  	v37 =	vld [tilespmem:s17+$0x8120];
	[tilespmem:s16+$0x14550] =	vst v3;
	v3 =	vmul.f32 $5.000000000e-01, v7  }
0x23d: {  	v38 =	vld [tilespmem:s17+$0xC120]  }
0x23e: {  	v39 =	vld [tilespmem:s17+$0x8130];
	[tilespmem:s16+$0x14560] =	vst v3  }
0x23f: {  	v3 =	vadd.f32 v9, v34;
	v41 =	vld [tilespmem:s17+$0xC130]  }
0x240: {  	v42 =	vld [tilespmem:s17+$0x8140]  }
0x241: {  	v43 =	vld [tilespmem:s17+$0xC140];
	v3 =	vmul.f32 $5.000000000e-01, v3;
	v4 =	vadd.f32 v36, v35  }
0x242: {  	v44 =	vld [tilespmem:s17+$0x8150]  }
0x243: {  	v46 =	vld [tilespmem:s17+$0xC150];
	[tilespmem:s17+$0x14100] =	vst v3;
	v3 =	vmul.f32 $5.000000000e-01, v4;
	v45 =	vadd.f32 v38, v37  }
0x244: {  	v47 =	vld [tilespmem:s17+$0x8160]  }
0x245: {  	v49 =	vld [tilespmem:s17+$0xC160];
	[tilespmem:s17+$0x14110] =	vst v3;
	v3 =	vmul.f32 $5.000000000e-01, v45;
	v48 =	vadd.f32 v41, v39  }
0x246: {  	v50 =	vld [tilespmem:s17+$0x8170]  }
0x247: {  	v51 =	vld [tilespmem:s17+$0xC170];
	v5 =	vadd.f32 v43, v42;
	[tilespmem:s17+$0x14120] =	vst v3;
	v3 =	vmul.f32 $5.000000000e-01, v48  }
0x248: {  	v52 =	vld [tilespmem:s17+$0x8500]  }
0x249: {  	v53 =	vld [tilespmem:s17+$0xC500];
	v4 =	vadd.f32 v46, v44;
	[tilespmem:s17+$0x14130] =	vst v3;
	v3 =	vmul.f32 $5.000000000e-01, v5  }
0x24a: {  	v54 =	vld [tilespmem:s17+$0x8510]  }
0x24b: {  	v55 =	vld [tilespmem:s17+$0xC510];
	v6 =	vadd.f32 v49, v47;
	[tilespmem:s17+$0x14140] =	vst v3;
	v3 =	vmul.f32 $5.000000000e-01, v4  }
0x24c: {  	v56 =	vld [tilespmem:s17+$0x8520]  }
0x24d: {  	v57 =	vld [tilespmem:s17+$0xC520];
	v8 =	vadd.f32 v51, v50;
	[tilespmem:s17+$0x14150] =	vst v3;
	v3 =	vmul.f32 $5.000000000e-01, v6  }
0x24e: {  	v58 =	vld [tilespmem:s17+$0x8530]  }
0x24f: {  	v59 =	vld [tilespmem:s17+$0xC530];
	v5 =	vadd.f32 v53, v52;
	[tilespmem:s17+$0x14160] =	vst v3;
	v3 =	vmul.f32 $5.000000000e-01, v8  }
0x250: {  	v60 =	vld [tilespmem:s17+$0x8540]  }
0x251: {  	v61 =	vld [tilespmem:s17+$0xC540];
	v4 =	vadd.f32 v55, v54;
	[tilespmem:s17+$0x14170] =	vst v3;
	v3 =	vmul.f32 $5.000000000e-01, v5  }
0x252: {  	v62 =	vld [tilespmem:s17+$0x8550]  }
0x253: {  	v63 =	vld [tilespmem:s17+$0xC550];
	[tilespmem:s17+$0x14500] =	vst v3;
	v3 =	vmul.f32 $5.000000000e-01, v4  }
0x254: {  	v12 =	vld [tilespmem:s17+$0xC560]  }
0x255: {  	v10 =	vadd.f32 v33, v11;
	[tilespmem:s17+$0x14510] =	vst v3;
	v3 =	vld [tilespmem:s17+$0x8560]  }
0x256: {  	v7 =	vadd.f32 v59, v58  }
0x257: {  	v40 =	vmul.f32 $5.000000000e-01, v10;
	v6 =	vadd.f32 v57, v56  }
0x258: {  	v7 =	vmul.f32 $5.000000000e-01, v7;
	v5 =	vadd.f32 v61, v60  }
0x259: {  	[tilespmem:s17+$0x14570] =	vst v40;
	v6 =	vmul.f32 $5.000000000e-01, v6;
	v4 =	vadd.f32 v63, v62  }
.Ltmp14:
0x25a: {  	[tilespmem:s17+$0x14530] =	vst v7;
	v5 =	vmul.f32 $5.000000000e-01, v5;
	v3 =	vadd.f32 v12, v3;
	(pc) =	sbr.rel .LBB2_21-.Ltmp14, $4  }
0x25b: {  	[tilespmem:s17+$0x14520] =	vst v6;
	v4 =	vmul.f32 $5.000000000e-01, v4  }
0x25c: {  	[tilespmem:s17+$0x14540] =	vst v5;
	v3 =	vmul.f32 $5.000000000e-01, v3  }
0x25d: {  	[tilespmem:s17+$0x14550] =	vst v4  }
0x25e: {  	[tilespmem:s17+$0x14560] =	vst v3  }
.LBB2_15:
0x25f: {  	v3 =	vld [tilespmem:s16+$0x8570]  }
0x260: {  	v4 =	vld [tilespmem:s16+$0x8100]  }
0x261: {  	v5 =	vld [tilespmem:s16+$0x8110]  }
0x262: {  	v6 =	vld [tilespmem:s16+$0x8120]  }
0x263: {  	v7 =	vld [tilespmem:s16+$0x8130]  }
0x264: {  	v8 =	vld [tilespmem:s16+$0x8140];
	[tilespmem:s16+$0x14570] =	vst v3  }
0x265: {  	[tilespmem:s16+$0x14100] =	vst v4;
	v3 =	vld [tilespmem:s16+$0x8150]  }
0x266: {  	[tilespmem:s16+$0x14110] =	vst v5;
	v4 =	vld [tilespmem:s16+$0x8160]  }
0x267: {  	[tilespmem:s16+$0x14120] =	vst v6;
	v5 =	vld [tilespmem:s16+$0x8170]  }
0x268: {  	[tilespmem:s16+$0x14130] =	vst v7;
	v7 =	vld [tilespmem:s16+$0x8500]  }
0x269: {  	[tilespmem:s16+$0x14140] =	vst v8;
	v6 =	vld [tilespmem:s16+$0x8510]  }
0x26a: {  	[tilespmem:s16+$0x14150] =	vst v3;
	v3 =	vld [tilespmem:s16+$0x8520]  }
0x26b: {  	[tilespmem:s16+$0x14160] =	vst v4;
	v4 =	vld [tilespmem:s16+$0x8530]  }
0x26c: {  	s18 =	simm.s32 $0x100;
	s17 =	simm.s32 $0x80;
	[tilespmem:s16+$0x14170] =	vst v5;
	v5 =	vld [tilespmem:s16+$0x8540]  }
0x26d: {  	s19 =	sand.u32 $0x3800, s18;
	s20 =	sand.u32 $0x380, s17;
	s18 =	simm.s32 $0x200;
	[tilespmem:s16+$0x14500] =	vst v7;
	v7 =	vld [tilespmem:s16+$0x8550]  }
.LBB2_16:
0x26e: {  	p1 =	seq.s32 s18, $0x3F00;
	s19 =	sor.u32 s20, s19;
	[tilespmem:s16+$0x14510] =	vst v6;
	v6 =	vld [tilespmem:s16+$0x8560]  }
0x26f: {  	v8 =	vld [tilespmem:s19+$0x8570];
	[tilespmem:s16+$0x14520] =	vst v3  }
0x270: {  	v3 =	vld [tilespmem:s19+$0x8100];
	[tilespmem:s16+$0x14530] =	vst v4  }
0x271: {  	v4 =	vld [tilespmem:s19+$0x8110];
	[tilespmem:s16+$0x14540] =	vst v5  }
0x272: {  	v5 =	vld [tilespmem:s19+$0x8120];
	[tilespmem:s16+$0x14550] =	vst v7  }
0x273: {  	v7 =	vld [tilespmem:s19+$0x8130];
	[tilespmem:s16+$0x14560] =	vst v6;
	s16 =	smov.u32 s19  }
0x274: {  	v6 =	vld [tilespmem:s16+$0x8140];
	[tilespmem:s16+$0x14570] =	vst v8  }
0x275: {  	[tilespmem:s16+$0x14100] =	vst v3;
	v3 =	vld [tilespmem:s16+$0x8150]  }
0x276: {  	[tilespmem:s16+$0x14110] =	vst v4;
	v4 =	vld [tilespmem:s16+$0x8160]  }
0x277: {  	[tilespmem:s16+$0x14120] =	vst v5;
	v5 =	vld [tilespmem:s16+$0x8170]  }
0x278: {  	[tilespmem:s16+$0x14130] =	vst v7;
	v7 =	vld [tilespmem:s16+$0x8500]  }
.Ltmp15:
0x279: {  	[tilespmem:s16+$0x14140] =	vst v6;
	v6 =	vld [tilespmem:s16+$0x8510];
	(pc) =	sbr.rel @!p1 .LBB2_16-.Ltmp15, $4  }
0x27a: {  	[tilespmem:s16+$0x14150] =	vst v3;
	v3 =	vld [tilespmem:s16+$0x8520]  }
0x27b: {  	[tilespmem:s16+$0x14160] =	vst v4;
	v4 =	vld [tilespmem:s16+$0x8530]  }
0x27c: {  	s17 =	sadd.s32 $0x80, s17;
	[tilespmem:s16+$0x14170] =	vst v5;
	v5 =	vld [tilespmem:s16+$0x8540]  }
0x27d: {  	s20 =	sand.u32 $0x380, s17;
	s19 =	sand.u32 $0x3800, s18;
	s18 =	sadd.s32 $0x100, s18;
	[tilespmem:s16+$0x14500] =	vst v7;
	v7 =	vld [tilespmem:s16+$0x8550]  }
.Ltmp16:
0x27e: {  	_ = 	snop;
	(pc) =	sbr.rel .LBB2_17-.Ltmp16, $1  }
0x27f: {  	_ =	sdelay $0x3  }
.LBB2_23:
0x280: {  	s14 =	simm.s32 $0x0;
	s15 =	rddreg [dreg:$0x5];
	s21 =	simm.s32 $0x9  }
0x281: {  	[tilespmem:s14], [sflag:$0x9] =	stream.linear.gather [hbm4b:s15+s14], $0x80, $0x38;
	[tilespmem:$0x18100] =	vst v63  }
0x282: {  	_ =	swait.ge [sflag:s21], $0x80  }
0x283: {  	[sflag:s21] =	ssyncset.done $0x0  }
0x284: {  	[sflag:s21] =	ssyncadd.s32 $0xFFFFFF80  }
0x285: {  	v3 =	vld [tilespmem:$0x0];
	_ =	sdelay $0x4  }
0x286: {  	v4 =	vshll.u32 v3, $0x1  }
0x287: {  	v3 =	vand.u32 $0x7, v3;
	v4 =	vand.u32 $0xFFFFFFF0, v4  }
0x288: {  	v3 =	vor.u32 v3, v4  }
0x289: {  	v4 =	vperm.xlane v3, v0;
	_ =	sdelay $0x1  }
0x28a: {  	v3 =	vperm.xlane v3, v2;
	v4 =	vadd.s32 v1, v4;
	_ =	sdelay $0x1  }
0x28b: {  	v3 =	vadd.s32 v1, v3;
	_ =	sdelay $0x1  }
0x28c: {  	s24 =	simm.s32 $0x100  }
0x28d: {  	[tilespmem:s24], [sflag:$0x1] =	stream.indirect_vreg.gather [hbm4b:s2+s14], $0x80, v4, vm0, $0xb8;
	[tilespmem:$0x18100] =	vst v63  }
0x28e: {  	s25 =	simm.s32 $0x900  }
0x28f: {  	[tilespmem:s25], [sflag:$0x1] =	stream.indirect_vreg.gather [hbm4b:s2+s14], $0x80, v3, vm0, $0xb8;
	[tilespmem:$0x18100] =	vst v63  }
0x290: {  	v3 =	vld [tilespmem:$0x10];
	_ =	sdelay $0x4  }
0x291: {  	v4 =	vshll.u32 v3, $0x1  }
0x292: {  	v3 =	vand.u32 $0x7, v3;
	v4 =	vand.u32 $0xFFFFFFF0, v4  }
0x293: {  	v3 =	vor.u32 v3, v4  }
0x294: {  	v4 =	vperm.xlane v3, v0;
	_ =	sdelay $0x1  }
0x295: {  	v3 =	vperm.xlane v3, v2;
	v4 =	vadd.s32 v1, v4;
	_ =	sdelay $0x1  }
0x296: {  	v3 =	vadd.s32 v1, v3;
	_ =	sdelay $0x1  }
0x297: {  	s16 =	simm.s32 $0x1100  }
0x298: {  	[tilespmem:s16], [sflag:$0x1] =	stream.indirect_vreg.gather [hbm4b:s2+s14], $0x80, v4, vm0, $0xb8;
	[tilespmem:$0x18100] =	vst v63  }
0x299: {  	s17 =	simm.s32 $0x1900  }
0x29a: {  	[tilespmem:s17], [sflag:$0x1] =	stream.indirect_vreg.gather [hbm4b:s2+s14], $0x80, v3, vm0, $0xb8;
	[tilespmem:$0x18100] =	vst v63  }
0x29b: {  	v3 =	vld [tilespmem:$0x20];
	_ =	sdelay $0x4  }
0x29c: {  	v4 =	vshll.u32 v3, $0x1  }
0x29d: {  	v3 =	vand.u32 $0x7, v3;
	v4 =	vand.u32 $0xFFFFFFF0, v4  }
0x29e: {  	v3 =	vor.u32 v3, v4  }
0x29f: {  	v4 =	vperm.xlane v3, v0;
	_ =	sdelay $0x1  }
0x2a0: {  	v3 =	vperm.xlane v3, v2;
	v4 =	vadd.s32 v1, v4;
	_ =	sdelay $0x1  }
0x2a1: {  	v3 =	vadd.s32 v1, v3;
	_ =	sdelay $0x1  }
0x2a2: {  	s18 =	simm.s32 $0x2100  }
0x2a3: {  	[tilespmem:s18], [sflag:$0x1] =	stream.indirect_vreg.gather [hbm4b:s2+s14], $0x80, v4, vm0, $0xb8;
	[tilespmem:$0x18100] =	vst v63  }
0x2a4: {  	s19 =	simm.s32 $0x2900  }
0x2a5: {  	[tilespmem:s19], [sflag:$0x1] =	stream.indirect_vreg.gather [hbm4b:s2+s14], $0x80, v3, vm0, $0xb8;
	[tilespmem:$0x18100] =	vst v63  }
0x2a6: {  	v3 =	vld [tilespmem:$0x30];
	_ =	sdelay $0x4  }
0x2a7: {  	v4 =	vshll.u32 v3, $0x1  }
0x2a8: {  	v3 =	vand.u32 $0x7, v3;
	v4 =	vand.u32 $0xFFFFFFF0, v4  }
0x2a9: {  	v3 =	vor.u32 v3, v4  }
0x2aa: {  	v4 =	vperm.xlane v3, v0;
	_ =	sdelay $0x1  }
0x2ab: {  	v3 =	vperm.xlane v3, v2;
	v4 =	vadd.s32 v1, v4;
	_ =	sdelay $0x1  }
0x2ac: {  	v3 =	vadd.s32 v1, v3;
	_ =	sdelay $0x1  }
0x2ad: {  	s20 =	simm.s32 $0x3100  }
0x2ae: {  	[tilespmem:s20], [sflag:$0x1] =	stream.indirect_vreg.gather [hbm4b:s2+s14], $0x80, v4, vm0, $0xb8;
	[tilespmem:$0x18100] =	vst v63  }
0x2af: {  	s21 =	simm.s32 $0x3900  }
0x2b0: {  	[tilespmem:s21], [sflag:$0x1] =	stream.indirect_vreg.gather [hbm4b:s2+s14], $0x80, v3, vm0, $0xb8;
	[tilespmem:$0x18100] =	vst v63  }
0x2b1: {  	v3 =	vld [tilespmem:$0x40];
	_ =	sdelay $0x4  }
0x2b2: {  	v4 =	vshll.u32 v3, $0x1  }
0x2b3: {  	v3 =	vand.u32 $0x7, v3;
	v4 =	vand.u32 $0xFFFFFFF0, v4  }
0x2b4: {  	v3 =	vor.u32 v3, v4  }
0x2b5: {  	v4 =	vperm.xlane v3, v0;
	_ =	sdelay $0x1  }
0x2b6: {  	v3 =	vperm.xlane v3, v2;
	v4 =	vadd.s32 v1, v4;
	_ =	sdelay $0x1  }
0x2b7: {  	v3 =	vadd.s32 v1, v3;
	_ =	sdelay $0x1  }
0x2b8: {  	s24 =	simm.s32 $0x4100  }
0x2b9: {  	[tilespmem:s24], [sflag:$0x7] =	stream.indirect_vreg.gather [hbm4b:s2+s14], $0x80, v4, vm0, $0xb8;
	[tilespmem:$0x18100] =	vst v63  }
0x2ba: {  	s25 =	simm.s32 $0x4900  }
0x2bb: {  	[tilespmem:s25], [sflag:$0x7] =	stream.indirect_vreg.gather [hbm4b:s2+s14], $0x80, v3, vm0, $0xb8;
	[tilespmem:$0x18100] =	vst v63  }
0x2bc: {  	v3 =	vld [tilespmem:$0x50];
	_ =	sdelay $0x4  }
0x2bd: {  	v4 =	vshll.u32 v3, $0x1  }
0x2be: {  	v3 =	vand.u32 $0x7, v3;
	v4 =	vand.u32 $0xFFFFFFF0, v4  }
0x2bf: {  	v3 =	vor.u32 v3, v4  }
0x2c0: {  	v4 =	vperm.xlane v3, v0;
	_ =	sdelay $0x1  }
0x2c1: {  	v3 =	vperm.xlane v3, v2;
	v4 =	vadd.s32 v1, v4;
	_ =	sdelay $0x1  }
0x2c2: {  	v3 =	vadd.s32 v1, v3;
	_ =	sdelay $0x1  }
0x2c3: {  	s16 =	simm.s32 $0x5100  }
0x2c4: {  	[tilespmem:s16], [sflag:$0x7] =	stream.indirect_vreg.gather [hbm4b:s2+s14], $0x80, v4, vm0, $0xb8;
	[tilespmem:$0x18100] =	vst v63  }
0x2c5: {  	s17 =	simm.s32 $0x5900  }
0x2c6: {  	[tilespmem:s17], [sflag:$0x7] =	stream.indirect_vreg.gather [hbm4b:s2+s14], $0x80, v3, vm0, $0xb8;
	[tilespmem:$0x18100] =	vst v63  }
0x2c7: {  	v3 =	vld [tilespmem:$0x60];
	_ =	sdelay $0x4  }
0x2c8: {  	v4 =	vshll.u32 v3, $0x1  }
0x2c9: {  	v3 =	vand.u32 $0x7, v3;
	v4 =	vand.u32 $0xFFFFFFF0, v4  }
0x2ca: {  	v3 =	vor.u32 v3, v4  }
0x2cb: {  	v4 =	vperm.xlane v3, v0;
	_ =	sdelay $0x1  }
0x2cc: {  	v3 =	vperm.xlane v3, v2;
	v4 =	vadd.s32 v1, v4;
	_ =	sdelay $0x1  }
0x2cd: {  	v3 =	vadd.s32 v1, v3;
	_ =	sdelay $0x1  }
0x2ce: {  	s18 =	simm.s32 $0x6100  }
0x2cf: {  	[tilespmem:s18], [sflag:$0x7] =	stream.indirect_vreg.gather [hbm4b:s2+s14], $0x80, v4, vm0, $0xb8;
	[tilespmem:$0x18100] =	vst v63  }
0x2d0: {  	s19 =	simm.s32 $0x6900  }
0x2d1: {  	[tilespmem:s19], [sflag:$0x7] =	stream.indirect_vreg.gather [hbm4b:s2+s14], $0x80, v3, vm0, $0xb8;
	[tilespmem:$0x18100] =	vst v63  }
0x2d2: {  	v3 =	vld [tilespmem:$0x70];
	_ =	sdelay $0x4  }
0x2d3: {  	v4 =	vshll.u32 v3, $0x1  }
0x2d4: {  	v3 =	vand.u32 $0x7, v3;
	v4 =	vand.u32 $0xFFFFFFF0, v4  }
0x2d5: {  	v3 =	vor.u32 v3, v4  }
0x2d6: {  	v4 =	vperm.xlane v3, v0;
	_ =	sdelay $0x1  }
0x2d7: {  	v3 =	vperm.xlane v3, v2;
	v4 =	vadd.s32 v1, v4;
	_ =	sdelay $0x1  }
0x2d8: {  	v3 =	vadd.s32 v1, v3;
	_ =	sdelay $0x1  }
0x2d9: {  	s20 =	simm.s32 $0x7100  }
0x2da: {  	[tilespmem:s20], [sflag:$0x7] =	stream.indirect_vreg.gather [hbm4b:s2+s14], $0x80, v4, vm0, $0xb8;
	[tilespmem:$0x18100] =	vst v63  }
0x2db: {  	s21 =	simm.s32 $0x7900  }
0x2dc: {  	[tilespmem:s21], [sflag:$0x7] =	stream.indirect_vreg.gather [hbm4b:s2+s14], $0x80, v3, vm0, $0xb8;
	[tilespmem:$0x18100] =	vst v63  }
0x2dd: {  	_ =	swait.ge [sflag:s1], $0x4000  }
0x2de: {  	[sflag:s1] =	ssyncset.done $0x0  }
0x2df: {  	s16 =	simm.s32 $0x7;
	[sflag:s1] =	ssyncadd.s32 $0xFFFFC000  }
0x2e0: {  	_ =	swait.ge [sflag:s16], $0x4000  }
0x2e1: {  	s24 =	sand.u32 $0x3800, s14;
	s14 =	sand.u32 $0x380, s14;
	[sflag:s16] =	ssyncset.done $0x0  }
0x2e2: {  	s14 =	sor.u32 s14, s24;
	[sflag:s16] =	ssyncadd.s32 $0xFFFFC000  }
0x2e3: {  	v3 =	vld [tilespmem:s14+$0x570]  }
0x2e4: {  	v4 =	vld [tilespmem:s14+$0x4570]  }
0x2e5: {  	v5 =	vld [tilespmem:s14+$0x100]  }
0x2e6: {  	v6 =	vld [tilespmem:s14+$0x4100]  }
0x2e7: {  	v7 =	vld [tilespmem:s14+$0x110]  }
0x2e8: {  	v8 =	vld [tilespmem:s14+$0x4110]  }
0x2e9: {  	v9 =	vld [tilespmem:s14+$0x120]  }
0x2ea: {  	v10 =	vld [tilespmem:s14+$0x130];
	v3 =	vadd.f32 v4, v3  }
0x2eb: {  	v11 =	vld [tilespmem:s14+$0x140];
	v5 =	vadd.f32 v6, v5  }
0x2ec: {  	v4 =	vld [tilespmem:s14+$0x4120];
	v3 =	vmul.f32 $5.000000000e-01, v3  }
0x2ed: {  	v6 =	vld [tilespmem:s14+$0x4130];
	v5 =	vmul.f32 $5.000000000e-01, v5  }
0x2ee: {  	[tilespmem:s14+$0x10570] =	vst v3;
	v3 =	vadd.f32 v8, v7;
	v7 =	vld [tilespmem:s14+$0x4140]  }
0x2ef: {  	[tilespmem:s14+$0x10100] =	vst v5;
	v5 =	vld [tilespmem:s14+$0x150]  }
0x2f0: {  	v8 =	vld [tilespmem:s14+$0x4150]  }
0x2f1: {  	v4 =	vadd.f32 v4, v9;
	v3 =	vmul.f32 $5.000000000e-01, v3  }
0x2f2: {  	v9 =	vld [tilespmem:s14+$0x4160]  }
0x2f3: {  	v6 =	vadd.f32 v6, v10;
	[tilespmem:s14+$0x10110] =	vst v3;
	v3 =	vmul.f32 $5.000000000e-01, v4;
	v4 =	vld [tilespmem:s14+$0x160]  }
0x2f4: {  	v10 =	vld [tilespmem:s14+$0x4170]  }
0x2f5: {  	v7 =	vadd.f32 v7, v11;
	v5 =	vadd.f32 v8, v5;
	v8 =	vld [tilespmem:s14+$0x4500];
	[tilespmem:s14+$0x10120] =	vst v3;
	v3 =	vmul.f32 $5.000000000e-01, v6  }
0x2f6: {  	v6 =	vld [tilespmem:s14+$0x170]  }
0x2f7: {  	[tilespmem:s14+$0x10130] =	vst v3;
	v3 =	vmul.f32 $5.000000000e-01, v7;
	v7 =	vld [tilespmem:s14+$0x500]  }
0x2f8: {  	v4 =	vadd.f32 v9, v4;
	v9 =	vld [tilespmem:s14+$0x4510]  }
0x2f9: {  	[tilespmem:s14+$0x10140] =	vst v3;
	v3 =	vmul.f32 $5.000000000e-01, v5;
	v5 =	vld [tilespmem:s14+$0x510]  }
0x2fa: {  	v11 =	vld [tilespmem:s14+$0x520]  }
0x2fb: {  	[tilespmem:s14+$0x10150] =	vst v3;
	v3 =	vmul.f32 $5.000000000e-01, v4;
	v4 =	vadd.f32 v10, v6;
	v10 =	vld [tilespmem:s14+$0x4520]  }
0x2fc: {  	v12 =	vld [tilespmem:s14+$0x530]  }
0x2fd: {  	[tilespmem:s14+$0x10160] =	vst v3;
	v3 =	vmul.f32 $5.000000000e-01, v4;
	v4 =	vadd.f32 v8, v7;
	v8 =	vld [tilespmem:s14+$0x4530]  }
0x2fe: {  	v6 =	vld [tilespmem:s14+$0x4540];
	v5 =	vadd.f32 v9, v5  }
0x2ff: {  	[tilespmem:s14+$0x10170] =	vst v3;
	v4 =	vmul.f32 $5.000000000e-01, v4;
	v3 =	vld [tilespmem:s14+$0x540]  }
0x300: {  	v7 =	vmul.f32 $5.000000000e-01, v5;
	v5 =	vld [tilespmem:s14+$0x4550];
	v9 =	vadd.f32 v10, v11  }
0x301: {  	s25 =	simm.s32 $0x100;
	s16 =	simm.s32 $0x80;
	[tilespmem:s14+$0x10500] =	vst v4;
	v4 =	vld [tilespmem:s14+$0x550]  }
0x302: {  	s15 =	sand.u32 $0x3800, s25;
	s17 =	sand.u32 $0x380, s16;
	[tilespmem:s14+$0x10510] =	vst v7;
	v7 =	vld [tilespmem:s14+$0x560];
	v9 =	vmul.f32 $5.000000000e-01, v9;
	v10 =	vadd.f32 v8, v12  }
0x303: {  	s15 =	sor.u32 s17, s15;
	s17 =	simm.s32 $0x200;
	v8 =	vld [tilespmem:s14+$0x4560]  }
.LBB2_24:
0x304: {  	p1 =	sne.s32 s17, $0x3F00;
	v11 =	vld [tilespmem:s15+$0x570];
	[tilespmem:s14+$0x10520] =	vst v9;
	v9 =	vmul.f32 $5.000000000e-01, v10;
	v3 =	vadd.f32 v6, v3  }
0x305: {  	v6 =	vld [tilespmem:s15+$0x4570]  }
0x306: {  	v10 =	vld [tilespmem:s15+$0x100];
	[tilespmem:s14+$0x10530] =	vst v9;
	v3 =	vmul.f32 $5.000000000e-01, v3;
	v4 =	vadd.f32 v5, v4  }
0x307: {  	v5 =	vld [tilespmem:s15+$0x4100]  }
0x308: {  	v9 =	vld [tilespmem:s15+$0x110];
	[tilespmem:s14+$0x10540] =	vst v3;
	v3 =	vmul.f32 $5.000000000e-01, v4;
	v4 =	vadd.f32 v8, v7  }
0x309: {  	v7 =	vld [tilespmem:s15+$0x4110]  }
0x30a: {  	v8 =	vld [tilespmem:s15+$0x120];
	v6 =	vadd.f32 v6, v11;
	[tilespmem:s14+$0x10550] =	vst v3;
	v3 =	vmul.f32 $5.000000000e-01, v4  }
0x30b: {  	v4 =	vld [tilespmem:s15+$0x4120]  }
0x30c: {  	v5 =	vadd.f32 v5, v10;
	v10 =	vld [tilespmem:s15+$0x130];
	v6 =	vmul.f32 $5.000000000e-01, v6;
	[tilespmem:s14+$0x10560] =	vst v3;
	s14 =	smov.u32 s15  }
0x30d: {  	v3 =	vld [tilespmem:s14+$0x4130]  }
0x30e: {  	v5 =	vmul.f32 $5.000000000e-01, v5;
	v7 =	vadd.f32 v7, v9;
	v9 =	vld [tilespmem:s14+$0x140];
	[tilespmem:s14+$0x10570] =	vst v6  }
0x30f: {  	v6 =	vld [tilespmem:s14+$0x4140]  }
0x310: {  	[tilespmem:s14+$0x10100] =	vst v5;
	v5 =	vmul.f32 $5.000000000e-01, v7;
	v4 =	vadd.f32 v4, v8;
	v7 =	vld [tilespmem:s14+$0x150]  }
0x311: {  	v8 =	vld [tilespmem:s14+$0x4150]  }
0x312: {  	[tilespmem:s14+$0x10110] =	vst v5;
	v4 =	vmul.f32 $5.000000000e-01, v4;
	v3 =	vadd.f32 v3, v10;
	v5 =	vld [tilespmem:s14+$0x160]  }
0x313: {  	v10 =	vld [tilespmem:s14+$0x4160]  }
0x314: {  	[tilespmem:s14+$0x10120] =	vst v4;
	v3 =	vmul.f32 $5.000000000e-01, v3;
	v4 =	vadd.f32 v6, v9;
	v6 =	vld [tilespmem:s14+$0x170]  }
0x315: {  	v9 =	vld [tilespmem:s14+$0x4170]  }
0x316: {  	[tilespmem:s14+$0x10130] =	vst v3;
	v3 =	vmul.f32 $5.000000000e-01, v4;
	v4 =	vadd.f32 v8, v7;
	v7 =	vld [tilespmem:s14+$0x500]  }
0x317: {  	v8 =	vld [tilespmem:s14+$0x4500]  }
0x318: {  	[tilespmem:s14+$0x10140] =	vst v3;
	v3 =	vmul.f32 $5.000000000e-01, v4;
	v4 =	vadd.f32 v10, v5;
	v5 =	vld [tilespmem:s14+$0x510]  }
0x319: {  	v10 =	vld [tilespmem:s14+$0x4510]  }
0x31a: {  	[tilespmem:s14+$0x10150] =	vst v3;
	v3 =	vmul.f32 $5.000000000e-01, v4;
	v4 =	vadd.f32 v9, v6;
	v9 =	vld [tilespmem:s14+$0x520]  }
0x31b: {  	v11 =	vld [tilespmem:s14+$0x4520]  }
0x31c: {  	[tilespmem:s14+$0x10160] =	vst v3;
	v3 =	vmul.f32 $5.000000000e-01, v4;
	v4 =	vadd.f32 v8, v7;
	v7 =	vld [tilespmem:s14+$0x530]  }
0x31d: {  	v8 =	vld [tilespmem:s14+$0x4530]  }
0x31e: {  	[tilespmem:s14+$0x10170] =	vst v3;
	v4 =	vmul.f32 $5.000000000e-01, v4;
	v5 =	vadd.f32 v10, v5;
	v3 =	vld [tilespmem:s14+$0x540]  }
.Ltmp17:
0x31f: {  	v6 =	vld [tilespmem:s14+$0x4540];
	(pc) =	sbr.rel @p1 .LBB2_24-.Ltmp17, $4  }
0x320: {  	[tilespmem:s14+$0x10500] =	vst v4;
	v10 =	vmul.f32 $5.000000000e-01, v5;
	v9 =	vadd.f32 v11, v9;
	v4 =	vld [tilespmem:s14+$0x550]  }
0x321: {  	s16 =	sadd.s32 $0x80, s16;
	v5 =	vld [tilespmem:s14+$0x4550]  }
0x322: {  	s18 =	sand.u32 $0x380, s16;
	s15 =	sand.u32 $0x3800, s17;
	[tilespmem:s14+$0x10510] =	vst v10;
	v9 =	vmul.f32 $5.000000000e-01, v9;
	v10 =	vadd.f32 v8, v7;
	v7 =	vld [tilespmem:s14+$0x560]  }
0x323: {  	s17 =	sadd.s32 $0x100, s17;
	s15 =	sor.u32 s18, s15;
	v8 =	vld [tilespmem:s14+$0x4560]  }
0x324: {  	v11 =	vld [tilespmem:s15+$0x570];
	[tilespmem:s14+$0x10520] =	vst v9;
	v32 =	vmul.f32 $5.000000000e-01, v10;
	v3 =	vadd.f32 v6, v3  }
0x325: {  	v33 =	vld [tilespmem:s15+$0x4570]  }
0x326: {  	v34 =	vld [tilespmem:s15+$0x100];
	[tilespmem:s14+$0x10530] =	vst v32;
	v3 =	vmul.f32 $5.000000000e-01, v3;
	v4 =	vadd.f32 v5, v4  }
0x327: {  	v9 =	vld [tilespmem:s15+$0x4100]  }
0x328: {  	v35 =	vld [tilespmem:s15+$0x110];
	[tilespmem:s14+$0x10540] =	vst v3;
	v3 =	vmul.f32 $5.000000000e-01, v4;
	v7 =	vadd.f32 v8, v7  }
0x329: {  	v36 =	vld [tilespmem:s15+$0x4110]  }
0x32a: {  	v37 =	vld [tilespmem:s15+$0x120];
	[tilespmem:s14+$0x10550] =	vst v3;
	v3 =	vmul.f32 $5.000000000e-01, v7  }
0x32b: {  	v38 =	vld [tilespmem:s15+$0x4120]  }
0x32c: {  	v39 =	vld [tilespmem:s15+$0x130];
	[tilespmem:s14+$0x10560] =	vst v3  }
0x32d: {  	v3 =	vadd.f32 v9, v34;
	v41 =	vld [tilespmem:s15+$0x4130]  }
0x32e: {  	v42 =	vld [tilespmem:s15+$0x140]  }
0x32f: {  	v43 =	vld [tilespmem:s15+$0x4140];
	v3 =	vmul.f32 $5.000000000e-01, v3;
	v4 =	vadd.f32 v36, v35  }
0x330: {  	v44 =	vld [tilespmem:s15+$0x150]  }
0x331: {  	v46 =	vld [tilespmem:s15+$0x4150];
	[tilespmem:s15+$0x10100] =	vst v3;
	v3 =	vmul.f32 $5.000000000e-01, v4;
	v45 =	vadd.f32 v38, v37  }
0x332: {  	v47 =	vld [tilespmem:s15+$0x160]  }
0x333: {  	v49 =	vld [tilespmem:s15+$0x4160];
	[tilespmem:s15+$0x10110] =	vst v3;
	v3 =	vmul.f32 $5.000000000e-01, v45;
	v48 =	vadd.f32 v41, v39  }
0x334: {  	v50 =	vld [tilespmem:s15+$0x170]  }
0x335: {  	v51 =	vld [tilespmem:s15+$0x4170];
	v5 =	vadd.f32 v43, v42;
	[tilespmem:s15+$0x10120] =	vst v3;
	v3 =	vmul.f32 $5.000000000e-01, v48  }
0x336: {  	v52 =	vld [tilespmem:s15+$0x500]  }
0x337: {  	v53 =	vld [tilespmem:s15+$0x4500];
	v4 =	vadd.f32 v46, v44;
	[tilespmem:s15+$0x10130] =	vst v3;
	v3 =	vmul.f32 $5.000000000e-01, v5  }
0x338: {  	v54 =	vld [tilespmem:s15+$0x510]  }
0x339: {  	v55 =	vld [tilespmem:s15+$0x4510];
	v6 =	vadd.f32 v49, v47;
	[tilespmem:s15+$0x10140] =	vst v3;
	v3 =	vmul.f32 $5.000000000e-01, v4  }
0x33a: {  	v56 =	vld [tilespmem:s15+$0x520]  }
0x33b: {  	v57 =	vld [tilespmem:s15+$0x4520];
	v8 =	vadd.f32 v51, v50;
	[tilespmem:s15+$0x10150] =	vst v3;
	v3 =	vmul.f32 $5.000000000e-01, v6  }
0x33c: {  	v58 =	vld [tilespmem:s15+$0x530]  }
0x33d: {  	v59 =	vld [tilespmem:s15+$0x4530];
	v5 =	vadd.f32 v53, v52;
	[tilespmem:s15+$0x10160] =	vst v3;
	v3 =	vmul.f32 $5.000000000e-01, v8  }
0x33e: {  	v60 =	vld [tilespmem:s15+$0x540]  }
0x33f: {  	v61 =	vld [tilespmem:s15+$0x4540];
	v4 =	vadd.f32 v55, v54;
	[tilespmem:s15+$0x10170] =	vst v3;
	v3 =	vmul.f32 $5.000000000e-01, v5  }
0x340: {  	v62 =	vld [tilespmem:s15+$0x550]  }
0x341: {  	v63 =	vld [tilespmem:s15+$0x4550];
	[tilespmem:s15+$0x10500] =	vst v3;
	v3 =	vmul.f32 $5.000000000e-01, v4  }
0x342: {  	v12 =	vld [tilespmem:s15+$0x4560]  }
0x343: {  	v10 =	vadd.f32 v33, v11;
	[tilespmem:s15+$0x10510] =	vst v3;
	v3 =	vld [tilespmem:s15+$0x560]  }
0x344: {  	v7 =	vadd.f32 v59, v58  }
0x345: {  	v40 =	vmul.f32 $5.000000000e-01, v10;
	v6 =	vadd.f32 v57, v56  }
0x346: {  	v7 =	vmul.f32 $5.000000000e-01, v7;
	v5 =	vadd.f32 v61, v60  }
0x347: {  	[tilespmem:s15+$0x10570] =	vst v40;
	v6 =	vmul.f32 $5.000000000e-01, v6;
	v4 =	vadd.f32 v63, v62  }
0x348: {  	[tilespmem:s15+$0x10530] =	vst v7;
	v5 =	vmul.f32 $5.000000000e-01, v5;
	v3 =	vadd.f32 v12, v3  }
0x349: {  	[tilespmem:s15+$0x10520] =	vst v6;
	v4 =	vmul.f32 $5.000000000e-01, v4  }
0x34a: {  	[tilespmem:s15+$0x10540] =	vst v5;
	v3 =	vmul.f32 $5.000000000e-01, v3  }
0x34b: {  	[tilespmem:s15+$0x10550] =	vst v4  }
.Ltmp18:
0x34c: {  	s24 =	rddreg [dreg:$0x6];
	s25 =	simm.s32 $0x9;
	[tilespmem:s15+$0x10560] =	vst v3;
	(pc) =	sbr.rel .LBB2_26-.Ltmp18, $4  }
0x34d: {  	[hbm4b:s24+s4] =	stream.linear.scatter [tilespmem:s10], [sflag:$0x9], $0x4000, $0x38;
	[tilespmem:$0x18100] =	vst v63  }
0x34e: {  	_ =	swait.ge [sflag:s25], $0x4000  }
0x34f: {  	[sflag:s25] =	ssyncset.done $0x0  }
0x350: {  	s15 =	rddreg [dreg:$0x8];
	[sflag:s25] =	ssyncadd.s32 $0xFFFFC000  }
.LBB2_27:
0x351: {  	_ =	sfence.sel $0x180000  }
0x352: {  	[bflag:$0x0] =	sbarrier.arrive $0xFFFF  }
0x353: {  	_ =	strace $0x90000047  }
0x354: {  	s0 =	stileid.u32;
	[bflag:$0x2] =	sbarrier.arrive $0xFFFF  }
0x355: {  	p0 =	sne.s32 s0, $0x0;
	s0 =	rddreg [dreg:$0x3]  }
0x356: {  	s0 =	sadd.s32 @!p0 $0x100000, s0  }
0x357: {  	[sflag:s0] =	ssyncadd.tile.s32 @!p0 $0x1;
	_ =	shalt  }
.Lfunc_end2:
_tile_overlayer_lowered:
.L_overlay_start_2:
0x358: {  	(tag) =	ssettag $0x2  }
0x359: {  	s0 =	rddreg [dreg:$0x0];
	s2 =	stileid.u32  }
0x35a: {  	s1 =	rddreg [dreg:$0x1];
	p0 =	sne.s32 s2, $0x0  }
0x35b: {  	s3 =	rddreg [dreg:$0x2];
	[bflag:$0x3] =	sbarrier.arrive $0xFFFF;
	s2 =	simm.s32 @!p0 $0x1C09  }
0x35c: {  	[timem:s3], [sflag:s2] =	dma.local @!p0 [hbm:s0], s1  }
0x35d: {  	s0 =	simm.s32 @!p0 $0x9  }
0x35e: {  	_ =	swait.ge @!p0 [sflag:s0], s1  }
0x35f: {  	s1 =	ssub.s32 @!p0 $0x0, s1;
	[sflag:s0] =	ssyncset.done @!p0 $0x0  }
0x360: {  	[sflag:s0] =	ssyncadd.s32 @!p0 s1  }
0x361: {  	[bflag:$0x3] =	sbarrier.arrive $0xFFFF  }
0x362: {  	_ =	shalt  }

</sc_bundles>
